<compile_context>
chip_gen: v7x
topology: tpu7x:2x2x1
jax: 0.10.2.dev20260603
libtpu: 0.0.44.dev20260713+nightly
codegen_flags: <defaults>
</compile_context>

<pallas_src>
import functools

import jax
import jax.numpy as jnp
from jax import lax
from jax.experimental import pallas as pl
from jax.experimental.pallas import tpu as pltpu
from jax.experimental.pallas import tpu_sc as plsc

N = 10000
E = 320000
D = 128
H = 64
G = 32
C = 10

NC = 2
NS = 16
NW = NC * NS
CHUNK = 120
FAST_C = 0
CNT_F = 88
CNT_S = 80
CH_BASE_S = NS * CNT_F
TOTCH = NS * (CNT_F + CNT_S)
TOTCH_PAD = CH_BASE_S + (NS - 1) * CNT_S + CNT_F
E_PAD = TOTCH_PAD * CHUNK - E
ROWS_A = 624
ROWS_REM = N - NS * ROWS_A

ROW_BLK = 2000
GRID_N = N // ROW_BLK

_BN_SCALE = 1.0 / (1.0 + 1e-5) ** 0.5


def _elu(t):
    return jnp.where(t > 0, t, jnp.exp(jnp.minimum(t, 0.0)) - 1.0)


def _agg_body(y_hbm, srcs_hbm, dsts_hbm, out_hbm, src_v, dst_v, buf0, buf1,
              acc_sh, tbl_sh, gsem, ssem):
    c = lax.axis_index("c")
    s = lax.axis_index("s")
    wid = c * NS + s
    pltpu.sync_copy(y_hbm.at[pl.ds(s * ROWS_A, ROWS_A)],
                    acc_sh.at[pl.ds(s * ROWS_A, ROWS_A)])
    pltpu.sync_copy(y_hbm.at[pl.ds(s * ROWS_A, ROWS_A)],
                    tbl_sh.at[pl.ds(s * ROWS_A, ROWS_A)])

    @pl.when(s == NS - 1)
    def _():
        pltpu.sync_copy(y_hbm.at[pl.ds(NS * ROWS_A, ROWS_REM)],
                        acc_sh.at[pl.ds(NS * ROWS_A, ROWS_REM)])
        pltpu.sync_copy(y_hbm.at[pl.ds(NS * ROWS_A, ROWS_REM)],
                        tbl_sh.at[pl.ds(NS * ROWS_A, ROWS_REM)])
    chunk_off = jnp.where(c == FAST_C, s * CNT_F, CH_BASE_S + s * CNT_S)
    pltpu.sync_copy(srcs_hbm.at[pl.ds(chunk_off, CNT_F)], src_v)
    pltpu.sync_copy(dsts_hbm.at[pl.ds(chunk_off, CNT_F)], dst_v)
    cnt = jnp.where(c == FAST_C, CNT_F, CNT_S)
    plsc.subcore_barrier()

    def g_fire(j, buf):
        pltpu.async_copy(tbl_sh.at[src_v.at[j]], buf, gsem)

    def g_wait(j, buf):
        pltpu.make_async_copy(tbl_sh.at[src_v.at[j]], buf, gsem).wait()

    def s_sync(j, buf):
        pltpu.sync_copy(buf, acc_sh.at[dst_v.at[j]], add=True)

    g_fire(0, buf0)

    def body(t, carry):
        j0 = 2 * t
        j1 = j0 + 1
        g_fire(j1, buf1)
        g_wait(j0, buf0)
        s_sync(j0, buf0)

        @pl.when(t < cnt // 2 - 1)
        def _():
            g_fire(j0 + 2, buf0)
        g_wait(j1, buf1)
        s_sync(j1, buf1)
        return carry

    lax.fori_loop(0, cnt // 2, body, 0)
    plsc.subcore_barrier()
    pltpu.sync_copy(acc_sh.at[pl.ds(s * ROWS_A, ROWS_A)],
                    out_hbm.at[c, pl.ds(s * ROWS_A, ROWS_A)])

    @pl.when(s == NS - 1)
    def _():
        pltpu.sync_copy(acc_sh.at[pl.ds(NS * ROWS_A, ROWS_REM)],
                        out_hbm.at[c, pl.ds(NS * ROWS_A, ROWS_REM)])


def _make_agg():
    mesh = plsc.VectorSubcoreMesh(core_axis_name="c", subcore_axis_name="s",
                                  num_cores=NC, num_subcores=NS)
    return pl.kernel(
        _agg_body,
        out_type=jax.ShapeDtypeStruct((NC, N, H), jnp.float32),
        mesh=mesh,
        scratch_types=[
            pltpu.VMEM((CNT_F, CHUNK), jnp.int32),
            pltpu.VMEM((CNT_F, CHUNK), jnp.int32),
            pltpu.VMEM((CHUNK, H), jnp.float32),
            pltpu.VMEM((CHUNK, H), jnp.float32),
            pltpu.VMEM_SHARED((N + 128, H), jnp.float32),
            pltpu.VMEM_SHARED((N, H), jnp.float32),
            pltpu.SemaphoreType.DMA,
            pltpu.SemaphoreType.DMA,
        ],
        compiler_params=pltpu.CompilerParams(use_tc_tiling_on_sc=False),
    )


_sc_aggregate = _make_agg()


def _head_body(x_ref, w_ref, o_ref):
    o_ref[...] = jnp.dot(x_ref[...], w_ref[...],
                         preferred_element_type=jnp.float32)


def _head_matmul(x, w):
    d_in = x.shape[1]
    return pl.pallas_call(
        _head_body,
        grid=(GRID_N,),
        in_specs=[
            pl.BlockSpec((ROW_BLK, d_in), lambda i: (i, 0)),
            pl.BlockSpec((d_in, H), lambda i: (0, 0)),
        ],
        out_specs=pl.BlockSpec((ROW_BLK, H), lambda i: (i, 0)),
        out_shape=jax.ShapeDtypeStruct((N, H), jnp.float32),
    )(x, w)


def _tail_head_body(p0_ref, p1_ref, y_ref, b1_ref, g_ref, bt_ref, w2_ref,
                    b2_ref, w1n_ref, o_ref, *, use_bn):
    t = p0_ref[0] + p1_ref[0] - y_ref[...] + b1_ref[...]
    if use_bn:
        t = t * (_BN_SCALE * g_ref[...]) + bt_ref[...]
    t = _elu(t)
    t = jnp.dot(t, w2_ref[...], preferred_element_type=jnp.float32)
    z = _elu(t + b2_ref[...])
    o_ref[...] = jnp.dot(z, w1n_ref[...], preferred_element_type=jnp.float32)


def _tail_head(p, y, b1, gamma, beta, w2, b2, w1_next, use_bn):
    row = lambda v: v.reshape(1, H)
    vec_spec = pl.BlockSpec((1, H), lambda i: (0, 0))
    mat_spec = pl.BlockSpec((H, H), lambda i: (0, 0))
    blk_spec = pl.BlockSpec((ROW_BLK, H), lambda i: (i, 0))
    p_spec0 = pl.BlockSpec((1, ROW_BLK, H), lambda i: (0, i, 0))
    p_spec1 = pl.BlockSpec((1, ROW_BLK, H), lambda i: (1, i, 0))
    return pl.pallas_call(
        functools.partial(_tail_head_body, use_bn=use_bn),
        grid=(GRID_N,),
        in_specs=[p_spec0, p_spec1, blk_spec, vec_spec, vec_spec, vec_spec,
                  mat_spec, vec_spec, mat_spec],
        out_specs=blk_spec,
        out_shape=jax.ShapeDtypeStruct((N, H), jnp.float32),
    )(p, p, y, row(b1), row(gamma), row(beta), w2, row(b2), w1_next)


def _final_body(p0_ref, p1_ref, y_ref, b1_ref, w2_ref, b2_ref, batch_ref,
                mw1_ref, mb1_ref, mw2_ref, mb2_ref, mw3_ref, mb3_ref,
                o_ref, acc_ref):
    i = pl.program_id(0)
    t = p0_ref[0] + p1_ref[0] - y_ref[...] + b1_ref[...]
    t = _elu(t)
    t = jnp.dot(t, w2_ref[...], preferred_element_type=jnp.float32)
    z = _elu(t + b2_ref[...])
    b = batch_ref[0, 0, :]
    onehot_t = (lax.broadcasted_iota(jnp.int32, (G, ROW_BLK), 0)
                == b[None, :]).astype(jnp.float32)
    part = jnp.dot(onehot_t, z, preferred_element_type=jnp.float32)

    @pl.when(i == 0)
    def _():
        acc_ref[...] = jnp.zeros_like(acc_ref)

    acc_ref[...] += part

    @pl.when(i == GRID_N - 1)
    def _():
        pooled = acc_ref[...]
        r = _elu(jnp.dot(pooled, mw1_ref[...],
                         preferred_element_type=jnp.float32) + mb1_ref[...])
        r = _elu(jnp.dot(r, mw2_ref[...],
                         preferred_element_type=jnp.float32) + mb2_ref[...])
        o_ref[...] = jnp.dot(r, mw3_ref[...],
                             preferred_element_type=jnp.float32) + mb3_ref[...]


def _final(p, y, b1, w2, b2, batch3, mw1, mb1, mw2, mb2, mw3, mb3):
    vec = lambda v: v.reshape(1, -1)
    vec_spec = lambda n: pl.BlockSpec((1, n), lambda i: (0, 0))
    mat_spec = lambda m, n: pl.BlockSpec((m, n), lambda i: (0, 0))
    blk_spec = pl.BlockSpec((ROW_BLK, H), lambda i: (i, 0))
    return pl.pallas_call(
        _final_body,
        grid=(GRID_N,),
        in_specs=[
            pl.BlockSpec((1, ROW_BLK, H), lambda i: (0, i, 0)),
            pl.BlockSpec((1, ROW_BLK, H), lambda i: (1, i, 0)),
            blk_spec,
            vec_spec(H), mat_spec(H, H), vec_spec(H),
            pl.BlockSpec((1, 1, ROW_BLK), lambda i: (i, 0, 0)),
            mat_spec(H, H), vec_spec(H),
            mat_spec(H, H // 2), vec_spec(H // 2),
            mat_spec(H // 2, C), vec_spec(C),
        ],
        out_specs=pl.BlockSpec((G, C), lambda i: (0, 0)),
        out_shape=jax.ShapeDtypeStruct((G, C), jnp.float32),
        scratch_shapes=[pltpu.VMEM((G, H), jnp.float32)],
    )(p, p, y, vec(b1), w2, vec(b2), batch3, mw1, vec(mb1), mw2, vec(mb2),
      mw3, vec(mb3))


def kernel(x, edge_index, batch,
           pre0_w1, pre0_b1, pre0_gamma, pre0_beta, pre0_w2, pre0_b2,
           pre1_w1, pre1_b1, pre1_gamma, pre1_beta, pre1_w2, pre1_b2,
           post0_w1, post0_b1, post0_w2, post0_b2,
           mlp_w1, mlp_b1, mlp_w2, mlp_b2, mlp_w3, mlp_b3):
    pad_dst = N + (jnp.arange(E_PAD, dtype=jnp.int32) % 128)
    srcs = jnp.concatenate(
        [edge_index[0], jnp.zeros((E_PAD,), jnp.int32)]).reshape(TOTCH_PAD, CHUNK)
    dsts = jnp.concatenate([edge_index[1], pad_dst]).reshape(TOTCH_PAD, CHUNK)
    batch3 = batch.reshape(GRID_N, 1, ROW_BLK)

    y0 = _head_matmul(x, pre0_w1)
    p0 = _sc_aggregate(y0, srcs, dsts)
    y1 = _tail_head(p0, y0, pre0_b1, pre0_gamma, pre0_beta, pre0_w2, pre0_b2,
                    pre1_w1, use_bn=True)
    p1 = _sc_aggregate(y1, srcs, dsts)
    y2 = _tail_head(p1, y1, pre1_b1, pre1_gamma, pre1_beta, pre1_w2, pre1_b2,
                    post0_w1, use_bn=True)
    p2 = _sc_aggregate(y2, srcs, dsts)
    out = _final(p2, y2, post0_b1, post0_w2, post0_b2, batch3,
                 mlp_w1, mlp_b1, mlp_w2, mlp_b2, mlp_w3, mlp_b3)
    return (out, edge_index, batch)

# --- scband reference (transcript-rebuilt; emitter-appended) ---
"""Pipeline reference for scband-classification-model-19241453486537 (READ-ONLY COPY).

The authoritative reference and input builder live on the scoring server;
editing this copy changes nothing except your own understanding.
"""

import jax, jax.numpy as jnp
import numpy as np

N = 10000
E = 320000
D = 128
H = 64
G = 32
C = 10

def _lin(key, fan_in, fan_out):
    w = jax.random.normal(key, (fan_in, fan_out), dtype=jnp.float32) / np.sqrt(fan_in)
    b = jnp.zeros((fan_out,), dtype=jnp.float32)
    return w, b

def setup_inputs(seed: int = 0):
    key = jax.random.key(seed)
    ks = jax.random.split(key, 16)
    inp = {}
    inp["x"] = jax.random.normal(ks[0], (N, D), dtype=jnp.float32)
    inp["edge_index"] = jax.random.randint(ks[1], (2, E), 0, N, dtype=jnp.int32)
    inp["batch"] = jnp.sort(jax.random.randint(ks[2], (N,), 0, G, dtype=jnp.int32))
    inp["pre0_w1"], inp["pre0_b1"] = _lin(ks[3], D, H)
    inp["pre0_gamma"] = jnp.ones((H,), jnp.float32)
    inp["pre0_beta"] = jnp.zeros((H,), jnp.float32)
    inp["pre0_w2"], inp["pre0_b2"] = _lin(ks[4], H, H)
    inp["pre1_w1"], inp["pre1_b1"] = _lin(ks[5], H, H)
    inp["pre1_gamma"] = jnp.ones((H,), jnp.float32)
    inp["pre1_beta"] = jnp.zeros((H,), jnp.float32)
    inp["pre1_w2"], inp["pre1_b2"] = _lin(ks[6], H, H)
    inp["post0_w1"], inp["post0_b1"] = _lin(ks[7], H, H)
    inp["post0_w2"], inp["post0_b2"] = _lin(ks[8], H, H)
    inp["mlp_w1"], inp["mlp_b1"] = _lin(ks[9], H, H)
    inp["mlp_w2"], inp["mlp_b2"] = _lin(ks[10], H, H // 2)
    inp["mlp_w3"], inp["mlp_b3"] = _lin(ks[11], H // 2, C)
    return inp

def _gin(x, edge_index, w1, b1, w2, b2, gamma=None, beta=None):
    # GINConv (eps=0): nn(x + sum_{j in N(i)} x_j), nn = MLP [in, H, H]
    src = edge_index[0]
    dst = edge_index[1]
    agg = jnp.zeros((x.shape[0], x.shape[1]), x.dtype).at[dst].add(x[src])
    h = x + agg
    h = h @ w1 + b1
    if gamma is not None:
        # eval-mode BatchNorm with init running stats (mean=0, var=1), eps=1e-5
        h = h / jnp.sqrt(1.0 + 1e-05) * gamma + beta
    h = jax.nn.elu(h)
    h = h @ w2 + b2
    return h

def reference(x, edge_index, batch, pre0_w1, pre0_b1, pre0_gamma, pre0_beta, pre0_w2, pre0_b2, pre1_w1, pre1_b1, pre1_gamma, pre1_beta, pre1_w2, pre1_b2, post0_w1, post0_b1, post0_w2, post0_b2, mlp_w1, mlp_b1, mlp_w2, mlp_b2, mlp_w3, mlp_b3):
    h = jax.nn.elu(_gin(x, edge_index, pre0_w1, pre0_b1, pre0_w2, pre0_b2, pre0_gamma, pre0_beta))
    h = jax.nn.elu(_gin(h, edge_index, pre1_w1, pre1_b1, pre1_w2, pre1_b2, pre1_gamma, pre1_beta))
    h = jax.nn.elu(_gin(h, edge_index, post0_w1, post0_b1, post0_w2, post0_b2))
    pooled = jax.ops.segment_sum(h, batch, num_segments=G)
    # readout MLP [H, H, H//2, C], norm=None, dropout inactive (eval)
    r = jax.nn.elu(pooled @ mlp_w1 + mlp_b1)
    r = jax.nn.elu(r @ mlp_w2 + mlp_b2)
    out = r @ mlp_w3 + mlp_b3
    return (out, edge_index, batch)

if __name__ == "__main__":
    import jax
    _d = setup_inputs()
    print(jax.jit(kernel)(*tuple(_d.values())))

</pallas_src>

<mosaic_0001>
#map = affine_map<(d0, d1) -> (0, 0)>
#map1 = affine_map<(d0, d1) -> (0, 0, 0)>
module attributes {stable_mosaic.version = 14 : i64} {
  func.func @_agg_body(%arg0: i32, %arg1: i32, %arg2: memref<10000x64xf32, #tpu.memory_space<hbm>>, %arg3: memref<2696x120xi32, #tpu.memory_space<hbm>>, %arg4: memref<2696x120xi32, #tpu.memory_space<hbm>>, %arg5: memref<2x10000x64xf32, #tpu.memory_space<hbm>>, %arg6: memref<88x120xi32, #tpu.memory_space<vmem>>, %arg7: memref<88x120xi32, #tpu.memory_space<vmem>>, %arg8: memref<120x64xf32, #tpu.memory_space<vmem>>, %arg9: memref<120x64xf32, #tpu.memory_space<vmem>>, %arg10: memref<10128x64xf32, #tpu.memory_space<vmem_shared>>, %arg11: memref<10000x64xf32, #tpu.memory_space<vmem_shared>>, %arg12: memref<!tpu.dma_semaphore, #tpu.memory_space<semaphore_mem>>, %arg13: memref<!tpu.dma_semaphore, #tpu.memory_space<semaphore_mem>>) attributes {dimension_semantics = [#tpu.dimension_semantics<core_parallel>, #tpu.dimension_semantics<subcore_parallel>], iteration_bounds = array<i64: 2, 16>, scalar_prefetch = 0 : i64, scratch_operands = 8 : i64, tpu.core_type = #tpu.core_type<sc_vector_subcore>, window_params = [{transform_indices = #map}, {transform_indices = #map}, {transform_indices = #map}, {transform_indices = #map1}]} {
    %mul3A = arith.constant 16 : i32
    %mul3A_0 = arith.muli %arg0, %mul3A : i32
    %add3A = arith.addi %mul3A_0, %arg1 : i32
    %mul3A_1 = arith.constant 624 : i32
    %mul3A_2 = arith.muli %arg1, %mul3A_1 : i32
    %mul3A_3 = arith.constant 624 : i32
    %mul3A_4 = arith.muli %arg1, %mul3A_3 : i32
    "tpu.region"() ({
      %run_scoped3A = tpu.sem_alloc : memref<!tpu.dma_semaphore, #tpu.memory_space<semaphore_mem>>
      %dma_start3A_66 = arith.constant 0 : i32
      %dma_start3A_67 = tpu.memref_slice %arg10[%mul3A_4, %dma_start3A_66] : memref<10128x64xf32, #tpu.memory_space<vmem_shared>> -> memref<624x64xf32, #tpu.memory_space<vmem_shared>>
      %dma_start3A_68 = arith.constant 0 : i32
      %dma_start3A_69 = tpu.memref_slice %arg2[%mul3A_2, %dma_start3A_68] : memref<10000x64xf32, #tpu.memory_space<hbm>> -> memref<624x64xf32, #tpu.memory_space<hbm>>
      tpu.enqueue_dma source(%dma_start3A_69 : memref<624x64xf32, #tpu.memory_space<hbm>>) target(%dma_start3A_67 : memref<624x64xf32, #tpu.memory_space<vmem_shared>>) target_semaphore(%run_scoped3A : memref<!tpu.dma_semaphore, #tpu.memory_space<semaphore_mem>>)
      %dma_wait3A = arith.constant 0 : i32
      %dma_wait3A_70 = tpu.memref_slice %arg10[%mul3A_4, %dma_wait3A] : memref<10128x64xf32, #tpu.memory_space<vmem_shared>> -> memref<624x64xf32, #tpu.memory_space<vmem_shared>>
      %dma_wait3A_71 = arith.constant 0 : i32
      %dma_wait3A_72 = tpu.memref_slice %arg2[%mul3A_2, %dma_wait3A_71] : memref<10000x64xf32, #tpu.memory_space<hbm>> -> memref<624x64xf32, #tpu.memory_space<hbm>>
      tpu.wait_dma2 semaphore(%run_scoped3A : memref<!tpu.dma_semaphore, #tpu.memory_space<semaphore_mem>>) src(%dma_wait3A_72 : memref<624x64xf32, #tpu.memory_space<hbm>>) dst(%dma_wait3A_70 : memref<624x64xf32, #tpu.memory_space<vmem_shared>>)
      tpu.yield
    }) : () -> ()
    %mul3A_5 = arith.constant 624 : i32
    %mul3A_6 = arith.muli %arg1, %mul3A_5 : i32
    %mul3A_7 = arith.constant 624 : i32
    %mul3A_8 = arith.muli %arg1, %mul3A_7 : i32
    "tpu.region"() ({
      %run_scoped3A = tpu.sem_alloc : memref<!tpu.dma_semaphore, #tpu.memory_space<semaphore_mem>>
      %dma_start3A_66 = arith.constant 0 : i32
      %dma_start3A_67 = tpu.memref_slice %arg11[%mul3A_8, %dma_start3A_66] : memref<10000x64xf32, #tpu.memory_space<vmem_shared>> -> memref<624x64xf32, #tpu.memory_space<vmem_shared>>
      %dma_start3A_68 = arith.constant 0 : i32
      %dma_start3A_69 = tpu.memref_slice %arg2[%mul3A_6, %dma_start3A_68] : memref<10000x64xf32, #tpu.memory_space<hbm>> -> memref<624x64xf32, #tpu.memory_space<hbm>>
      tpu.enqueue_dma source(%dma_start3A_69 : memref<624x64xf32, #tpu.memory_space<hbm>>) target(%dma_start3A_67 : memref<624x64xf32, #tpu.memory_space<vmem_shared>>) target_semaphore(%run_scoped3A : memref<!tpu.dma_semaphore, #tpu.memory_space<semaphore_mem>>)
      %dma_wait3A = arith.constant 0 : i32
      %dma_wait3A_70 = tpu.memref_slice %arg11[%mul3A_8, %dma_wait3A] : memref<10000x64xf32, #tpu.memory_space<vmem_shared>> -> memref<624x64xf32, #tpu.memory_space<vmem_shared>>
      %dma_wait3A_71 = arith.constant 0 : i32
      %dma_wait3A_72 = tpu.memref_slice %arg2[%mul3A_6, %dma_wait3A_71] : memref<10000x64xf32, #tpu.memory_space<hbm>> -> memref<624x64xf32, #tpu.memory_space<hbm>>
      tpu.wait_dma2 semaphore(%run_scoped3A : memref<!tpu.dma_semaphore, #tpu.memory_space<semaphore_mem>>) src(%dma_wait3A_72 : memref<624x64xf32, #tpu.memory_space<hbm>>) dst(%dma_wait3A_70 : memref<624x64xf32, #tpu.memory_space<vmem_shared>>)
      tpu.yield
    }) : () -> ()
    %eq3A = arith.constant 15 : i32
    %eq3A_9 = arith.cmpi eq, %arg1, %eq3A : i32
    %convert_element_type3A = arith.extui %eq3A_9 : i1 to i32
    %cond3A = arith.constant 0 : i32
    %cond3A_10 = arith.cmpi ne, %convert_element_type3A, %cond3A : i32
    scf.if %cond3A_10 {
      "tpu.region"() ({
        %run_scoped3A = tpu.sem_alloc : memref<!tpu.dma_semaphore, #tpu.memory_space<semaphore_mem>>
        %dma_start3A_66 = arith.constant 9984 : i32
        %dma_start3A_67 = arith.constant 0 : i32
        %dma_start3A_68 = tpu.memref_slice %arg10[%dma_start3A_66, %dma_start3A_67] : memref<10128x64xf32, #tpu.memory_space<vmem_shared>> -> memref<16x64xf32, #tpu.memory_space<vmem_shared>>
        %dma_start3A_69 = arith.constant 9984 : i32
        %dma_start3A_70 = arith.constant 0 : i32
        %dma_start3A_71 = tpu.memref_slice %arg2[%dma_start3A_69, %dma_start3A_70] : memref<10000x64xf32, #tpu.memory_space<hbm>> -> memref<16x64xf32, #tpu.memory_space<hbm>>
        tpu.enqueue_dma source(%dma_start3A_71 : memref<16x64xf32, #tpu.memory_space<hbm>>) target(%dma_start3A_68 : memref<16x64xf32, #tpu.memory_space<vmem_shared>>) target_semaphore(%run_scoped3A : memref<!tpu.dma_semaphore, #tpu.memory_space<semaphore_mem>>)
        %dma_wait3A = arith.constant 9984 : i32
        %dma_wait3A_72 = arith.constant 0 : i32
        %dma_wait3A_73 = tpu.memref_slice %arg10[%dma_wait3A, %dma_wait3A_72] : memref<10128x64xf32, #tpu.memory_space<vmem_shared>> -> memref<16x64xf32, #tpu.memory_space<vmem_shared>>
        %dma_wait3A_74 = arith.constant 9984 : i32
        %dma_wait3A_75 = arith.constant 0 : i32
        %dma_wait3A_76 = tpu.memref_slice %arg2[%dma_wait3A_74, %dma_wait3A_75] : memref<10000x64xf32, #tpu.memory_space<hbm>> -> memref<16x64xf32, #tpu.memory_space<hbm>>
        tpu.wait_dma2 semaphore(%run_scoped3A : memref<!tpu.dma_semaphore, #tpu.memory_space<semaphore_mem>>) src(%dma_wait3A_76 : memref<16x64xf32, #tpu.memory_space<hbm>>) dst(%dma_wait3A_73 : memref<16x64xf32, #tpu.memory_space<vmem_shared>>)
        tpu.yield
      }) : () -> ()
      "tpu.region"() ({
        %run_scoped3A = tpu.sem_alloc : memref<!tpu.dma_semaphore, #tpu.memory_space<semaphore_mem>>
        %dma_start3A_66 = arith.constant 9984 : i32
        %dma_start3A_67 = arith.constant 0 : i32
        %dma_start3A_68 = tpu.memref_slice %arg11[%dma_start3A_66, %dma_start3A_67] : memref<10000x64xf32, #tpu.memory_space<vmem_shared>> -> memref<16x64xf32, #tpu.memory_space<vmem_shared>>
        %dma_start3A_69 = arith.constant 9984 : i32
        %dma_start3A_70 = arith.constant 0 : i32
        %dma_start3A_71 = tpu.memref_slice %arg2[%dma_start3A_69, %dma_start3A_70] : memref<10000x64xf32, #tpu.memory_space<hbm>> -> memref<16x64xf32, #tpu.memory_space<hbm>>
        tpu.enqueue_dma source(%dma_start3A_71 : memref<16x64xf32, #tpu.memory_space<hbm>>) target(%dma_start3A_68 : memref<16x64xf32, #tpu.memory_space<vmem_shared>>) target_semaphore(%run_scoped3A : memref<!tpu.dma_semaphore, #tpu.memory_space<semaphore_mem>>)
        %dma_wait3A = arith.constant 9984 : i32
        %dma_wait3A_72 = arith.constant 0 : i32
        %dma_wait3A_73 = tpu.memref_slice %arg11[%dma_wait3A, %dma_wait3A_72] : memref<10000x64xf32, #tpu.memory_space<vmem_shared>> -> memref<16x64xf32, #tpu.memory_space<vmem_shared>>
        %dma_wait3A_74 = arith.constant 9984 : i32
        %dma_wait3A_75 = arith.constant 0 : i32
        %dma_wait3A_76 = tpu.memref_slice %arg2[%dma_wait3A_74, %dma_wait3A_75] : memref<10000x64xf32, #tpu.memory_space<hbm>> -> memref<16x64xf32, #tpu.memory_space<hbm>>
        tpu.wait_dma2 semaphore(%run_scoped3A : memref<!tpu.dma_semaphore, #tpu.memory_space<semaphore_mem>>) src(%dma_wait3A_76 : memref<16x64xf32, #tpu.memory_space<hbm>>) dst(%dma_wait3A_73 : memref<16x64xf32, #tpu.memory_space<vmem_shared>>)
        tpu.yield
      }) : () -> ()
    } else {
    }
    %eq3A_11 = arith.constant 0 : i32
    %eq3A_12 = arith.cmpi eq, %arg0, %eq3A_11 : i32
    %mul3A_13 = arith.constant 88 : i32
    %mul3A_14 = arith.muli %arg1, %mul3A_13 : i32
    %mul3A_15 = arith.constant 80 : i32
    %mul3A_16 = arith.muli %arg1, %mul3A_15 : i32
    %add3A_17 = arith.constant 1408 : i32
    %add3A_18 = arith.addi %add3A_17, %mul3A_16 : i32
    %select_n3A = arith.select %eq3A_12, %mul3A_14, %add3A_18 : i32
    "tpu.region"() ({
      %run_scoped3A = tpu.sem_alloc : memref<!tpu.dma_semaphore, #tpu.memory_space<semaphore_mem>>
      %dma_start3A_66 = arith.constant 0 : i32
      %dma_start3A_67 = tpu.memref_slice %arg3[%select_n3A, %dma_start3A_66] : memref<2696x120xi32, #tpu.memory_space<hbm>> -> memref<88x120xi32, #tpu.memory_space<hbm>>
      %dma_start3A_68 = arith.constant 0 : i32
      %dma_start3A_69 = tpu.memref_slice %arg3[%select_n3A, %dma_start3A_68] : memref<2696x120xi32, #tpu.memory_space<hbm>> -> memref<88x120xi32, #tpu.memory_space<hbm>>
      tpu.enqueue_dma source(%dma_start3A_69 : memref<88x120xi32, #tpu.memory_space<hbm>>) target(%arg6 : memref<88x120xi32, #tpu.memory_space<vmem>>) target_semaphore(%run_scoped3A : memref<!tpu.dma_semaphore, #tpu.memory_space<semaphore_mem>>)
      %dma_wait3A = arith.constant 0 : i32
      %dma_wait3A_70 = tpu.memref_slice %arg3[%select_n3A, %dma_wait3A] : memref<2696x120xi32, #tpu.memory_space<hbm>> -> memref<88x120xi32, #tpu.memory_space<hbm>>
      %dma_wait3A_71 = arith.constant 0 : i32
      %dma_wait3A_72 = tpu.memref_slice %arg3[%select_n3A, %dma_wait3A_71] : memref<2696x120xi32, #tpu.memory_space<hbm>> -> memref<88x120xi32, #tpu.memory_space<hbm>>
      tpu.wait_dma2 semaphore(%run_scoped3A : memref<!tpu.dma_semaphore, #tpu.memory_space<semaphore_mem>>) src(%dma_wait3A_72 : memref<88x120xi32, #tpu.memory_space<hbm>>) dst(%arg6 : memref<88x120xi32, #tpu.memory_space<vmem>>)
      tpu.yield
    }) : () -> ()
    "tpu.region"() ({
      %run_scoped3A = tpu.sem_alloc : memref<!tpu.dma_semaphore, #tpu.memory_space<semaphore_mem>>
      %dma_start3A_66 = arith.constant 0 : i32
      %dma_start3A_67 = tpu.memref_slice %arg4[%select_n3A, %dma_start3A_66] : memref<2696x120xi32, #tpu.memory_space<hbm>> -> memref<88x120xi32, #tpu.memory_space<hbm>>
      %dma_start3A_68 = arith.constant 0 : i32
      %dma_start3A_69 = tpu.memref_slice %arg4[%select_n3A, %dma_start3A_68] : memref<2696x120xi32, #tpu.memory_space<hbm>> -> memref<88x120xi32, #tpu.memory_space<hbm>>
      tpu.enqueue_dma source(%dma_start3A_69 : memref<88x120xi32, #tpu.memory_space<hbm>>) target(%arg7 : memref<88x120xi32, #tpu.memory_space<vmem>>) target_semaphore(%run_scoped3A : memref<!tpu.dma_semaphore, #tpu.memory_space<semaphore_mem>>)
      %dma_wait3A = arith.constant 0 : i32
      %dma_wait3A_70 = tpu.memref_slice %arg4[%select_n3A, %dma_wait3A] : memref<2696x120xi32, #tpu.memory_space<hbm>> -> memref<88x120xi32, #tpu.memory_space<hbm>>
      %dma_wait3A_71 = arith.constant 0 : i32
      %dma_wait3A_72 = tpu.memref_slice %arg4[%select_n3A, %dma_wait3A_71] : memref<2696x120xi32, #tpu.memory_space<hbm>> -> memref<88x120xi32, #tpu.memory_space<hbm>>
      tpu.wait_dma2 semaphore(%run_scoped3A : memref<!tpu.dma_semaphore, #tpu.memory_space<semaphore_mem>>) src(%dma_wait3A_72 : memref<88x120xi32, #tpu.memory_space<hbm>>) dst(%arg7 : memref<88x120xi32, #tpu.memory_space<vmem>>)
      tpu.yield
    }) : () -> ()
    %eq3A_19 = arith.constant 0 : i32
    %eq3A_20 = arith.cmpi eq, %arg0, %eq3A_19 : i32
    %jit3A = arith.constant 88 : i32
    %jit3A_21 = arith.constant 80 : i32
    %select_n3A_22 = arith.select %eq3A_20, %jit3A, %jit3A_21 : i32
    %barrier3A = arith.constant 0 : index
    tpu.barrier barrier_id(%barrier3A)
    %dma_start3A = arith.constant 0 : i32
    %dma_start3A_23 = arith.constant 0 : i32
    %dma_start3A_24 = tpu.memref_slice %arg6[%dma_start3A, %dma_start3A_23] : memref<88x120xi32, #tpu.memory_space<vmem>> -> memref<1x120xi32, #tpu.memory_space<vmem>>
    %dma_start3A_25 = tpu.memref_squeeze %dma_start3A_24 : memref<1x120xi32, #tpu.memory_space<vmem>> -> memref<120xi32, #tpu.memory_space<vmem>>
    %dma_start3A_26 = arith.constant 0 : i32
    %dma_start3A_27 = arith.constant 0 : i32
    %dma_start3A_28 = tpu.memref_slice %arg11[%dma_start3A_26, %dma_start3A_27] : memref<10000x64xf32, #tpu.memory_space<vmem_shared>> -> memref<10000x64xf32, #tpu.memory_space<vmem_shared>>
    tpu.enqueue_indirect_dma source(%dma_start3A_28 : memref<10000x64xf32, #tpu.memory_space<vmem_shared>>) target(%arg8 : memref<120x64xf32, #tpu.memory_space<vmem>>) offsets(%dma_start3A_25 : memref<120xi32, #tpu.memory_space<vmem>>) semaphore(%arg12 : memref<!tpu.dma_semaphore, #tpu.memory_space<semaphore_mem>>)
    %jit3A_29 = arith.constant 2 : i32
    %div3A = arith.divsi %select_n3A_22, %jit3A_29 : i32
    %sign3A = arith.constant 0 : i32
    %sign3A_30 = arith.cmpi sgt, %select_n3A_22, %sign3A : i32
    %sign3A_31 = arith.extui %sign3A_30 : i1 to i32
    %sign3A_32 = arith.constant 0 : i32
    %sign3A_33 = arith.cmpi slt, %select_n3A_22, %sign3A_32 : i32
    %sign3A_34 = arith.extui %sign3A_33 : i1 to i32
    %sign3A_35 = arith.subi %sign3A_31, %sign3A_34 : i32
    %sign3A_36 = arith.constant 0 : i32
    %sign3A_37 = arith.cmpi sgt, %jit3A_29, %sign3A_36 : i32
    %sign3A_38 = arith.extui %sign3A_37 : i1 to i32
    %sign3A_39 = arith.constant 0 : i32
    %sign3A_40 = arith.cmpi slt, %jit3A_29, %sign3A_39 : i32
    %sign3A_41 = arith.extui %sign3A_40 : i1 to i32
    %sign3A_42 = arith.subi %sign3A_38, %sign3A_41 : i32
    %ne3A = arith.cmpi ne, %sign3A_35, %sign3A_42 : i32
    %rem3A = arith.remsi %select_n3A_22, %jit3A_29 : i32
    %ne3A_43 = arith.constant 0 : i32
    %ne3A_44 = arith.cmpi ne, %rem3A, %ne3A_43 : i32
    %and3A = arith.andi %ne3A, %ne3A_44 : i1
    %sub3A = arith.constant 1 : i32
    %sub3A_45 = arith.subi %div3A, %sub3A : i32
    %select_n3A_46 = arith.select %and3A, %sub3A_45, %div3A : i32
    %while3A = arith.constant 0 : i32
    %while3A_47 = arith.constant 0 : i32
    %while3A_48 = arith.subi %select_n3A_46, %while3A_47 : i32
    %while3A_49 = arith.addi %while3A_47, %while3A_48 : i32
    %while3A_50 = arith.constant 1 : i32
    %while3A_51 = arith.divsi %while3A_48, %while3A_50 : i32
    %while3A_52 = arith.muli %while3A_51, %while3A_50 : i32
    %while3A_53 = arith.addi %while3A_47, %while3A_52 : i32
    %while3A_54 = arith.constant 1 : i32
    scf.for %while3A_66 = %while3A_47 to %while3A_53 step %while3A_54  : i32 {
      %mul3A_67 = arith.constant 2 : i32
      %mul3A_68 = arith.muli %mul3A_67, %while3A_66 : i32
      %add3A_69 = arith.constant 1 : i32
      %add3A_70 = arith.addi %mul3A_68, %add3A_69 : i32
      %dma_start3A_71 = arith.constant 0 : i32
      %dma_start3A_72 = tpu.memref_slice %arg6[%add3A_70, %dma_start3A_71] : memref<88x120xi32, #tpu.memory_space<vmem>> -> memref<1x120xi32, #tpu.memory_space<vmem>>
      %dma_start3A_73 = tpu.memref_squeeze %dma_start3A_72 : memref<1x120xi32, #tpu.memory_space<vmem>> -> memref<120xi32, #tpu.memory_space<vmem>>
      %dma_start3A_74 = arith.constant 0 : i32
      %dma_start3A_75 = arith.constant 0 : i32
      %dma_start3A_76 = tpu.memref_slice %arg11[%dma_start3A_74, %dma_start3A_75] : memref<10000x64xf32, #tpu.memory_space<vmem_shared>> -> memref<10000x64xf32, #tpu.memory_space<vmem_shared>>
      tpu.enqueue_indirect_dma source(%dma_start3A_76 : memref<10000x64xf32, #tpu.memory_space<vmem_shared>>) target(%arg9 : memref<120x64xf32, #tpu.memory_space<vmem>>) offsets(%dma_start3A_73 : memref<120xi32, #tpu.memory_space<vmem>>) semaphore(%arg12 : memref<!tpu.dma_semaphore, #tpu.memory_space<semaphore_mem>>)
      %dma_wait3A = arith.constant 0 : i32
      %dma_wait3A_77 = tpu.memref_slice %arg6[%mul3A_68, %dma_wait3A] : memref<88x120xi32, #tpu.memory_space<vmem>> -> memref<1x120xi32, #tpu.memory_space<vmem>>
      %dma_wait3A_78 = tpu.memref_squeeze %dma_wait3A_77 : memref<1x120xi32, #tpu.memory_space<vmem>> -> memref<120xi32, #tpu.memory_space<vmem>>
      %dma_wait3A_79 = arith.constant 0 : i32
      %dma_wait3A_80 = arith.constant 0 : i32
      %dma_wait3A_81 = tpu.memref_slice %arg11[%dma_wait3A_79, %dma_wait3A_80] : memref<10000x64xf32, #tpu.memory_space<vmem_shared>> -> memref<10000x64xf32, #tpu.memory_space<vmem_shared>>
      tpu.wait_indirect_dma semaphore(%arg12 : memref<!tpu.dma_semaphore, #tpu.memory_space<semaphore_mem>>) src(%dma_wait3A_81 : memref<10000x64xf32, #tpu.memory_space<vmem_shared>>) dst(%arg8 : memref<120x64xf32, #tpu.memory_space<vmem>>)
      "tpu.region"() ({
        %run_scoped3A = tpu.sem_alloc : memref<!tpu.dma_semaphore, #tpu.memory_space<semaphore_mem>>
        %dma_start3A_117 = arith.constant 0 : i32
        %dma_start3A_118 = tpu.memref_slice %arg7[%mul3A_68, %dma_start3A_117] : memref<88x120xi32, #tpu.memory_space<vmem>> -> memref<1x120xi32, #tpu.memory_space<vmem>>
        %dma_start3A_119 = tpu.memref_squeeze %dma_start3A_118 : memref<1x120xi32, #tpu.memory_space<vmem>> -> memref<120xi32, #tpu.memory_space<vmem>>
        %dma_start3A_120 = arith.constant 0 : i32
        %dma_start3A_121 = arith.constant 0 : i32
        %dma_start3A_122 = tpu.memref_slice %arg10[%dma_start3A_120, %dma_start3A_121] : memref<10128x64xf32, #tpu.memory_space<vmem_shared>> -> memref<10128x64xf32, #tpu.memory_space<vmem_shared>>
        tpu.enqueue_indirect_dma source(%arg8 : memref<120x64xf32, #tpu.memory_space<vmem>>) target(%dma_start3A_122 : memref<10128x64xf32, #tpu.memory_space<vmem_shared>>) offsets(%dma_start3A_119 : memref<120xi32, #tpu.memory_space<vmem>>) semaphore(%run_scoped3A : memref<!tpu.dma_semaphore, #tpu.memory_space<semaphore_mem>>) {add = true}
        %dma_wait3A_123 = arith.constant 0 : i32
        %dma_wait3A_124 = tpu.memref_slice %arg7[%mul3A_68, %dma_wait3A_123] : memref<88x120xi32, #tpu.memory_space<vmem>> -> memref<1x120xi32, #tpu.memory_space<vmem>>
        %dma_wait3A_125 = tpu.memref_squeeze %dma_wait3A_124 : memref<1x120xi32, #tpu.memory_space<vmem>> -> memref<120xi32, #tpu.memory_space<vmem>>
        %dma_wait3A_126 = arith.constant 0 : i32
        %dma_wait3A_127 = arith.constant 0 : i32
        %dma_wait3A_128 = tpu.memref_slice %arg10[%dma_wait3A_126, %dma_wait3A_127] : memref<10128x64xf32, #tpu.memory_space<vmem_shared>> -> memref<10128x64xf32, #tpu.memory_space<vmem_shared>>
        tpu.wait_indirect_dma semaphore(%run_scoped3A : memref<!tpu.dma_semaphore, #tpu.memory_space<semaphore_mem>>) src(%arg8 : memref<120x64xf32, #tpu.memory_space<vmem>>) dst(%dma_wait3A_128 : memref<10128x64xf32, #tpu.memory_space<vmem_shared>>)
        tpu.yield
      }) : () -> ()
      %jit3A_82 = arith.constant 2 : i32
      %div3A_83 = arith.divsi %select_n3A_22, %jit3A_82 : i32
      %sign3A_84 = arith.constant 0 : i32
      %sign3A_85 = arith.cmpi sgt, %select_n3A_22, %sign3A_84 : i32
      %sign3A_86 = arith.extui %sign3A_85 : i1 to i32
      %sign3A_87 = arith.constant 0 : i32
      %sign3A_88 = arith.cmpi slt, %select_n3A_22, %sign3A_87 : i32
      %sign3A_89 = arith.extui %sign3A_88 : i1 to i32
      %sign3A_90 = arith.subi %sign3A_86, %sign3A_89 : i32
      %sign3A_91 = arith.constant 0 : i32
      %sign3A_92 = arith.cmpi sgt, %jit3A_82, %sign3A_91 : i32
      %sign3A_93 = arith.extui %sign3A_92 : i1 to i32
      %sign3A_94 = arith.constant 0 : i32
      %sign3A_95 = arith.cmpi slt, %jit3A_82, %sign3A_94 : i32
      %sign3A_96 = arith.extui %sign3A_95 : i1 to i32
      %sign3A_97 = arith.subi %sign3A_93, %sign3A_96 : i32
      %ne3A_98 = arith.cmpi ne, %sign3A_90, %sign3A_97 : i32
      %rem3A_99 = arith.remsi %select_n3A_22, %jit3A_82 : i32
      %ne3A_100 = arith.constant 0 : i32
      %ne3A_101 = arith.cmpi ne, %rem3A_99, %ne3A_100 : i32
      %and3A_102 = arith.andi %ne3A_98, %ne3A_101 : i1
      %sub3A_103 = arith.constant 1 : i32
      %sub3A_104 = arith.subi %div3A_83, %sub3A_103 : i32
      %select_n3A_105 = arith.select %and3A_102, %sub3A_104, %div3A_83 : i32
      %sub3A_106 = arith.constant 1 : i32
      %sub3A_107 = arith.subi %select_n3A_105, %sub3A_106 : i32
      %lt3A = arith.cmpi slt, %while3A_66, %sub3A_107 : i32
      %convert_element_type3A_108 = arith.extui %lt3A : i1 to i32
      %cond3A_109 = arith.constant 0 : i32
      %cond3A_110 = arith.cmpi ne, %convert_element_type3A_108, %cond3A_109 : i32
      scf.if %cond3A_110 {
        %add3A_117 = arith.constant 2 : i32
        %add3A_118 = arith.addi %mul3A_68, %add3A_117 : i32
        %dma_start3A_119 = arith.constant 0 : i32
        %dma_start3A_120 = tpu.memref_slice %arg6[%add3A_118, %dma_start3A_119] : memref<88x120xi32, #tpu.memory_space<vmem>> -> memref<1x120xi32, #tpu.memory_space<vmem>>
        %dma_start3A_121 = tpu.memref_squeeze %dma_start3A_120 : memref<1x120xi32, #tpu.memory_space<vmem>> -> memref<120xi32, #tpu.memory_space<vmem>>
        %dma_start3A_122 = arith.constant 0 : i32
        %dma_start3A_123 = arith.constant 0 : i32
        %dma_start3A_124 = tpu.memref_slice %arg11[%dma_start3A_122, %dma_start3A_123] : memref<10000x64xf32, #tpu.memory_space<vmem_shared>> -> memref<10000x64xf32, #tpu.memory_space<vmem_shared>>
        tpu.enqueue_indirect_dma source(%dma_start3A_124 : memref<10000x64xf32, #tpu.memory_space<vmem_shared>>) target(%arg8 : memref<120x64xf32, #tpu.memory_space<vmem>>) offsets(%dma_start3A_121 : memref<120xi32, #tpu.memory_space<vmem>>) semaphore(%arg12 : memref<!tpu.dma_semaphore, #tpu.memory_space<semaphore_mem>>)
      } else {
      }
      %dma_wait3A_111 = arith.constant 0 : i32
      %dma_wait3A_112 = tpu.memref_slice %arg6[%add3A_70, %dma_wait3A_111] : memref<88x120xi32, #tpu.memory_space<vmem>> -> memref<1x120xi32, #tpu.memory_space<vmem>>
      %dma_wait3A_113 = tpu.memref_squeeze %dma_wait3A_112 : memref<1x120xi32, #tpu.memory_space<vmem>> -> memref<120xi32, #tpu.memory_space<vmem>>
      %dma_wait3A_114 = arith.constant 0 : i32
      %dma_wait3A_115 = arith.constant 0 : i32
      %dma_wait3A_116 = tpu.memref_slice %arg11[%dma_wait3A_114, %dma_wait3A_115] : memref<10000x64xf32, #tpu.memory_space<vmem_shared>> -> memref<10000x64xf32, #tpu.memory_space<vmem_shared>>
      tpu.wait_indirect_dma semaphore(%arg12 : memref<!tpu.dma_semaphore, #tpu.memory_space<semaphore_mem>>) src(%dma_wait3A_116 : memref<10000x64xf32, #tpu.memory_space<vmem_shared>>) dst(%arg9 : memref<120x64xf32, #tpu.memory_space<vmem>>)
      "tpu.region"() ({
        %run_scoped3A = tpu.sem_alloc : memref<!tpu.dma_semaphore, #tpu.memory_space<semaphore_mem>>
        %dma_start3A_117 = arith.constant 0 : i32
        %dma_start3A_118 = tpu.memref_slice %arg7[%add3A_70, %dma_start3A_117] : memref<88x120xi32, #tpu.memory_space<vmem>> -> memref<1x120xi32, #tpu.memory_space<vmem>>
        %dma_start3A_119 = tpu.memref_squeeze %dma_start3A_118 : memref<1x120xi32, #tpu.memory_space<vmem>> -> memref<120xi32, #tpu.memory_space<vmem>>
        %dma_start3A_120 = arith.constant 0 : i32
        %dma_start3A_121 = arith.constant 0 : i32
        %dma_start3A_122 = tpu.memref_slice %arg10[%dma_start3A_120, %dma_start3A_121] : memref<10128x64xf32, #tpu.memory_space<vmem_shared>> -> memref<10128x64xf32, #tpu.memory_space<vmem_shared>>
        tpu.enqueue_indirect_dma source(%arg9 : memref<120x64xf32, #tpu.memory_space<vmem>>) target(%dma_start3A_122 : memref<10128x64xf32, #tpu.memory_space<vmem_shared>>) offsets(%dma_start3A_119 : memref<120xi32, #tpu.memory_space<vmem>>) semaphore(%run_scoped3A : memref<!tpu.dma_semaphore, #tpu.memory_space<semaphore_mem>>) {add = true}
        %dma_wait3A_123 = arith.constant 0 : i32
        %dma_wait3A_124 = tpu.memref_slice %arg7[%add3A_70, %dma_wait3A_123] : memref<88x120xi32, #tpu.memory_space<vmem>> -> memref<1x120xi32, #tpu.memory_space<vmem>>
        %dma_wait3A_125 = tpu.memref_squeeze %dma_wait3A_124 : memref<1x120xi32, #tpu.memory_space<vmem>> -> memref<120xi32, #tpu.memory_space<vmem>>
        %dma_wait3A_126 = arith.constant 0 : i32
        %dma_wait3A_127 = arith.constant 0 : i32
        %dma_wait3A_128 = tpu.memref_slice %arg10[%dma_wait3A_126, %dma_wait3A_127] : memref<10128x64xf32, #tpu.memory_space<vmem_shared>> -> memref<10128x64xf32, #tpu.memory_space<vmem_shared>>
        tpu.wait_indirect_dma semaphore(%run_scoped3A : memref<!tpu.dma_semaphore, #tpu.memory_space<semaphore_mem>>) src(%arg9 : memref<120x64xf32, #tpu.memory_space<vmem>>) dst(%dma_wait3A_128 : memref<10128x64xf32, #tpu.memory_space<vmem_shared>>)
        tpu.yield
      }) : () -> ()
    }
    %while3A_55 = arith.constant 1 : i32
    scf.for %while3A_66 = %while3A_53 to %while3A_49 step %while3A_55  : i32 {
      %mul3A_67 = arith.constant 2 : i32
      %mul3A_68 = arith.muli %mul3A_67, %while3A_66 : i32
      %add3A_69 = arith.constant 1 : i32
      %add3A_70 = arith.addi %mul3A_68, %add3A_69 : i32
      %dma_start3A_71 = arith.constant 0 : i32
      %dma_start3A_72 = tpu.memref_slice %arg6[%add3A_70, %dma_start3A_71] : memref<88x120xi32, #tpu.memory_space<vmem>> -> memref<1x120xi32, #tpu.memory_space<vmem>>
      %dma_start3A_73 = tpu.memref_squeeze %dma_start3A_72 : memref<1x120xi32, #tpu.memory_space<vmem>> -> memref<120xi32, #tpu.memory_space<vmem>>
      %dma_start3A_74 = arith.constant 0 : i32
      %dma_start3A_75 = arith.constant 0 : i32
      %dma_start3A_76 = tpu.memref_slice %arg11[%dma_start3A_74, %dma_start3A_75] : memref<10000x64xf32, #tpu.memory_space<vmem_shared>> -> memref<10000x64xf32, #tpu.memory_space<vmem_shared>>
      tpu.enqueue_indirect_dma source(%dma_start3A_76 : memref<10000x64xf32, #tpu.memory_space<vmem_shared>>) target(%arg9 : memref<120x64xf32, #tpu.memory_space<vmem>>) offsets(%dma_start3A_73 : memref<120xi32, #tpu.memory_space<vmem>>) semaphore(%arg12 : memref<!tpu.dma_semaphore, #tpu.memory_space<semaphore_mem>>)
      %dma_wait3A = arith.constant 0 : i32
      %dma_wait3A_77 = tpu.memref_slice %arg6[%mul3A_68, %dma_wait3A] : memref<88x120xi32, #tpu.memory_space<vmem>> -> memref<1x120xi32, #tpu.memory_space<vmem>>
      %dma_wait3A_78 = tpu.memref_squeeze %dma_wait3A_77 : memref<1x120xi32, #tpu.memory_space<vmem>> -> memref<120xi32, #tpu.memory_space<vmem>>
      %dma_wait3A_79 = arith.constant 0 : i32
      %dma_wait3A_80 = arith.constant 0 : i32
      %dma_wait3A_81 = tpu.memref_slice %arg11[%dma_wait3A_79, %dma_wait3A_80] : memref<10000x64xf32, #tpu.memory_space<vmem_shared>> -> memref<10000x64xf32, #tpu.memory_space<vmem_shared>>
      tpu.wait_indirect_dma semaphore(%arg12 : memref<!tpu.dma_semaphore, #tpu.memory_space<semaphore_mem>>) src(%dma_wait3A_81 : memref<10000x64xf32, #tpu.memory_space<vmem_shared>>) dst(%arg8 : memref<120x64xf32, #tpu.memory_space<vmem>>)
      "tpu.region"() ({
        %run_scoped3A = tpu.sem_alloc : memref<!tpu.dma_semaphore, #tpu.memory_space<semaphore_mem>>
        %dma_start3A_117 = arith.constant 0 : i32
        %dma_start3A_118 = tpu.memref_slice %arg7[%mul3A_68, %dma_start3A_117] : memref<88x120xi32, #tpu.memory_space<vmem>> -> memref<1x120xi32, #tpu.memory_space<vmem>>
        %dma_start3A_119 = tpu.memref_squeeze %dma_start3A_118 : memref<1x120xi32, #tpu.memory_space<vmem>> -> memref<120xi32, #tpu.memory_space<vmem>>
        %dma_start3A_120 = arith.constant 0 : i32
        %dma_start3A_121 = arith.constant 0 : i32
        %dma_start3A_122 = tpu.memref_slice %arg10[%dma_start3A_120, %dma_start3A_121] : memref<10128x64xf32, #tpu.memory_space<vmem_shared>> -> memref<10128x64xf32, #tpu.memory_space<vmem_shared>>
        tpu.enqueue_indirect_dma source(%arg8 : memref<120x64xf32, #tpu.memory_space<vmem>>) target(%dma_start3A_122 : memref<10128x64xf32, #tpu.memory_space<vmem_shared>>) offsets(%dma_start3A_119 : memref<120xi32, #tpu.memory_space<vmem>>) semaphore(%run_scoped3A : memref<!tpu.dma_semaphore, #tpu.memory_space<semaphore_mem>>) {add = true}
        %dma_wait3A_123 = arith.constant 0 : i32
        %dma_wait3A_124 = tpu.memref_slice %arg7[%mul3A_68, %dma_wait3A_123] : memref<88x120xi32, #tpu.memory_space<vmem>> -> memref<1x120xi32, #tpu.memory_space<vmem>>
        %dma_wait3A_125 = tpu.memref_squeeze %dma_wait3A_124 : memref<1x120xi32, #tpu.memory_space<vmem>> -> memref<120xi32, #tpu.memory_space<vmem>>
        %dma_wait3A_126 = arith.constant 0 : i32
        %dma_wait3A_127 = arith.constant 0 : i32
        %dma_wait3A_128 = tpu.memref_slice %arg10[%dma_wait3A_126, %dma_wait3A_127] : memref<10128x64xf32, #tpu.memory_space<vmem_shared>> -> memref<10128x64xf32, #tpu.memory_space<vmem_shared>>
        tpu.wait_indirect_dma semaphore(%run_scoped3A : memref<!tpu.dma_semaphore, #tpu.memory_space<semaphore_mem>>) src(%arg8 : memref<120x64xf32, #tpu.memory_space<vmem>>) dst(%dma_wait3A_128 : memref<10128x64xf32, #tpu.memory_space<vmem_shared>>)
        tpu.yield
      }) : () -> ()
      %jit3A_82 = arith.constant 2 : i32
      %div3A_83 = arith.divsi %select_n3A_22, %jit3A_82 : i32
      %sign3A_84 = arith.constant 0 : i32
      %sign3A_85 = arith.cmpi sgt, %select_n3A_22, %sign3A_84 : i32
      %sign3A_86 = arith.extui %sign3A_85 : i1 to i32
      %sign3A_87 = arith.constant 0 : i32
      %sign3A_88 = arith.cmpi slt, %select_n3A_22, %sign3A_87 : i32
      %sign3A_89 = arith.extui %sign3A_88 : i1 to i32
      %sign3A_90 = arith.subi %sign3A_86, %sign3A_89 : i32
      %sign3A_91 = arith.constant 0 : i32
      %sign3A_92 = arith.cmpi sgt, %jit3A_82, %sign3A_91 : i32
      %sign3A_93 = arith.extui %sign3A_92 : i1 to i32
      %sign3A_94 = arith.constant 0 : i32
      %sign3A_95 = arith.cmpi slt, %jit3A_82, %sign3A_94 : i32
      %sign3A_96 = arith.extui %sign3A_95 : i1 to i32
      %sign3A_97 = arith.subi %sign3A_93, %sign3A_96 : i32
      %ne3A_98 = arith.cmpi ne, %sign3A_90, %sign3A_97 : i32
      %rem3A_99 = arith.remsi %select_n3A_22, %jit3A_82 : i32
      %ne3A_100 = arith.constant 0 : i32
      %ne3A_101 = arith.cmpi ne, %rem3A_99, %ne3A_100 : i32
      %and3A_102 = arith.andi %ne3A_98, %ne3A_101 : i1
      %sub3A_103 = arith.constant 1 : i32
      %sub3A_104 = arith.subi %div3A_83, %sub3A_103 : i32
      %select_n3A_105 = arith.select %and3A_102, %sub3A_104, %div3A_83 : i32
      %sub3A_106 = arith.constant 1 : i32
      %sub3A_107 = arith.subi %select_n3A_105, %sub3A_106 : i32
      %lt3A = arith.cmpi slt, %while3A_66, %sub3A_107 : i32
      %convert_element_type3A_108 = arith.extui %lt3A : i1 to i32
      %cond3A_109 = arith.constant 0 : i32
      %cond3A_110 = arith.cmpi ne, %convert_element_type3A_108, %cond3A_109 : i32
      scf.if %cond3A_110 {
        %add3A_117 = arith.constant 2 : i32
        %add3A_118 = arith.addi %mul3A_68, %add3A_117 : i32
        %dma_start3A_119 = arith.constant 0 : i32
        %dma_start3A_120 = tpu.memref_slice %arg6[%add3A_118, %dma_start3A_119] : memref<88x120xi32, #tpu.memory_space<vmem>> -> memref<1x120xi32, #tpu.memory_space<vmem>>
        %dma_start3A_121 = tpu.memref_squeeze %dma_start3A_120 : memref<1x120xi32, #tpu.memory_space<vmem>> -> memref<120xi32, #tpu.memory_space<vmem>>
        %dma_start3A_122 = arith.constant 0 : i32
        %dma_start3A_123 = arith.constant 0 : i32
        %dma_start3A_124 = tpu.memref_slice %arg11[%dma_start3A_122, %dma_start3A_123] : memref<10000x64xf32, #tpu.memory_space<vmem_shared>> -> memref<10000x64xf32, #tpu.memory_space<vmem_shared>>
        tpu.enqueue_indirect_dma source(%dma_start3A_124 : memref<10000x64xf32, #tpu.memory_space<vmem_shared>>) target(%arg8 : memref<120x64xf32, #tpu.memory_space<vmem>>) offsets(%dma_start3A_121 : memref<120xi32, #tpu.memory_space<vmem>>) semaphore(%arg12 : memref<!tpu.dma_semaphore, #tpu.memory_space<semaphore_mem>>)
      } else {
      }
      %dma_wait3A_111 = arith.constant 0 : i32
      %dma_wait3A_112 = tpu.memref_slice %arg6[%add3A_70, %dma_wait3A_111] : memref<88x120xi32, #tpu.memory_space<vmem>> -> memref<1x120xi32, #tpu.memory_space<vmem>>
      %dma_wait3A_113 = tpu.memref_squeeze %dma_wait3A_112 : memref<1x120xi32, #tpu.memory_space<vmem>> -> memref<120xi32, #tpu.memory_space<vmem>>
      %dma_wait3A_114 = arith.constant 0 : i32
      %dma_wait3A_115 = arith.constant 0 : i32
      %dma_wait3A_116 = tpu.memref_slice %arg11[%dma_wait3A_114, %dma_wait3A_115] : memref<10000x64xf32, #tpu.memory_space<vmem_shared>> -> memref<10000x64xf32, #tpu.memory_space<vmem_shared>>
      tpu.wait_indirect_dma semaphore(%arg12 : memref<!tpu.dma_semaphore, #tpu.memory_space<semaphore_mem>>) src(%dma_wait3A_116 : memref<10000x64xf32, #tpu.memory_space<vmem_shared>>) dst(%arg9 : memref<120x64xf32, #tpu.memory_space<vmem>>)
      "tpu.region"() ({
        %run_scoped3A = tpu.sem_alloc : memref<!tpu.dma_semaphore, #tpu.memory_space<semaphore_mem>>
        %dma_start3A_117 = arith.constant 0 : i32
        %dma_start3A_118 = tpu.memref_slice %arg7[%add3A_70, %dma_start3A_117] : memref<88x120xi32, #tpu.memory_space<vmem>> -> memref<1x120xi32, #tpu.memory_space<vmem>>
        %dma_start3A_119 = tpu.memref_squeeze %dma_start3A_118 : memref<1x120xi32, #tpu.memory_space<vmem>> -> memref<120xi32, #tpu.memory_space<vmem>>
        %dma_start3A_120 = arith.constant 0 : i32
        %dma_start3A_121 = arith.constant 0 : i32
        %dma_start3A_122 = tpu.memref_slice %arg10[%dma_start3A_120, %dma_start3A_121] : memref<10128x64xf32, #tpu.memory_space<vmem_shared>> -> memref<10128x64xf32, #tpu.memory_space<vmem_shared>>
        tpu.enqueue_indirect_dma source(%arg9 : memref<120x64xf32, #tpu.memory_space<vmem>>) target(%dma_start3A_122 : memref<10128x64xf32, #tpu.memory_space<vmem_shared>>) offsets(%dma_start3A_119 : memref<120xi32, #tpu.memory_space<vmem>>) semaphore(%run_scoped3A : memref<!tpu.dma_semaphore, #tpu.memory_space<semaphore_mem>>) {add = true}
        %dma_wait3A_123 = arith.constant 0 : i32
        %dma_wait3A_124 = tpu.memref_slice %arg7[%add3A_70, %dma_wait3A_123] : memref<88x120xi32, #tpu.memory_space<vmem>> -> memref<1x120xi32, #tpu.memory_space<vmem>>
        %dma_wait3A_125 = tpu.memref_squeeze %dma_wait3A_124 : memref<1x120xi32, #tpu.memory_space<vmem>> -> memref<120xi32, #tpu.memory_space<vmem>>
        %dma_wait3A_126 = arith.constant 0 : i32
        %dma_wait3A_127 = arith.constant 0 : i32
        %dma_wait3A_128 = tpu.memref_slice %arg10[%dma_wait3A_126, %dma_wait3A_127] : memref<10128x64xf32, #tpu.memory_space<vmem_shared>> -> memref<10128x64xf32, #tpu.memory_space<vmem_shared>>
        tpu.wait_indirect_dma semaphore(%run_scoped3A : memref<!tpu.dma_semaphore, #tpu.memory_space<semaphore_mem>>) src(%arg9 : memref<120x64xf32, #tpu.memory_space<vmem>>) dst(%dma_wait3A_128 : memref<10128x64xf32, #tpu.memory_space<vmem_shared>>)
        tpu.yield
      }) : () -> ()
    }
    %barrier3A_56 = arith.constant 0 : index
    tpu.barrier barrier_id(%barrier3A_56)
    %mul3A_57 = arith.constant 624 : i32
    %mul3A_58 = arith.muli %arg1, %mul3A_57 : i32
    %mul3A_59 = arith.constant 624 : i32
    %mul3A_60 = arith.muli %arg1, %mul3A_59 : i32
    "tpu.region"() ({
      %run_scoped3A = tpu.sem_alloc : memref<!tpu.dma_semaphore, #tpu.memory_space<semaphore_mem>>
      %dma_start3A_66 = arith.constant 0 : i32
      %dma_start3A_67 = tpu.memref_slice %arg5[%arg0, %mul3A_60, %dma_start3A_66] : memref<2x10000x64xf32, #tpu.memory_space<hbm>> -> memref<1x624x64xf32, #tpu.memory_space<hbm>>
      %dma_start3A_68 = tpu.memref_squeeze %dma_start3A_67 : memref<1x624x64xf32, #tpu.memory_space<hbm>> -> memref<624x64xf32, #tpu.memory_space<hbm>>
      %dma_start3A_69 = arith.constant 0 : i32
      %dma_start3A_70 = tpu.memref_slice %arg10[%mul3A_58, %dma_start3A_69] : memref<10128x64xf32, #tpu.memory_space<vmem_shared>> -> memref<624x64xf32, #tpu.memory_space<vmem_shared>>
      tpu.enqueue_dma source(%dma_start3A_70 : memref<624x64xf32, #tpu.memory_space<vmem_shared>>) target(%dma_start3A_68 : memref<624x64xf32, #tpu.memory_space<hbm>>) target_semaphore(%run_scoped3A : memref<!tpu.dma_semaphore, #tpu.memory_space<semaphore_mem>>)
      %dma_wait3A = arith.constant 0 : i32
      %dma_wait3A_71 = tpu.memref_slice %arg5[%arg0, %mul3A_60, %dma_wait3A] : memref<2x10000x64xf32, #tpu.memory_space<hbm>> -> memref<1x624x64xf32, #tpu.memory_space<hbm>>
      %dma_wait3A_72 = tpu.memref_squeeze %dma_wait3A_71 : memref<1x624x64xf32, #tpu.memory_space<hbm>> -> memref<624x64xf32, #tpu.memory_space<hbm>>
      %dma_wait3A_73 = arith.constant 0 : i32
      %dma_wait3A_74 = tpu.memref_slice %arg10[%mul3A_58, %dma_wait3A_73] : memref<10128x64xf32, #tpu.memory_space<vmem_shared>> -> memref<624x64xf32, #tpu.memory_space<vmem_shared>>
      tpu.wait_dma2 semaphore(%run_scoped3A : memref<!tpu.dma_semaphore, #tpu.memory_space<semaphore_mem>>) src(%dma_wait3A_74 : memref<624x64xf32, #tpu.memory_space<vmem_shared>>) dst(%dma_wait3A_72 : memref<624x64xf32, #tpu.memory_space<hbm>>)
      tpu.yield
    }) : () -> ()
    %eq3A_61 = arith.constant 15 : i32
    %eq3A_62 = arith.cmpi eq, %arg1, %eq3A_61 : i32
    %convert_element_type3A_63 = arith.extui %eq3A_62 : i1 to i32
    %cond3A_64 = arith.constant 0 : i32
    %cond3A_65 = arith.cmpi ne, %convert_element_type3A_63, %cond3A_64 : i32
    scf.if %cond3A_65 {
      "tpu.region"() ({
        %run_scoped3A = tpu.sem_alloc : memref<!tpu.dma_semaphore, #tpu.memory_space<semaphore_mem>>
        %dma_start3A_66 = arith.constant 9984 : i32
        %dma_start3A_67 = arith.constant 0 : i32
        %dma_start3A_68 = tpu.memref_slice %arg5[%arg0, %dma_start3A_66, %dma_start3A_67] : memref<2x10000x64xf32, #tpu.memory_space<hbm>> -> memref<1x16x64xf32, #tpu.memory_space<hbm>>
        %dma_start3A_69 = tpu.memref_squeeze %dma_start3A_68 : memref<1x16x64xf32, #tpu.memory_space<hbm>> -> memref<16x64xf32, #tpu.memory_space<hbm>>
        %dma_start3A_70 = arith.constant 9984 : i32
        %dma_start3A_71 = arith.constant 0 : i32
        %dma_start3A_72 = tpu.memref_slice %arg10[%dma_start3A_70, %dma_start3A_71] : memref<10128x64xf32, #tpu.memory_space<vmem_shared>> -> memref<16x64xf32, #tpu.memory_space<vmem_shared>>
        tpu.enqueue_dma source(%dma_start3A_72 : memref<16x64xf32, #tpu.memory_space<vmem_shared>>) target(%dma_start3A_69 : memref<16x64xf32, #tpu.memory_space<hbm>>) target_semaphore(%run_scoped3A : memref<!tpu.dma_semaphore, #tpu.memory_space<semaphore_mem>>)
        %dma_wait3A = arith.constant 9984 : i32
        %dma_wait3A_73 = arith.constant 0 : i32
        %dma_wait3A_74 = tpu.memref_slice %arg5[%arg0, %dma_wait3A, %dma_wait3A_73] : memref<2x10000x64xf32, #tpu.memory_space<hbm>> -> memref<1x16x64xf32, #tpu.memory_space<hbm>>
        %dma_wait3A_75 = tpu.memref_squeeze %dma_wait3A_74 : memref<1x16x64xf32, #tpu.memory_space<hbm>> -> memref<16x64xf32, #tpu.memory_space<hbm>>
        %dma_wait3A_76 = arith.constant 9984 : i32
        %dma_wait3A_77 = arith.constant 0 : i32
        %dma_wait3A_78 = tpu.memref_slice %arg10[%dma_wait3A_76, %dma_wait3A_77] : memref<10128x64xf32, #tpu.memory_space<vmem_shared>> -> memref<16x64xf32, #tpu.memory_space<vmem_shared>>
        tpu.wait_dma2 semaphore(%run_scoped3A : memref<!tpu.dma_semaphore, #tpu.memory_space<semaphore_mem>>) src(%dma_wait3A_78 : memref<16x64xf32, #tpu.memory_space<vmem_shared>>) dst(%dma_wait3A_75 : memref<16x64xf32, #tpu.memory_space<hbm>>)
        tpu.yield
      }) : () -> ()
    } else {
    }
    return
  }
}

#map = affine_map<(d0, d1) -> (0, 0)>
#map1 = affine_map<(d0, d1) -> (0, 0, 0)>
module attributes {stable_mosaic.version = 14 : i64} {
  func.func @_agg_body(%arg0: i32, %arg1: i32, %arg2: memref<10000x64xf32, #tpu.memory_space<hbm>>, %arg3: memref<2696x120xi32, #tpu.memory_space<hbm>>, %arg4: memref<2696x120xi32, #tpu.memory_space<hbm>>, %arg5: memref<2x10000x64xf32, #tpu.memory_space<hbm>>, %arg6: memref<88x120xi32, #tpu.memory_space<vmem>>, %arg7: memref<88x120xi32, #tpu.memory_space<vmem>>, %arg8: memref<120x64xf32, #tpu.memory_space<vmem>>, %arg9: memref<120x64xf32, #tpu.memory_space<vmem>>, %arg10: memref<10128x64xf32, #tpu.memory_space<vmem_shared>>, %arg11: memref<10000x64xf32, #tpu.memory_space<vmem_shared>>, %arg12: memref<!tpu.dma_semaphore, #tpu.memory_space<semaphore_mem>>, %arg13: memref<!tpu.dma_semaphore, #tpu.memory_space<semaphore_mem>>) attributes {dimension_semantics = [#tpu.dimension_semantics<core_parallel>, #tpu.dimension_semantics<subcore_parallel>], iteration_bounds = array<i64: 2, 16>, scalar_prefetch = 0 : i64, scratch_operands = 8 : i64, tpu.core_type = #tpu.core_type<sc_vector_subcore>, window_params = [{transform_indices = #map}, {transform_indices = #map}, {transform_indices = #map}, {transform_indices = #map1}]} {
    %mul3A = arith.constant 16 : i32
    %mul3A_0 = arith.muli %arg0, %mul3A : i32
    %add3A = arith.addi %mul3A_0, %arg1 : i32
    %mul3A_1 = arith.constant 624 : i32
    %mul3A_2 = arith.muli %arg1, %mul3A_1 : i32
    %mul3A_3 = arith.constant 624 : i32
    %mul3A_4 = arith.muli %arg1, %mul3A_3 : i32
    "tpu.region"() ({
      %run_scoped3A = tpu.sem_alloc : memref<!tpu.dma_semaphore, #tpu.memory_space<semaphore_mem>>
      %dma_start3A_66 = arith.constant 0 : i32
      %dma_start3A_67 = tpu.memref_slice %arg10[%mul3A_4, %dma_start3A_66] : memref<10128x64xf32, #tpu.memory_space<vmem_shared>> -> memref<624x64xf32, #tpu.memory_space<vmem_shared>>
      %dma_start3A_68 = arith.constant 0 : i32
      %dma_start3A_69 = tpu.memref_slice %arg2[%mul3A_2, %dma_start3A_68] : memref<10000x64xf32, #tpu.memory_space<hbm>> -> memref<624x64xf32, #tpu.memory_space<hbm>>
      tpu.enqueue_dma source(%dma_start3A_69 : memref<624x64xf32, #tpu.memory_space<hbm>>) target(%dma_start3A_67 : memref<624x64xf32, #tpu.memory_space<vmem_shared>>) target_semaphore(%run_scoped3A : memref<!tpu.dma_semaphore, #tpu.memory_space<semaphore_mem>>)
      %dma_wait3A = arith.constant 0 : i32
      %dma_wait3A_70 = tpu.memref_slice %arg10[%mul3A_4, %dma_wait3A] : memref<10128x64xf32, #tpu.memory_space<vmem_shared>> -> memref<624x64xf32, #tpu.memory_space<vmem_shared>>
      %dma_wait3A_71 = arith.constant 0 : i32
      %dma_wait3A_72 = tpu.memref_slice %arg2[%mul3A_2, %dma_wait3A_71] : memref<10000x64xf32, #tpu.memory_space<hbm>> -> memref<624x64xf32, #tpu.memory_space<hbm>>
      tpu.wait_dma2 semaphore(%run_scoped3A : memref<!tpu.dma_semaphore, #tpu.memory_space<semaphore_mem>>) src(%dma_wait3A_72 : memref<624x64xf32, #tpu.memory_space<hbm>>) dst(%dma_wait3A_70 : memref<624x64xf32, #tpu.memory_space<vmem_shared>>)
      tpu.yield
    }) : () -> ()
    %mul3A_5 = arith.constant 624 : i32
    %mul3A_6 = arith.muli %arg1, %mul3A_5 : i32
    %mul3A_7 = arith.constant 624 : i32
    %mul3A_8 = arith.muli %arg1, %mul3A_7 : i32
    "tpu.region"() ({
      %run_scoped3A = tpu.sem_alloc : memref<!tpu.dma_semaphore, #tpu.memory_space<semaphore_mem>>
      %dma_start3A_66 = arith.constant 0 : i32
      %dma_start3A_67 = tpu.memref_slice %arg11[%mul3A_8, %dma_start3A_66] : memref<10000x64xf32, #tpu.memory_space<vmem_shared>> -> memref<624x64xf32, #tpu.memory_space<vmem_shared>>
      %dma_start3A_68 = arith.constant 0 : i32
      %dma_start3A_69 = tpu.memref_slice %arg2[%mul3A_6, %dma_start3A_68] : memref<10000x64xf32, #tpu.memory_space<hbm>> -> memref<624x64xf32, #tpu.memory_space<hbm>>
      tpu.enqueue_dma source(%dma_start3A_69 : memref<624x64xf32, #tpu.memory_space<hbm>>) target(%dma_start3A_67 : memref<624x64xf32, #tpu.memory_space<vmem_shared>>) target_semaphore(%run_scoped3A : memref<!tpu.dma_semaphore, #tpu.memory_space<semaphore_mem>>)
      %dma_wait3A = arith.constant 0 : i32
      %dma_wait3A_70 = tpu.memref_slice %arg11[%mul3A_8, %dma_wait3A] : memref<10000x64xf32, #tpu.memory_space<vmem_shared>> -> memref<624x64xf32, #tpu.memory_space<vmem_shared>>
      %dma_wait3A_71 = arith.constant 0 : i32
      %dma_wait3A_72 = tpu.memref_slice %arg2[%mul3A_6, %dma_wait3A_71] : memref<10000x64xf32, #tpu.memory_space<hbm>> -> memref<624x64xf32, #tpu.memory_space<hbm>>
      tpu.wait_dma2 semaphore(%run_scoped3A : memref<!tpu.dma_semaphore, #tpu.memory_space<semaphore_mem>>) src(%dma_wait3A_72 : memref<624x64xf32, #tpu.memory_space<hbm>>) dst(%dma_wait3A_70 : memref<624x64xf32, #tpu.memory_space<vmem_shared>>)
      tpu.yield
    }) : () -> ()
    %eq3A = arith.constant 15 : i32
    %eq3A_9 = arith.cmpi eq, %arg1, %eq3A : i32
    %convert_element_type3A = arith.extui %eq3A_9 : i1 to i32
    %cond3A = arith.constant 0 : i32
    %cond3A_10 = arith.cmpi ne, %convert_element_type3A, %cond3A : i32
    scf.if %cond3A_10 {
      "tpu.region"() ({
        %run_scoped3A = tpu.sem_alloc : memref<!tpu.dma_semaphore, #tpu.memory_space<semaphore_mem>>
        %dma_start3A_66 = arith.constant 9984 : i32
        %dma_start3A_67 = arith.constant 0 : i32
        %dma_start3A_68 = tpu.memref_slice %arg10[%dma_start3A_66, %dma_start3A_67] : memref<10128x64xf32, #tpu.memory_space<vmem_shared>> -> memref<16x64xf32, #tpu.memory_space<vmem_shared>>
        %dma_start3A_69 = arith.constant 9984 : i32
        %dma_start3A_70 = arith.constant 0 : i32
        %dma_start3A_71 = tpu.memref_slice %arg2[%dma_start3A_69, %dma_start3A_70] : memref<10000x64xf32, #tpu.memory_space<hbm>> -> memref<16x64xf32, #tpu.memory_space<hbm>>
        tpu.enqueue_dma source(%dma_start3A_71 : memref<16x64xf32, #tpu.memory_space<hbm>>) target(%dma_start3A_68 : memref<16x64xf32, #tpu.memory_space<vmem_shared>>) target_semaphore(%run_scoped3A : memref<!tpu.dma_semaphore, #tpu.memory_space<semaphore_mem>>)
        %dma_wait3A = arith.constant 9984 : i32
        %dma_wait3A_72 = arith.constant 0 : i32
        %dma_wait3A_73 = tpu.memref_slice %arg10[%dma_wait3A, %dma_wait3A_72] : memref<10128x64xf32, #tpu.memory_space<vmem_shared>> -> memref<16x64xf32, #tpu.memory_space<vmem_shared>>
        %dma_wait3A_74 = arith.constant 9984 : i32
        %dma_wait3A_75 = arith.constant 0 : i32
        %dma_wait3A_76 = tpu.memref_slice %arg2[%dma_wait3A_74, %dma_wait3A_75] : memref<10000x64xf32, #tpu.memory_space<hbm>> -> memref<16x64xf32, #tpu.memory_space<hbm>>
        tpu.wait_dma2 semaphore(%run_scoped3A : memref<!tpu.dma_semaphore, #tpu.memory_space<semaphore_mem>>) src(%dma_wait3A_76 : memref<16x64xf32, #tpu.memory_space<hbm>>) dst(%dma_wait3A_73 : memref<16x64xf32, #tpu.memory_space<vmem_shared>>)
        tpu.yield
      }) : () -> ()
      "tpu.region"() ({
        %run_scoped3A = tpu.sem_alloc : memref<!tpu.dma_semaphore, #tpu.memory_space<semaphore_mem>>
        %dma_start3A_66 = arith.constant 9984 : i32
        %dma_start3A_67 = arith.constant 0 : i32
        %dma_start3A_68 = tpu.memref_slice %arg11[%dma_start3A_66, %dma_start3A_67] : memref<10000x64xf32, #tpu.memory_space<vmem_shared>> -> memref<16x64xf32, #tpu.memory_space<vmem_shared>>
        %dma_start3A_69 = arith.constant 9984 : i32
        %dma_start3A_70 = arith.constant 0 : i32
        %dma_start3A_71 = tpu.memref_slice %arg2[%dma_start3A_69, %dma_start3A_70] : memref<10000x64xf32, #tpu.memory_space<hbm>> -> memref<16x64xf32, #tpu.memory_space<hbm>>
        tpu.enqueue_dma source(%dma_start3A_71 : memref<16x64xf32, #tpu.memory_space<hbm>>) target(%dma_start3A_68 : memref<16x64xf32, #tpu.memory_space<vmem_shared>>) target_semaphore(%run_scoped3A : memref<!tpu.dma_semaphore, #tpu.memory_space<semaphore_mem>>)
        %dma_wait3A = arith.constant 9984 : i32
        %dma_wait3A_72 = arith.constant 0 : i32
        %dma_wait3A_73 = tpu.memref_slice %arg11[%dma_wait3A, %dma_wait3A_72] : memref<10000x64xf32, #tpu.memory_space<vmem_shared>> -> memref<16x64xf32, #tpu.memory_space<vmem_shared>>
        %dma_wait3A_74 = arith.constant 9984 : i32
        %dma_wait3A_75 = arith.constant 0 : i32
        %dma_wait3A_76 = tpu.memref_slice %arg2[%dma_wait3A_74, %dma_wait3A_75] : memref<10000x64xf32, #tpu.memory_space<hbm>> -> memref<16x64xf32, #tpu.memory_space<hbm>>
        tpu.wait_dma2 semaphore(%run_scoped3A : memref<!tpu.dma_semaphore, #tpu.memory_space<semaphore_mem>>) src(%dma_wait3A_76 : memref<16x64xf32, #tpu.memory_space<hbm>>) dst(%dma_wait3A_73 : memref<16x64xf32, #tpu.memory_space<vmem_shared>>)
        tpu.yield
      }) : () -> ()
    } else {
    }
    %eq3A_11 = arith.constant 0 : i32
    %eq3A_12 = arith.cmpi eq, %arg0, %eq3A_11 : i32
    %mul3A_13 = arith.constant 88 : i32
    %mul3A_14 = arith.muli %arg1, %mul3A_13 : i32
    %mul3A_15 = arith.constant 80 : i32
    %mul3A_16 = arith.muli %arg1, %mul3A_15 : i32
    %add3A_17 = arith.constant 1408 : i32
    %add3A_18 = arith.addi %add3A_17, %mul3A_16 : i32
    %select_n3A = arith.select %eq3A_12, %mul3A_14, %add3A_18 : i32
    "tpu.region"() ({
      %run_scoped3A = tpu.sem_alloc : memref<!tpu.dma_semaphore, #tpu.memory_space<semaphore_mem>>
      %dma_start3A_66 = arith.constant 0 : i32
      %dma_start3A_67 = tpu.memref_slice %arg3[%select_n3A, %dma_start3A_66] : memref<2696x120xi32, #tpu.memory_space<hbm>> -> memref<88x120xi32, #tpu.memory_space<hbm>>
      %dma_start3A_68 = arith.constant 0 : i32
      %dma_start3A_69 = tpu.memref_slice %arg3[%select_n3A, %dma_start3A_68] : memref<2696x120xi32, #tpu.memory_space<hbm>> -> memref<88x120xi32, #tpu.memory_space<hbm>>
      tpu.enqueue_dma source(%dma_start3A_69 : memref<88x120xi32, #tpu.memory_space<hbm>>) target(%arg6 : memref<88x120xi32, #tpu.memory_space<vmem>>) target_semaphore(%run_scoped3A : memref<!tpu.dma_semaphore, #tpu.memory_space<semaphore_mem>>)
      %dma_wait3A = arith.constant 0 : i32
      %dma_wait3A_70 = tpu.memref_slice %arg3[%select_n3A, %dma_wait3A] : memref<2696x120xi32, #tpu.memory_space<hbm>> -> memref<88x120xi32, #tpu.memory_space<hbm>>
      %dma_wait3A_71 = arith.constant 0 : i32
      %dma_wait3A_72 = tpu.memref_slice %arg3[%select_n3A, %dma_wait3A_71] : memref<2696x120xi32, #tpu.memory_space<hbm>> -> memref<88x120xi32, #tpu.memory_space<hbm>>
      tpu.wait_dma2 semaphore(%run_scoped3A : memref<!tpu.dma_semaphore, #tpu.memory_space<semaphore_mem>>) src(%dma_wait3A_72 : memref<88x120xi32, #tpu.memory_space<hbm>>) dst(%arg6 : memref<88x120xi32, #tpu.memory_space<vmem>>)
      tpu.yield
    }) : () -> ()
    "tpu.region"() ({
      %run_scoped3A = tpu.sem_alloc : memref<!tpu.dma_semaphore, #tpu.memory_space<semaphore_mem>>
      %dma_start3A_66 = arith.constant 0 : i32
      %dma_start3A_67 = tpu.memref_slice %arg4[%select_n3A, %dma_start3A_66] : memref<2696x120xi32, #tpu.memory_space<hbm>> -> memref<88x120xi32, #tpu.memory_space<hbm>>
      %dma_start3A_68 = arith.constant 0 : i32
      %dma_start3A_69 = tpu.memref_slice %arg4[%select_n3A, %dma_start3A_68] : memref<2696x120xi32, #tpu.memory_space<hbm>> -> memref<88x120xi32, #tpu.memory_space<hbm>>
      tpu.enqueue_dma source(%dma_start3A_69 : memref<88x120xi32, #tpu.memory_space<hbm>>) target(%arg7 : memref<88x120xi32, #tpu.memory_space<vmem>>) target_semaphore(%run_scoped3A : memref<!tpu.dma_semaphore, #tpu.memory_space<semaphore_mem>>)
      %dma_wait3A = arith.constant 0 : i32
      %dma_wait3A_70 = tpu.memref_slice %arg4[%select_n3A, %dma_wait3A] : memref<2696x120xi32, #tpu.memory_space<hbm>> -> memref<88x120xi32, #tpu.memory_space<hbm>>
      %dma_wait3A_71 = arith.constant 0 : i32
      %dma_wait3A_72 = tpu.memref_slice %arg4[%select_n3A, %dma_wait3A_71] : memref<2696x120xi32, #tpu.memory_space<hbm>> -> memref<88x120xi32, #tpu.memory_space<hbm>>
      tpu.wait_dma2 semaphore(%run_scoped3A : memref<!tpu.dma_semaphore, #tpu.memory_space<semaphore_mem>>) src(%dma_wait3A_72 : memref<88x120xi32, #tpu.memory_space<hbm>>) dst(%arg7 : memref<88x120xi32, #tpu.memory_space<vmem>>)
      tpu.yield
    }) : () -> ()
    %eq3A_19 = arith.constant 0 : i32
    %eq3A_20 = arith.cmpi eq, %arg0, %eq3A_19 : i32
    %jit3A = arith.constant 88 : i32
    %jit3A_21 = arith.constant 80 : i32
    %select_n3A_22 = arith.select %eq3A_20, %jit3A, %jit3A_21 : i32
    %barrier3A = arith.constant 0 : index
    tpu.barrier barrier_id(%barrier3A)
    %dma_start3A = arith.constant 0 : i32
    %dma_start3A_23 = arith.constant 0 : i32
    %dma_start3A_24 = tpu.memref_slice %arg6[%dma_start3A, %dma_start3A_23] : memref<88x120xi32, #tpu.memory_space<vmem>> -> memref<1x120xi32, #tpu.memory_space<vmem>>
    %dma_start3A_25 = tpu.memref_squeeze %dma_start3A_24 : memref<1x120xi32, #tpu.memory_space<vmem>> -> memref<120xi32, #tpu.memory_space<vmem>>
    %dma_start3A_26 = arith.constant 0 : i32
    %dma_start3A_27 = arith.constant 0 : i32
    %dma_start3A_28 = tpu.memref_slice %arg11[%dma_start3A_26, %dma_start3A_27] : memref<10000x64xf32, #tpu.memory_space<vmem_shared>> -> memref<10000x64xf32, #tpu.memory_space<vmem_shared>>
    tpu.enqueue_indirect_dma source(%dma_start3A_28 : memref<10000x64xf32, #tpu.memory_space<vmem_shared>>) target(%arg8 : memref<120x64xf32, #tpu.memory_space<vmem>>) offsets(%dma_start3A_25 : memref<120xi32, #tpu.memory_space<vmem>>) semaphore(%arg12 : memref<!tpu.dma_semaphore, #tpu.memory_space<semaphore_mem>>)
    %jit3A_29 = arith.constant 2 : i32
    %div3A = arith.divsi %select_n3A_22, %jit3A_29 : i32
    %sign3A = arith.constant 0 : i32
    %sign3A_30 = arith.cmpi sgt, %select_n3A_22, %sign3A : i32
    %sign3A_31 = arith.extui %sign3A_30 : i1 to i32
    %sign3A_32 = arith.constant 0 : i32
    %sign3A_33 = arith.cmpi slt, %select_n3A_22, %sign3A_32 : i32
    %sign3A_34 = arith.extui %sign3A_33 : i1 to i32
    %sign3A_35 = arith.subi %sign3A_31, %sign3A_34 : i32
    %sign3A_36 = arith.constant 0 : i32
    %sign3A_37 = arith.cmpi sgt, %jit3A_29, %sign3A_36 : i32
    %sign3A_38 = arith.extui %sign3A_37 : i1 to i32
    %sign3A_39 = arith.constant 0 : i32
    %sign3A_40 = arith.cmpi slt, %jit3A_29, %sign3A_39 : i32
    %sign3A_41 = arith.extui %sign3A_40 : i1 to i32
    %sign3A_42 = arith.subi %sign3A_38, %sign3A_41 : i32
    %ne3A = arith.cmpi ne, %sign3A_35, %sign3A_42 : i32
    %rem3A = arith.remsi %select_n3A_22, %jit3A_29 : i32
    %ne3A_43 = arith.constant 0 : i32
    %ne3A_44 = arith.cmpi ne, %rem3A, %ne3A_43 : i32
    %and3A = arith.andi %ne3A, %ne3A_44 : i1
    %sub3A = arith.constant 1 : i32
    %sub3A_45 = arith.subi %div3A, %sub3A : i32
    %select_n3A_46 = arith.select %and3A, %sub3A_45, %div3A : i32
    %while3A = arith.constant 0 : i32
    %while3A_47 = arith.constant 0 : i32
    %while3A_48 = arith.subi %select_n3A_46, %while3A_47 : i32
    %while3A_49 = arith.addi %while3A_47, %while3A_48 : i32
    %while3A_50 = arith.constant 1 : i32
    %while3A_51 = arith.divsi %while3A_48, %while3A_50 : i32
    %while3A_52 = arith.muli %while3A_51, %while3A_50 : i32
    %while3A_53 = arith.addi %while3A_47, %while3A_52 : i32
    %while3A_54 = arith.constant 1 : i32
    scf.for %while3A_66 = %while3A_47 to %while3A_53 step %while3A_54  : i32 {
      %mul3A_67 = arith.constant 2 : i32
      %mul3A_68 = arith.muli %mul3A_67, %while3A_66 : i32
      %add3A_69 = arith.constant 1 : i32
      %add3A_70 = arith.addi %mul3A_68, %add3A_69 : i32
      %dma_start3A_71 = arith.constant 0 : i32
      %dma_start3A_72 = tpu.memref_slice %arg6[%add3A_70, %dma_start3A_71] : memref<88x120xi32, #tpu.memory_space<vmem>> -> memref<1x120xi32, #tpu.memory_space<vmem>>
      %dma_start3A_73 = tpu.memref_squeeze %dma_start3A_72 : memref<1x120xi32, #tpu.memory_space<vmem>> -> memref<120xi32, #tpu.memory_space<vmem>>
      %dma_start3A_74 = arith.constant 0 : i32
      %dma_start3A_75 = arith.constant 0 : i32
      %dma_start3A_76 = tpu.memref_slice %arg11[%dma_start3A_74, %dma_start3A_75] : memref<10000x64xf32, #tpu.memory_space<vmem_shared>> -> memref<10000x64xf32, #tpu.memory_space<vmem_shared>>
      tpu.enqueue_indirect_dma source(%dma_start3A_76 : memref<10000x64xf32, #tpu.memory_space<vmem_shared>>) target(%arg9 : memref<120x64xf32, #tpu.memory_space<vmem>>) offsets(%dma_start3A_73 : memref<120xi32, #tpu.memory_space<vmem>>) semaphore(%arg12 : memref<!tpu.dma_semaphore, #tpu.memory_space<semaphore_mem>>)
      %dma_wait3A = arith.constant 0 : i32
      %dma_wait3A_77 = tpu.memref_slice %arg6[%mul3A_68, %dma_wait3A] : memref<88x120xi32, #tpu.memory_space<vmem>> -> memref<1x120xi32, #tpu.memory_space<vmem>>
      %dma_wait3A_78 = tpu.memref_squeeze %dma_wait3A_77 : memref<1x120xi32, #tpu.memory_space<vmem>> -> memref<120xi32, #tpu.memory_space<vmem>>
      %dma_wait3A_79 = arith.constant 0 : i32
      %dma_wait3A_80 = arith.constant 0 : i32
      %dma_wait3A_81 = tpu.memref_slice %arg11[%dma_wait3A_79, %dma_wait3A_80] : memref<10000x64xf32, #tpu.memory_space<vmem_shared>> -> memref<10000x64xf32, #tpu.memory_space<vmem_shared>>
      tpu.wait_indirect_dma semaphore(%arg12 : memref<!tpu.dma_semaphore, #tpu.memory_space<semaphore_mem>>) src(%dma_wait3A_81 : memref<10000x64xf32, #tpu.memory_space<vmem_shared>>) dst(%arg8 : memref<120x64xf32, #tpu.memory_space<vmem>>)
      "tpu.region"() ({
        %run_scoped3A = tpu.sem_alloc : memref<!tpu.dma_semaphore, #tpu.memory_space<semaphore_mem>>
        %dma_start3A_117 = arith.constant 0 : i32
        %dma_start3A_118 = tpu.memref_slice %arg7[%mul3A_68, %dma_start3A_117] : memref<88x120xi32, #tpu.memory_space<vmem>> -> memref<1x120xi32, #tpu.memory_space<vmem>>
        %dma_start3A_119 = tpu.memref_squeeze %dma_start3A_118 : memref<1x120xi32, #tpu.memory_space<vmem>> -> memref<120xi32, #tpu.memory_space<vmem>>
        %dma_start3A_120 = arith.constant 0 : i32
        %dma_start3A_121 = arith.constant 0 : i32
        %dma_start3A_122 = tpu.memref_slice %arg10[%dma_start3A_120, %dma_start3A_121] : memref<10128x64xf32, #tpu.memory_space<vmem_shared>> -> memref<10128x64xf32, #tpu.memory_space<vmem_shared>>
        tpu.enqueue_indirect_dma source(%arg8 : memref<120x64xf32, #tpu.memory_space<vmem>>) target(%dma_start3A_122 : memref<10128x64xf32, #tpu.memory_space<vmem_shared>>) offsets(%dma_start3A_119 : memref<120xi32, #tpu.memory_space<vmem>>) semaphore(%run_scoped3A : memref<!tpu.dma_semaphore, #tpu.memory_space<semaphore_mem>>) {add = true}
        %dma_wait3A_123 = arith.constant 0 : i32
        %dma_wait3A_124 = tpu.memref_slice %arg7[%mul3A_68, %dma_wait3A_123] : memref<88x120xi32, #tpu.memory_space<vmem>> -> memref<1x120xi32, #tpu.memory_space<vmem>>
        %dma_wait3A_125 = tpu.memref_squeeze %dma_wait3A_124 : memref<1x120xi32, #tpu.memory_space<vmem>> -> memref<120xi32, #tpu.memory_space<vmem>>
        %dma_wait3A_126 = arith.constant 0 : i32
        %dma_wait3A_127 = arith.constant 0 : i32
        %dma_wait3A_128 = tpu.memref_slice %arg10[%dma_wait3A_126, %dma_wait3A_127] : memref<10128x64xf32, #tpu.memory_space<vmem_shared>> -> memref<10128x64xf32, #tpu.memory_space<vmem_shared>>
        tpu.wait_indirect_dma semaphore(%run_scoped3A : memref<!tpu.dma_semaphore, #tpu.memory_space<semaphore_mem>>) src(%arg8 : memref<120x64xf32, #tpu.memory_space<vmem>>) dst(%dma_wait3A_128 : memref<10128x64xf32, #tpu.memory_space<vmem_shared>>)
        tpu.yield
      }) : () -> ()
      %jit3A_82 = arith.constant 2 : i32
      %div3A_83 = arith.divsi %select_n3A_22, %jit3A_82 : i32
      %sign3A_84 = arith.constant 0 : i32
      %sign3A_85 = arith.cmpi sgt, %select_n3A_22, %sign3A_84 : i32
      %sign3A_86 = arith.extui %sign3A_85 : i1 to i32
      %sign3A_87 = arith.constant 0 : i32
      %sign3A_88 = arith.cmpi slt, %select_n3A_22, %sign3A_87 : i32
      %sign3A_89 = arith.extui %sign3A_88 : i1 to i32
      %sign3A_90 = arith.subi %sign3A_86, %sign3A_89 : i32
      %sign3A_91 = arith.constant 0 : i32
      %sign3A_92 = arith.cmpi sgt, %jit3A_82, %sign3A_91 : i32
      %sign3A_93 = arith.extui %sign3A_92 : i1 to i32
      %sign3A_94 = arith.constant 0 : i32
      %sign3A_95 = arith.cmpi slt, %jit3A_82, %sign3A_94 : i32
      %sign3A_96 = arith.extui %sign3A_95 : i1 to i32
      %sign3A_97 = arith.subi %sign3A_93, %sign3A_96 : i32
      %ne3A_98 = arith.cmpi ne, %sign3A_90, %sign3A_97 : i32
      %rem3A_99 = arith.remsi %select_n3A_22, %jit3A_82 : i32
      %ne3A_100 = arith.constant 0 : i32
      %ne3A_101 = arith.cmpi ne, %rem3A_99, %ne3A_100 : i32
      %and3A_102 = arith.andi %ne3A_98, %ne3A_101 : i1
      %sub3A_103 = arith.constant 1 : i32
      %sub3A_104 = arith.subi %div3A_83, %sub3A_103 : i32
      %select_n3A_105 = arith.select %and3A_102, %sub3A_104, %div3A_83 : i32
      %sub3A_106 = arith.constant 1 : i32
      %sub3A_107 = arith.subi %select_n3A_105, %sub3A_106 : i32
      %lt3A = arith.cmpi slt, %while3A_66, %sub3A_107 : i32
      %convert_element_type3A_108 = arith.extui %lt3A : i1 to i32
      %cond3A_109 = arith.constant 0 : i32
      %cond3A_110 = arith.cmpi ne, %convert_element_type3A_108, %cond3A_109 : i32
      scf.if %cond3A_110 {
        %add3A_117 = arith.constant 2 : i32
        %add3A_118 = arith.addi %mul3A_68, %add3A_117 : i32
        %dma_start3A_119 = arith.constant 0 : i32
        %dma_start3A_120 = tpu.memref_slice %arg6[%add3A_118, %dma_start3A_119] : memref<88x120xi32, #tpu.memory_space<vmem>> -> memref<1x120xi32, #tpu.memory_space<vmem>>
        %dma_start3A_121 = tpu.memref_squeeze %dma_start3A_120 : memref<1x120xi32, #tpu.memory_space<vmem>> -> memref<120xi32, #tpu.memory_space<vmem>>
        %dma_start3A_122 = arith.constant 0 : i32
        %dma_start3A_123 = arith.constant 0 : i32
        %dma_start3A_124 = tpu.memref_slice %arg11[%dma_start3A_122, %dma_start3A_123] : memref<10000x64xf32, #tpu.memory_space<vmem_shared>> -> memref<10000x64xf32, #tpu.memory_space<vmem_shared>>
        tpu.enqueue_indirect_dma source(%dma_start3A_124 : memref<10000x64xf32, #tpu.memory_space<vmem_shared>>) target(%arg8 : memref<120x64xf32, #tpu.memory_space<vmem>>) offsets(%dma_start3A_121 : memref<120xi32, #tpu.memory_space<vmem>>) semaphore(%arg12 : memref<!tpu.dma_semaphore, #tpu.memory_space<semaphore_mem>>)
      } else {
      }
      %dma_wait3A_111 = arith.constant 0 : i32
      %dma_wait3A_112 = tpu.memref_slice %arg6[%add3A_70, %dma_wait3A_111] : memref<88x120xi32, #tpu.memory_space<vmem>> -> memref<1x120xi32, #tpu.memory_space<vmem>>
      %dma_wait3A_113 = tpu.memref_squeeze %dma_wait3A_112 : memref<1x120xi32, #tpu.memory_space<vmem>> -> memref<120xi32, #tpu.memory_space<vmem>>
      %dma_wait3A_114 = arith.constant 0 : i32
      %dma_wait3A_115 = arith.constant 0 : i32
      %dma_wait3A_116 = tpu.memref_slice %arg11[%dma_wait3A_114, %dma_wait3A_115] : memref<10000x64xf32, #tpu.memory_space<vmem_shared>> -> memref<10000x64xf32, #tpu.memory_space<vmem_shared>>
      tpu.wait_indirect_dma semaphore(%arg12 : memref<!tpu.dma_semaphore, #tpu.memory_space<semaphore_mem>>) src(%dma_wait3A_116 : memref<10000x64xf32, #tpu.memory_space<vmem_shared>>) dst(%arg9 : memref<120x64xf32, #tpu.memory_space<vmem>>)
      "tpu.region"() ({
        %run_scoped3A = tpu.sem_alloc : memref<!tpu.dma_semaphore, #tpu.memory_space<semaphore_mem>>
        %dma_start3A_117 = arith.constant 0 : i32
        %dma_start3A_118 = tpu.memref_slice %arg7[%add3A_70, %dma_start3A_117] : memref<88x120xi32, #tpu.memory_space<vmem>> -> memref<1x120xi32, #tpu.memory_space<vmem>>
        %dma_start3A_119 = tpu.memref_squeeze %dma_start3A_118 : memref<1x120xi32, #tpu.memory_space<vmem>> -> memref<120xi32, #tpu.memory_space<vmem>>
        %dma_start3A_120 = arith.constant 0 : i32
        %dma_start3A_121 = arith.constant 0 : i32
        %dma_start3A_122 = tpu.memref_slice %arg10[%dma_start3A_120, %dma_start3A_121] : memref<10128x64xf32, #tpu.memory_space<vmem_shared>> -> memref<10128x64xf32, #tpu.memory_space<vmem_shared>>
        tpu.enqueue_indirect_dma source(%arg9 : memref<120x64xf32, #tpu.memory_space<vmem>>) target(%dma_start3A_122 : memref<10128x64xf32, #tpu.memory_space<vmem_shared>>) offsets(%dma_start3A_119 : memref<120xi32, #tpu.memory_space<vmem>>) semaphore(%run_scoped3A : memref<!tpu.dma_semaphore, #tpu.memory_space<semaphore_mem>>) {add = true}
        %dma_wait3A_123 = arith.constant 0 : i32
        %dma_wait3A_124 = tpu.memref_slice %arg7[%add3A_70, %dma_wait3A_123] : memref<88x120xi32, #tpu.memory_space<vmem>> -> memref<1x120xi32, #tpu.memory_space<vmem>>
        %dma_wait3A_125 = tpu.memref_squeeze %dma_wait3A_124 : memref<1x120xi32, #tpu.memory_space<vmem>> -> memref<120xi32, #tpu.memory_space<vmem>>
        %dma_wait3A_126 = arith.constant 0 : i32
        %dma_wait3A_127 = arith.constant 0 : i32
        %dma_wait3A_128 = tpu.memref_slice %arg10[%dma_wait3A_126, %dma_wait3A_127] : memref<10128x64xf32, #tpu.memory_space<vmem_shared>> -> memref<10128x64xf32, #tpu.memory_space<vmem_shared>>
        tpu.wait_indirect_dma semaphore(%run_scoped3A : memref<!tpu.dma_semaphore, #tpu.memory_space<semaphore_mem>>) src(%arg9 : memref<120x64xf32, #tpu.memory_space<vmem>>) dst(%dma_wait3A_128 : memref<10128x64xf32, #tpu.memory_space<vmem_shared>>)
        tpu.yield
      }) : () -> ()
    }
    %while3A_55 = arith.constant 1 : i32
    scf.for %while3A_66 = %while3A_53 to %while3A_49 step %while3A_55  : i32 {
      %mul3A_67 = arith.constant 2 : i32
      %mul3A_68 = arith.muli %mul3A_67, %while3A_66 : i32
      %add3A_69 = arith.constant 1 : i32
      %add3A_70 = arith.addi %mul3A_68, %add3A_69 : i32
      %dma_start3A_71 = arith.constant 0 : i32
      %dma_start3A_72 = tpu.memref_slice %arg6[%add3A_70, %dma_start3A_71] : memref<88x120xi32, #tpu.memory_space<vmem>> -> memref<1x120xi32, #tpu.memory_space<vmem>>
      %dma_start3A_73 = tpu.memref_squeeze %dma_start3A_72 : memref<1x120xi32, #tpu.memory_space<vmem>> -> memref<120xi32, #tpu.memory_space<vmem>>
      %dma_start3A_74 = arith.constant 0 : i32
      %dma_start3A_75 = arith.constant 0 : i32
      %dma_start3A_76 = tpu.memref_slice %arg11[%dma_start3A_74, %dma_start3A_75] : memref<10000x64xf32, #tpu.memory_space<vmem_shared>> -> memref<10000x64xf32, #tpu.memory_space<vmem_shared>>
      tpu.enqueue_indirect_dma source(%dma_start3A_76 : memref<10000x64xf32, #tpu.memory_space<vmem_shared>>) target(%arg9 : memref<120x64xf32, #tpu.memory_space<vmem>>) offsets(%dma_start3A_73 : memref<120xi32, #tpu.memory_space<vmem>>) semaphore(%arg12 : memref<!tpu.dma_semaphore, #tpu.memory_space<semaphore_mem>>)
      %dma_wait3A = arith.constant 0 : i32
      %dma_wait3A_77 = tpu.memref_slice %arg6[%mul3A_68, %dma_wait3A] : memref<88x120xi32, #tpu.memory_space<vmem>> -> memref<1x120xi32, #tpu.memory_space<vmem>>
      %dma_wait3A_78 = tpu.memref_squeeze %dma_wait3A_77 : memref<1x120xi32, #tpu.memory_space<vmem>> -> memref<120xi32, #tpu.memory_space<vmem>>
      %dma_wait3A_79 = arith.constant 0 : i32
      %dma_wait3A_80 = arith.constant 0 : i32
      %dma_wait3A_81 = tpu.memref_slice %arg11[%dma_wait3A_79, %dma_wait3A_80] : memref<10000x64xf32, #tpu.memory_space<vmem_shared>> -> memref<10000x64xf32, #tpu.memory_space<vmem_shared>>
      tpu.wait_indirect_dma semaphore(%arg12 : memref<!tpu.dma_semaphore, #tpu.memory_space<semaphore_mem>>) src(%dma_wait3A_81 : memref<10000x64xf32, #tpu.memory_space<vmem_shared>>) dst(%arg8 : memref<120x64xf32, #tpu.memory_space<vmem>>)
      "tpu.region"() ({
        %run_scoped3A = tpu.sem_alloc : memref<!tpu.dma_semaphore, #tpu.memory_space<semaphore_mem>>
        %dma_start3A_117 = arith.constant 0 : i32
        %dma_start3A_118 = tpu.memref_slice %arg7[%mul3A_68, %dma_start3A_117] : memref<88x120xi32, #tpu.memory_space<vmem>> -> memref<1x120xi32, #tpu.memory_space<vmem>>
        %dma_start3A_119 = tpu.memref_squeeze %dma_start3A_118 : memref<1x120xi32, #tpu.memory_space<vmem>> -> memref<120xi32, #tpu.memory_space<vmem>>
        %dma_start3A_120 = arith.constant 0 : i32
        %dma_start3A_121 = arith.constant 0 : i32
        %dma_start3A_122 = tpu.memref_slice %arg10[%dma_start3A_120, %dma_start3A_121] : memref<10128x64xf32, #tpu.memory_space<vmem_shared>> -> memref<10128x64xf32, #tpu.memory_space<vmem_shared>>
        tpu.enqueue_indirect_dma source(%arg8 : memref<120x64xf32, #tpu.memory_space<vmem>>) target(%dma_start3A_122 : memref<10128x64xf32, #tpu.memory_space<vmem_shared>>) offsets(%dma_start3A_119 : memref<120xi32, #tpu.memory_space<vmem>>) semaphore(%run_scoped3A : memref<!tpu.dma_semaphore, #tpu.memory_space<semaphore_mem>>) {add = true}
        %dma_wait3A_123 = arith.constant 0 : i32
        %dma_wait3A_124 = tpu.memref_slice %arg7[%mul3A_68, %dma_wait3A_123] : memref<88x120xi32, #tpu.memory_space<vmem>> -> memref<1x120xi32, #tpu.memory_space<vmem>>
        %dma_wait3A_125 = tpu.memref_squeeze %dma_wait3A_124 : memref<1x120xi32, #tpu.memory_space<vmem>> -> memref<120xi32, #tpu.memory_space<vmem>>
        %dma_wait3A_126 = arith.constant 0 : i32
        %dma_wait3A_127 = arith.constant 0 : i32
        %dma_wait3A_128 = tpu.memref_slice %arg10[%dma_wait3A_126, %dma_wait3A_127] : memref<10128x64xf32, #tpu.memory_space<vmem_shared>> -> memref<10128x64xf32, #tpu.memory_space<vmem_shared>>
        tpu.wait_indirect_dma semaphore(%run_scoped3A : memref<!tpu.dma_semaphore, #tpu.memory_space<semaphore_mem>>) src(%arg8 : memref<120x64xf32, #tpu.memory_space<vmem>>) dst(%dma_wait3A_128 : memref<10128x64xf32, #tpu.memory_space<vmem_shared>>)
        tpu.yield
      }) : () -> ()
      %jit3A_82 = arith.constant 2 : i32
      %div3A_83 = arith.divsi %select_n3A_22, %jit3A_82 : i32
      %sign3A_84 = arith.constant 0 : i32
      %sign3A_85 = arith.cmpi sgt, %select_n3A_22, %sign3A_84 : i32
      %sign3A_86 = arith.extui %sign3A_85 : i1 to i32
      %sign3A_87 = arith.constant 0 : i32
      %sign3A_88 = arith.cmpi slt, %select_n3A_22, %sign3A_87 : i32
      %sign3A_89 = arith.extui %sign3A_88 : i1 to i32
      %sign3A_90 = arith.subi %sign3A_86, %sign3A_89 : i32
      %sign3A_91 = arith.constant 0 : i32
      %sign3A_92 = arith.cmpi sgt, %jit3A_82, %sign3A_91 : i32
      %sign3A_93 = arith.extui %sign3A_92 : i1 to i32
      %sign3A_94 = arith.constant 0 : i32
      %sign3A_95 = arith.cmpi slt, %jit3A_82, %sign3A_94 : i32
      %sign3A_96 = arith.extui %sign3A_95 : i1 to i32
      %sign3A_97 = arith.subi %sign3A_93, %sign3A_96 : i32
      %ne3A_98 = arith.cmpi ne, %sign3A_90, %sign3A_97 : i32
      %rem3A_99 = arith.remsi %select_n3A_22, %jit3A_82 : i32
      %ne3A_100 = arith.constant 0 : i32
      %ne3A_101 = arith.cmpi ne, %rem3A_99, %ne3A_100 : i32
      %and3A_102 = arith.andi %ne3A_98, %ne3A_101 : i1
      %sub3A_103 = arith.constant 1 : i32
      %sub3A_104 = arith.subi %div3A_83, %sub3A_103 : i32
      %select_n3A_105 = arith.select %and3A_102, %sub3A_104, %div3A_83 : i32
      %sub3A_106 = arith.constant 1 : i32
      %sub3A_107 = arith.subi %select_n3A_105, %sub3A_106 : i32
      %lt3A = arith.cmpi slt, %while3A_66, %sub3A_107 : i32
      %convert_element_type3A_108 = arith.extui %lt3A : i1 to i32
      %cond3A_109 = arith.constant 0 : i32
      %cond3A_110 = arith.cmpi ne, %convert_element_type3A_108, %cond3A_109 : i32
      scf.if %cond3A_110 {
        %add3A_117 = arith.constant 2 : i32
        %add3A_118 = arith.addi %mul3A_68, %add3A_117 : i32
        %dma_start3A_119 = arith.constant 0 : i32
        %dma_start3A_120 = tpu.memref_slice %arg6[%add3A_118, %dma_start3A_119] : memref<88x120xi32, #tpu.memory_space<vmem>> -> memref<1x120xi32, #tpu.memory_space<vmem>>
        %dma_start3A_121 = tpu.memref_squeeze %dma_start3A_120 : memref<1x120xi32, #tpu.memory_space<vmem>> -> memref<120xi32, #tpu.memory_space<vmem>>
        %dma_start3A_122 = arith.constant 0 : i32
        %dma_start3A_123 = arith.constant 0 : i32
        %dma_start3A_124 = tpu.memref_slice %arg11[%dma_start3A_122, %dma_start3A_123] : memref<10000x64xf32, #tpu.memory_space<vmem_shared>> -> memref<10000x64xf32, #tpu.memory_space<vmem_shared>>
        tpu.enqueue_indirect_dma source(%dma_start3A_124 : memref<10000x64xf32, #tpu.memory_space<vmem_shared>>) target(%arg8 : memref<120x64xf32, #tpu.memory_space<vmem>>) offsets(%dma_start3A_121 : memref<120xi32, #tpu.memory_space<vmem>>) semaphore(%arg12 : memref<!tpu.dma_semaphore, #tpu.memory_space<semaphore_mem>>)
      } else {
      }
      %dma_wait3A_111 = arith.constant 0 : i32
      %dma_wait3A_112 = tpu.memref_slice %arg6[%add3A_70, %dma_wait3A_111] : memref<88x120xi32, #tpu.memory_space<vmem>> -> memref<1x120xi32, #tpu.memory_space<vmem>>
      %dma_wait3A_113 = tpu.memref_squeeze %dma_wait3A_112 : memref<1x120xi32, #tpu.memory_space<vmem>> -> memref<120xi32, #tpu.memory_space<vmem>>
      %dma_wait3A_114 = arith.constant 0 : i32
      %dma_wait3A_115 = arith.constant 0 : i32
      %dma_wait3A_116 = tpu.memref_slice %arg11[%dma_wait3A_114, %dma_wait3A_115] : memref<10000x64xf32, #tpu.memory_space<vmem_shared>> -> memref<10000x64xf32, #tpu.memory_space<vmem_shared>>
      tpu.wait_indirect_dma semaphore(%arg12 : memref<!tpu.dma_semaphore, #tpu.memory_space<semaphore_mem>>) src(%dma_wait3A_116 : memref<10000x64xf32, #tpu.memory_space<vmem_shared>>) dst(%arg9 : memref<120x64xf32, #tpu.memory_space<vmem>>)
      "tpu.region"() ({
        %run_scoped3A = tpu.sem_alloc : memref<!tpu.dma_semaphore, #tpu.memory_space<semaphore_mem>>
        %dma_start3A_117 = arith.constant 0 : i32
        %dma_start3A_118 = tpu.memref_slice %arg7[%add3A_70, %dma_start3A_117] : memref<88x120xi32, #tpu.memory_space<vmem>> -> memref<1x120xi32, #tpu.memory_space<vmem>>
        %dma_start3A_119 = tpu.memref_squeeze %dma_start3A_118 : memref<1x120xi32, #tpu.memory_space<vmem>> -> memref<120xi32, #tpu.memory_space<vmem>>
        %dma_start3A_120 = arith.constant 0 : i32
        %dma_start3A_121 = arith.constant 0 : i32
        %dma_start3A_122 = tpu.memref_slice %arg10[%dma_start3A_120, %dma_start3A_121] : memref<10128x64xf32, #tpu.memory_space<vmem_shared>> -> memref<10128x64xf32, #tpu.memory_space<vmem_shared>>
        tpu.enqueue_indirect_dma source(%arg9 : memref<120x64xf32, #tpu.memory_space<vmem>>) target(%dma_start3A_122 : memref<10128x64xf32, #tpu.memory_space<vmem_shared>>) offsets(%dma_start3A_119 : memref<120xi32, #tpu.memory_space<vmem>>) semaphore(%run_scoped3A : memref<!tpu.dma_semaphore, #tpu.memory_space<semaphore_mem>>) {add = true}
        %dma_wait3A_123 = arith.constant 0 : i32
        %dma_wait3A_124 = tpu.memref_slice %arg7[%add3A_70, %dma_wait3A_123] : memref<88x120xi32, #tpu.memory_space<vmem>> -> memref<1x120xi32, #tpu.memory_space<vmem>>
        %dma_wait3A_125 = tpu.memref_squeeze %dma_wait3A_124 : memref<1x120xi32, #tpu.memory_space<vmem>> -> memref<120xi32, #tpu.memory_space<vmem>>
        %dma_wait3A_126 = arith.constant 0 : i32
        %dma_wait3A_127 = arith.constant 0 : i32
        %dma_wait3A_128 = tpu.memref_slice %arg10[%dma_wait3A_126, %dma_wait3A_127] : memref<10128x64xf32, #tpu.memory_space<vmem_shared>> -> memref<10128x64xf32, #tpu.memory_space<vmem_shared>>
        tpu.wait_indirect_dma semaphore(%run_scoped3A : memref<!tpu.dma_semaphore, #tpu.memory_space<semaphore_mem>>) src(%arg9 : memref<120x64xf32, #tpu.memory_space<vmem>>) dst(%dma_wait3A_128 : memref<10128x64xf32, #tpu.memory_space<vmem_shared>>)
        tpu.yield
      }) : () -> ()
    }
    %barrier3A_56 = arith.constant 0 : index
    tpu.barrier barrier_id(%barrier3A_56)
    %mul3A_57 = arith.constant 624 : i32
    %mul3A_58 = arith.muli %arg1, %mul3A_57 : i32
    %mul3A_59 = arith.constant 624 : i32
    %mul3A_60 = arith.muli %arg1, %mul3A_59 : i32
    "tpu.region"() ({
      %run_scoped3A = tpu.sem_alloc : memref<!tpu.dma_semaphore, #tpu.memory_space<semaphore_mem>>
      %dma_start3A_66 = arith.constant 0 : i32
      %dma_start3A_67 = tpu.memref_slice %arg5[%arg0, %mul3A_60, %dma_start3A_66] : memref<2x10000x64xf32, #tpu.memory_space<hbm>> -> memref<1x624x64xf32, #tpu.memory_space<hbm>>
      %dma_start3A_68 = tpu.memref_squeeze %dma_start3A_67 : memref<1x624x64xf32, #tpu.memory_space<hbm>> -> memref<624x64xf32, #tpu.memory_space<hbm>>
      %dma_start3A_69 = arith.constant 0 : i32
      %dma_start3A_70 = tpu.memref_slice %arg10[%mul3A_58, %dma_start3A_69] : memref<10128x64xf32, #tpu.memory_space<vmem_shared>> -> memref<624x64xf32, #tpu.memory_space<vmem_shared>>
      tpu.enqueue_dma source(%dma_start3A_70 : memref<624x64xf32, #tpu.memory_space<vmem_shared>>) target(%dma_start3A_68 : memref<624x64xf32, #tpu.memory_space<hbm>>) target_semaphore(%run_scoped3A : memref<!tpu.dma_semaphore, #tpu.memory_space<semaphore_mem>>)
      %dma_wait3A = arith.constant 0 : i32
      %dma_wait3A_71 = tpu.memref_slice %arg5[%arg0, %mul3A_60, %dma_wait3A] : memref<2x10000x64xf32, #tpu.memory_space<hbm>> -> memref<1x624x64xf32, #tpu.memory_space<hbm>>
      %dma_wait3A_72 = tpu.memref_squeeze %dma_wait3A_71 : memref<1x624x64xf32, #tpu.memory_space<hbm>> -> memref<624x64xf32, #tpu.memory_space<hbm>>
      %dma_wait3A_73 = arith.constant 0 : i32
      %dma_wait3A_74 = tpu.memref_slice %arg10[%mul3A_58, %dma_wait3A_73] : memref<10128x64xf32, #tpu.memory_space<vmem_shared>> -> memref<624x64xf32, #tpu.memory_space<vmem_shared>>
      tpu.wait_dma2 semaphore(%run_scoped3A : memref<!tpu.dma_semaphore, #tpu.memory_space<semaphore_mem>>) src(%dma_wait3A_74 : memref<624x64xf32, #tpu.memory_space<vmem_shared>>) dst(%dma_wait3A_72 : memref<624x64xf32, #tpu.memory_space<hbm>>)
      tpu.yield
    }) : () -> ()
    %eq3A_61 = arith.constant 15 : i32
    %eq3A_62 = arith.cmpi eq, %arg1, %eq3A_61 : i32
    %convert_element_type3A_63 = arith.extui %eq3A_62 : i1 to i32
    %cond3A_64 = arith.constant 0 : i32
    %cond3A_65 = arith.cmpi ne, %convert_element_type3A_63, %cond3A_64 : i32
    scf.if %cond3A_65 {
      "tpu.region"() ({
        %run_scoped3A = tpu.sem_alloc : memref<!tpu.dma_semaphore, #tpu.memory_space<semaphore_mem>>
        %dma_start3A_66 = arith.constant 9984 : i32
        %dma_start3A_67 = arith.constant 0 : i32
        %dma_start3A_68 = tpu.memref_slice %arg5[%arg0, %dma_start3A_66, %dma_start3A_67] : memref<2x10000x64xf32, #tpu.memory_space<hbm>> -> memref<1x16x64xf32, #tpu.memory_space<hbm>>
        %dma_start3A_69 = tpu.memref_squeeze %dma_start3A_68 : memref<1x16x64xf32, #tpu.memory_space<hbm>> -> memref<16x64xf32, #tpu.memory_space<hbm>>
        %dma_start3A_70 = arith.constant 9984 : i32
        %dma_start3A_71 = arith.constant 0 : i32
        %dma_start3A_72 = tpu.memref_slice %arg10[%dma_start3A_70, %dma_start3A_71] : memref<10128x64xf32, #tpu.memory_space<vmem_shared>> -> memref<16x64xf32, #tpu.memory_space<vmem_shared>>
        tpu.enqueue_dma source(%dma_start3A_72 : memref<16x64xf32, #tpu.memory_space<vmem_shared>>) target(%dma_start3A_69 : memref<16x64xf32, #tpu.memory_space<hbm>>) target_semaphore(%run_scoped3A : memref<!tpu.dma_semaphore, #tpu.memory_space<semaphore_mem>>)
        %dma_wait3A = arith.constant 9984 : i32
        %dma_wait3A_73 = arith.constant 0 : i32
        %dma_wait3A_74 = tpu.memref_slice %arg5[%arg0, %dma_wait3A, %dma_wait3A_73] : memref<2x10000x64xf32, #tpu.memory_space<hbm>> -> memref<1x16x64xf32, #tpu.memory_space<hbm>>
        %dma_wait3A_75 = tpu.memref_squeeze %dma_wait3A_74 : memref<1x16x64xf32, #tpu.memory_space<hbm>> -> memref<16x64xf32, #tpu.memory_space<hbm>>
        %dma_wait3A_76 = arith.constant 9984 : i32
        %dma_wait3A_77 = arith.constant 0 : i32
        %dma_wait3A_78 = tpu.memref_slice %arg10[%dma_wait3A_76, %dma_wait3A_77] : memref<10128x64xf32, #tpu.memory_space<vmem_shared>> -> memref<16x64xf32, #tpu.memory_space<vmem_shared>>
        tpu.wait_dma2 semaphore(%run_scoped3A : memref<!tpu.dma_semaphore, #tpu.memory_space<semaphore_mem>>) src(%dma_wait3A_78 : memref<16x64xf32, #tpu.memory_space<vmem_shared>>) dst(%dma_wait3A_75 : memref<16x64xf32, #tpu.memory_space<hbm>>)
        tpu.yield
      }) : () -> ()
    } else {
    }
    return
  }
}

#map = affine_map<(d0, d1) -> (0, 0)>
#map1 = affine_map<(d0, d1) -> (0, 0, 0)>
module attributes {stable_mosaic.version = 14 : i64} {
  func.func @_agg_body(%arg0: i32, %arg1: i32, %arg2: memref<10000x64xf32, #tpu.memory_space<hbm>>, %arg3: memref<2696x120xi32, #tpu.memory_space<hbm>>, %arg4: memref<2696x120xi32, #tpu.memory_space<hbm>>, %arg5: memref<2x10000x64xf32, #tpu.memory_space<hbm>>, %arg6: memref<88x120xi32, #tpu.memory_space<vmem>>, %arg7: memref<88x120xi32, #tpu.memory_space<vmem>>, %arg8: memref<120x64xf32, #tpu.memory_space<vmem>>, %arg9: memref<120x64xf32, #tpu.memory_space<vmem>>, %arg10: memref<10128x64xf32, #tpu.memory_space<vmem_shared>>, %arg11: memref<10000x64xf32, #tpu.memory_space<vmem_shared>>, %arg12: memref<!tpu.dma_semaphore, #tpu.memory_space<semaphore_mem>>, %arg13: memref<!tpu.dma_semaphore, #tpu.memory_space<semaphore_mem>>) attributes {dimension_semantics = [#tpu.dimension_semantics<core_parallel>, #tpu.dimension_semantics<subcore_parallel>], iteration_bounds = array<i64: 2, 16>, scalar_prefetch = 0 : i64, scratch_operands = 8 : i64, tpu.core_type = #tpu.core_type<sc_vector_subcore>, window_params = [{transform_indices = #map}, {transform_indices = #map}, {transform_indices = #map}, {transform_indices = #map1}]} {
    %mul3A = arith.constant 16 : i32
    %mul3A_0 = arith.muli %arg0, %mul3A : i32
    %add3A = arith.addi %mul3A_0, %arg1 : i32
    %mul3A_1 = arith.constant 624 : i32
    %mul3A_2 = arith.muli %arg1, %mul3A_1 : i32
    %mul3A_3 = arith.constant 624 : i32
    %mul3A_4 = arith.muli %arg1, %mul3A_3 : i32
    "tpu.region"() ({
      %run_scoped3A = tpu.sem_alloc : memref<!tpu.dma_semaphore, #tpu.memory_space<semaphore_mem>>
      %dma_start3A_66 = arith.constant 0 : i32
      %dma_start3A_67 = tpu.memref_slice %arg10[%mul3A_4, %dma_start3A_66] : memref<10128x64xf32, #tpu.memory_space<vmem_shared>> -> memref<624x64xf32, #tpu.memory_space<vmem_shared>>
      %dma_start3A_68 = arith.constant 0 : i32
      %dma_start3A_69 = tpu.memref_slice %arg2[%mul3A_2, %dma_start3A_68] : memref<10000x64xf32, #tpu.memory_space<hbm>> -> memref<624x64xf32, #tpu.memory_space<hbm>>
      tpu.enqueue_dma source(%dma_start3A_69 : memref<624x64xf32, #tpu.memory_space<hbm>>) target(%dma_start3A_67 : memref<624x64xf32, #tpu.memory_space<vmem_shared>>) target_semaphore(%run_scoped3A : memref<!tpu.dma_semaphore, #tpu.memory_space<semaphore_mem>>)
      %dma_wait3A = arith.constant 0 : i32
      %dma_wait3A_70 = tpu.memref_slice %arg10[%mul3A_4, %dma_wait3A] : memref<10128x64xf32, #tpu.memory_space<vmem_shared>> -> memref<624x64xf32, #tpu.memory_space<vmem_shared>>
      %dma_wait3A_71 = arith.constant 0 : i32
      %dma_wait3A_72 = tpu.memref_slice %arg2[%mul3A_2, %dma_wait3A_71] : memref<10000x64xf32, #tpu.memory_space<hbm>> -> memref<624x64xf32, #tpu.memory_space<hbm>>
      tpu.wait_dma2 semaphore(%run_scoped3A : memref<!tpu.dma_semaphore, #tpu.memory_space<semaphore_mem>>) src(%dma_wait3A_72 : memref<624x64xf32, #tpu.memory_space<hbm>>) dst(%dma_wait3A_70 : memref<624x64xf32, #tpu.memory_space<vmem_shared>>)
      tpu.yield
    }) : () -> ()
    %mul3A_5 = arith.constant 624 : i32
    %mul3A_6 = arith.muli %arg1, %mul3A_5 : i32
    %mul3A_7 = arith.constant 624 : i32
    %mul3A_8 = arith.muli %arg1, %mul3A_7 : i32
    "tpu.region"() ({
      %run_scoped3A = tpu.sem_alloc : memref<!tpu.dma_semaphore, #tpu.memory_space<semaphore_mem>>
      %dma_start3A_66 = arith.constant 0 : i32
      %dma_start3A_67 = tpu.memref_slice %arg11[%mul3A_8, %dma_start3A_66] : memref<10000x64xf32, #tpu.memory_space<vmem_shared>> -> memref<624x64xf32, #tpu.memory_space<vmem_shared>>
      %dma_start3A_68 = arith.constant 0 : i32
      %dma_start3A_69 = tpu.memref_slice %arg2[%mul3A_6, %dma_start3A_68] : memref<10000x64xf32, #tpu.memory_space<hbm>> -> memref<624x64xf32, #tpu.memory_space<hbm>>
      tpu.enqueue_dma source(%dma_start3A_69 : memref<624x64xf32, #tpu.memory_space<hbm>>) target(%dma_start3A_67 : memref<624x64xf32, #tpu.memory_space<vmem_shared>>) target_semaphore(%run_scoped3A : memref<!tpu.dma_semaphore, #tpu.memory_space<semaphore_mem>>)
      %dma_wait3A = arith.constant 0 : i32
      %dma_wait3A_70 = tpu.memref_slice %arg11[%mul3A_8, %dma_wait3A] : memref<10000x64xf32, #tpu.memory_space<vmem_shared>> -> memref<624x64xf32, #tpu.memory_space<vmem_shared>>
      %dma_wait3A_71 = arith.constant 0 : i32
      %dma_wait3A_72 = tpu.memref_slice %arg2[%mul3A_6, %dma_wait3A_71] : memref<10000x64xf32, #tpu.memory_space<hbm>> -> memref<624x64xf32, #tpu.memory_space<hbm>>
      tpu.wait_dma2 semaphore(%run_scoped3A : memref<!tpu.dma_semaphore, #tpu.memory_space<semaphore_mem>>) src(%dma_wait3A_72 : memref<624x64xf32, #tpu.memory_space<hbm>>) dst(%dma_wait3A_70 : memref<624x64xf32, #tpu.memory_space<vmem_shared>>)
      tpu.yield
    }) : () -> ()
    %eq3A = arith.constant 15 : i32
    %eq3A_9 = arith.cmpi eq, %arg1, %eq3A : i32
    %convert_element_type3A = arith.extui %eq3A_9 : i1 to i32
    %cond3A = arith.constant 0 : i32
    %cond3A_10 = arith.cmpi ne, %convert_element_type3A, %cond3A : i32
    scf.if %cond3A_10 {
      "tpu.region"() ({
        %run_scoped3A = tpu.sem_alloc : memref<!tpu.dma_semaphore, #tpu.memory_space<semaphore_mem>>
        %dma_start3A_66 = arith.constant 9984 : i32
        %dma_start3A_67 = arith.constant 0 : i32
        %dma_start3A_68 = tpu.memref_slice %arg10[%dma_start3A_66, %dma_start3A_67] : memref<10128x64xf32, #tpu.memory_space<vmem_shared>> -> memref<16x64xf32, #tpu.memory_space<vmem_shared>>
        %dma_start3A_69 = arith.constant 9984 : i32
        %dma_start3A_70 = arith.constant 0 : i32
        %dma_start3A_71 = tpu.memref_slice %arg2[%dma_start3A_69, %dma_start3A_70] : memref<10000x64xf32, #tpu.memory_space<hbm>> -> memref<16x64xf32, #tpu.memory_space<hbm>>
        tpu.enqueue_dma source(%dma_start3A_71 : memref<16x64xf32, #tpu.memory_space<hbm>>) target(%dma_start3A_68 : memref<16x64xf32, #tpu.memory_space<vmem_shared>>) target_semaphore(%run_scoped3A : memref<!tpu.dma_semaphore, #tpu.memory_space<semaphore_mem>>)
        %dma_wait3A = arith.constant 9984 : i32
        %dma_wait3A_72 = arith.constant 0 : i32
        %dma_wait3A_73 = tpu.memref_slice %arg10[%dma_wait3A, %dma_wait3A_72] : memref<10128x64xf32, #tpu.memory_space<vmem_shared>> -> memref<16x64xf32, #tpu.memory_space<vmem_shared>>
        %dma_wait3A_74 = arith.constant 9984 : i32
        %dma_wait3A_75 = arith.constant 0 : i32
        %dma_wait3A_76 = tpu.memref_slice %arg2[%dma_wait3A_74, %dma_wait3A_75] : memref<10000x64xf32, #tpu.memory_space<hbm>> -> memref<16x64xf32, #tpu.memory_space<hbm>>
        tpu.wait_dma2 semaphore(%run_scoped3A : memref<!tpu.dma_semaphore, #tpu.memory_space<semaphore_mem>>) src(%dma_wait3A_76 : memref<16x64xf32, #tpu.memory_space<hbm>>) dst(%dma_wait3A_73 : memref<16x64xf32, #tpu.memory_space<vmem_shared>>)
        tpu.yield
      }) : () -> ()
      "tpu.region"() ({
        %run_scoped3A = tpu.sem_alloc : memref<!tpu.dma_semaphore, #tpu.memory_space<semaphore_mem>>
        %dma_start3A_66 = arith.constant 9984 : i32
        %dma_start3A_67 = arith.constant 0 : i32
        %dma_start3A_68 = tpu.memref_slice %arg11[%dma_start3A_66, %dma_start3A_67] : memref<10000x64xf32, #tpu.memory_space<vmem_shared>> -> memref<16x64xf32, #tpu.memory_space<vmem_shared>>
        %dma_start3A_69 = arith.constant 9984 : i32
        %dma_start3A_70 = arith.constant 0 : i32
        %dma_start3A_71 = tpu.memref_slice %arg2[%dma_start3A_69, %dma_start3A_70] : memref<10000x64xf32, #tpu.memory_space<hbm>> -> memref<16x64xf32, #tpu.memory_space<hbm>>
        tpu.enqueue_dma source(%dma_start3A_71 : memref<16x64xf32, #tpu.memory_space<hbm>>) target(%dma_start3A_68 : memref<16x64xf32, #tpu.memory_space<vmem_shared>>) target_semaphore(%run_scoped3A : memref<!tpu.dma_semaphore, #tpu.memory_space<semaphore_mem>>)
        %dma_wait3A = arith.constant 9984 : i32
        %dma_wait3A_72 = arith.constant 0 : i32
        %dma_wait3A_73 = tpu.memref_slice %arg11[%dma_wait3A, %dma_wait3A_72] : memref<10000x64xf32, #tpu.memory_space<vmem_shared>> -> memref<16x64xf32, #tpu.memory_space<vmem_shared>>
        %dma_wait3A_74 = arith.constant 9984 : i32
        %dma_wait3A_75 = arith.constant 0 : i32
        %dma_wait3A_76 = tpu.memref_slice %arg2[%dma_wait3A_74, %dma_wait3A_75] : memref<10000x64xf32, #tpu.memory_space<hbm>> -> memref<16x64xf32, #tpu.memory_space<hbm>>
        tpu.wait_dma2 semaphore(%run_scoped3A : memref<!tpu.dma_semaphore, #tpu.memory_space<semaphore_mem>>) src(%dma_wait3A_76 : memref<16x64xf32, #tpu.memory_space<hbm>>) dst(%dma_wait3A_73 : memref<16x64xf32, #tpu.memory_space<vmem_shared>>)
        tpu.yield
      }) : () -> ()
    } else {
    }
    %eq3A_11 = arith.constant 0 : i32
    %eq3A_12 = arith.cmpi eq, %arg0, %eq3A_11 : i32
    %mul3A_13 = arith.constant 88 : i32
    %mul3A_14 = arith.muli %arg1, %mul3A_13 : i32
    %mul3A_15 = arith.constant 80 : i32
    %mul3A_16 = arith.muli %arg1, %mul3A_15 : i32
    %add3A_17 = arith.constant 1408 : i32
    %add3A_18 = arith.addi %add3A_17, %mul3A_16 : i32
    %select_n3A = arith.select %eq3A_12, %mul3A_14, %add3A_18 : i32
    "tpu.region"() ({
      %run_scoped3A = tpu.sem_alloc : memref<!tpu.dma_semaphore, #tpu.memory_space<semaphore_mem>>
      %dma_start3A_66 = arith.constant 0 : i32
      %dma_start3A_67 = tpu.memref_slice %arg3[%select_n3A, %dma_start3A_66] : memref<2696x120xi32, #tpu.memory_space<hbm>> -> memref<88x120xi32, #tpu.memory_space<hbm>>
      %dma_start3A_68 = arith.constant 0 : i32
      %dma_start3A_69 = tpu.memref_slice %arg3[%select_n3A, %dma_start3A_68] : memref<2696x120xi32, #tpu.memory_space<hbm>> -> memref<88x120xi32, #tpu.memory_space<hbm>>
      tpu.enqueue_dma source(%dma_start3A_69 : memref<88x120xi32, #tpu.memory_space<hbm>>) target(%arg6 : memref<88x120xi32, #tpu.memory_space<vmem>>) target_semaphore(%run_scoped3A : memref<!tpu.dma_semaphore, #tpu.memory_space<semaphore_mem>>)
      %dma_wait3A = arith.constant 0 : i32
      %dma_wait3A_70 = tpu.memref_slice %arg3[%select_n3A, %dma_wait3A] : memref<2696x120xi32, #tpu.memory_space<hbm>> -> memref<88x120xi32, #tpu.memory_space<hbm>>
      %dma_wait3A_71 = arith.constant 0 : i32
      %dma_wait3A_72 = tpu.memref_slice %arg3[%select_n3A, %dma_wait3A_71] : memref<2696x120xi32, #tpu.memory_space<hbm>> -> memref<88x120xi32, #tpu.memory_space<hbm>>
      tpu.wait_dma2 semaphore(%run_scoped3A : memref<!tpu.dma_semaphore, #tpu.memory_space<semaphore_mem>>) src(%dma_wait3A_72 : memref<88x120xi32, #tpu.memory_space<hbm>>) dst(%arg6 : memref<88x120xi32, #tpu.memory_space<vmem>>)
      tpu.yield
    }) : () -> ()
    "tpu.region"() ({
      %run_scoped3A = tpu.sem_alloc : memref<!tpu.dma_semaphore, #tpu.memory_space<semaphore_mem>>
      %dma_start3A_66 = arith.constant 0 : i32
      %dma_start3A_67 = tpu.memref_slice %arg4[%select_n3A, %dma_start3A_66] : memref<2696x120xi32, #tpu.memory_space<hbm>> -> memref<88x120xi32, #tpu.memory_space<hbm>>
      %dma_start3A_68 = arith.constant 0 : i32
      %dma_start3A_69 = tpu.memref_slice %arg4[%select_n3A, %dma_start3A_68] : memref<2696x120xi32, #tpu.memory_space<hbm>> -> memref<88x120xi32, #tpu.memory_space<hbm>>
      tpu.enqueue_dma source(%dma_start3A_69 : memref<88x120xi32, #tpu.memory_space<hbm>>) target(%arg7 : memref<88x120xi32, #tpu.memory_space<vmem>>) target_semaphore(%run_scoped3A : memref<!tpu.dma_semaphore, #tpu.memory_space<semaphore_mem>>)
      %dma_wait3A = arith.constant 0 : i32
      %dma_wait3A_70 = tpu.memref_slice %arg4[%select_n3A, %dma_wait3A] : memref<2696x120xi32, #tpu.memory_space<hbm>> -> memref<88x120xi32, #tpu.memory_space<hbm>>
      %dma_wait3A_71 = arith.constant 0 : i32
      %dma_wait3A_72 = tpu.memref_slice %arg4[%select_n3A, %dma_wait3A_71] : memref<2696x120xi32, #tpu.memory_space<hbm>> -> memref<88x120xi32, #tpu.memory_space<hbm>>
      tpu.wait_dma2 semaphore(%run_scoped3A : memref<!tpu.dma_semaphore, #tpu.memory_space<semaphore_mem>>) src(%dma_wait3A_72 : memref<88x120xi32, #tpu.memory_space<hbm>>) dst(%arg7 : memref<88x120xi32, #tpu.memory_space<vmem>>)
      tpu.yield
    }) : () -> ()
    %eq3A_19 = arith.constant 0 : i32
    %eq3A_20 = arith.cmpi eq, %arg0, %eq3A_19 : i32
    %jit3A = arith.constant 88 : i32
    %jit3A_21 = arith.constant 80 : i32
    %select_n3A_22 = arith.select %eq3A_20, %jit3A, %jit3A_21 : i32
    %barrier3A = arith.constant 0 : index
    tpu.barrier barrier_id(%barrier3A)
    %dma_start3A = arith.constant 0 : i32
    %dma_start3A_23 = arith.constant 0 : i32
    %dma_start3A_24 = tpu.memref_slice %arg6[%dma_start3A, %dma_start3A_23] : memref<88x120xi32, #tpu.memory_space<vmem>> -> memref<1x120xi32, #tpu.memory_space<vmem>>
    %dma_start3A_25 = tpu.memref_squeeze %dma_start3A_24 : memref<1x120xi32, #tpu.memory_space<vmem>> -> memref<120xi32, #tpu.memory_space<vmem>>
    %dma_start3A_26 = arith.constant 0 : i32
    %dma_start3A_27 = arith.constant 0 : i32
    %dma_start3A_28 = tpu.memref_slice %arg11[%dma_start3A_26, %dma_start3A_27] : memref<10000x64xf32, #tpu.memory_space<vmem_shared>> -> memref<10000x64xf32, #tpu.memory_space<vmem_shared>>
    tpu.enqueue_indirect_dma source(%dma_start3A_28 : memref<10000x64xf32, #tpu.memory_space<vmem_shared>>) target(%arg8 : memref<120x64xf32, #tpu.memory_space<vmem>>) offsets(%dma_start3A_25 : memref<120xi32, #tpu.memory_space<vmem>>) semaphore(%arg12 : memref<!tpu.dma_semaphore, #tpu.memory_space<semaphore_mem>>)
    %jit3A_29 = arith.constant 2 : i32
    %div3A = arith.divsi %select_n3A_22, %jit3A_29 : i32
    %sign3A = arith.constant 0 : i32
    %sign3A_30 = arith.cmpi sgt, %select_n3A_22, %sign3A : i32
    %sign3A_31 = arith.extui %sign3A_30 : i1 to i32
    %sign3A_32 = arith.constant 0 : i32
    %sign3A_33 = arith.cmpi slt, %select_n3A_22, %sign3A_32 : i32
    %sign3A_34 = arith.extui %sign3A_33 : i1 to i32
    %sign3A_35 = arith.subi %sign3A_31, %sign3A_34 : i32
    %sign3A_36 = arith.constant 0 : i32
    %sign3A_37 = arith.cmpi sgt, %jit3A_29, %sign3A_36 : i32
    %sign3A_38 = arith.extui %sign3A_37 : i1 to i32
    %sign3A_39 = arith.constant 0 : i32
    %sign3A_40 = arith.cmpi slt, %jit3A_29, %sign3A_39 : i32
    %sign3A_41 = arith.extui %sign3A_40 : i1 to i32
    %sign3A_42 = arith.subi %sign3A_38, %sign3A_41 : i32
    %ne3A = arith.cmpi ne, %sign3A_35, %sign3A_42 : i32
    %rem3A = arith.remsi %select_n3A_22, %jit3A_29 : i32
    %ne3A_43 = arith.constant 0 : i32
    %ne3A_44 = arith.cmpi ne, %rem3A, %ne3A_43 : i32
    %and3A = arith.andi %ne3A, %ne3A_44 : i1
    %sub3A = arith.constant 1 : i32
    %sub3A_45 = arith.subi %div3A, %sub3A : i32
    %select_n3A_46 = arith.select %and3A, %sub3A_45, %div3A : i32
    %while3A = arith.constant 0 : i32
    %while3A_47 = arith.constant 0 : i32
    %while3A_48 = arith.subi %select_n3A_46, %while3A_47 : i32
    %while3A_49 = arith.addi %while3A_47, %while3A_48 : i32
    %while3A_50 = arith.constant 1 : i32
    %while3A_51 = arith.divsi %while3A_48, %while3A_50 : i32
    %while3A_52 = arith.muli %while3A_51, %while3A_50 : i32
    %while3A_53 = arith.addi %while3A_47, %while3A_52 : i32
    %while3A_54 = arith.constant 1 : i32
    scf.for %while3A_66 = %while3A_47 to %while3A_53 step %while3A_54  : i32 {
      %mul3A_67 = arith.constant 2 : i32
      %mul3A_68 = arith.muli %mul3A_67, %while3A_66 : i32
      %add3A_69 = arith.constant 1 : i32
      %add3A_70 = arith.addi %mul3A_68, %add3A_69 : i32
      %dma_start3A_71 = arith.constant 0 : i32
      %dma_start3A_72 = tpu.memref_slice %arg6[%add3A_70, %dma_start3A_71] : memref<88x120xi32, #tpu.memory_space<vmem>> -> memref<1x120xi32, #tpu.memory_space<vmem>>
      %dma_start3A_73 = tpu.memref_squeeze %dma_start3A_72 : memref<1x120xi32, #tpu.memory_space<vmem>> -> memref<120xi32, #tpu.memory_space<vmem>>
      %dma_start3A_74 = arith.constant 0 : i32
      %dma_start3A_75 = arith.constant 0 : i32
      %dma_start3A_76 = tpu.memref_slice %arg11[%dma_start3A_74, %dma_start3A_75] : memref<10000x64xf32, #tpu.memory_space<vmem_shared>> -> memref<10000x64xf32, #tpu.memory_space<vmem_shared>>
      tpu.enqueue_indirect_dma source(%dma_start3A_76 : memref<10000x64xf32, #tpu.memory_space<vmem_shared>>) target(%arg9 : memref<120x64xf32, #tpu.memory_space<vmem>>) offsets(%dma_start3A_73 : memref<120xi32, #tpu.memory_space<vmem>>) semaphore(%arg12 : memref<!tpu.dma_semaphore, #tpu.memory_space<semaphore_mem>>)
      %dma_wait3A = arith.constant 0 : i32
      %dma_wait3A_77 = tpu.memref_slice %arg6[%mul3A_68, %dma_wait3A] : memref<88x120xi32, #tpu.memory_space<vmem>> -> memref<1x120xi32, #tpu.memory_space<vmem>>
      %dma_wait3A_78 = tpu.memref_squeeze %dma_wait3A_77 : memref<1x120xi32, #tpu.memory_space<vmem>> -> memref<120xi32, #tpu.memory_space<vmem>>
      %dma_wait3A_79 = arith.constant 0 : i32
      %dma_wait3A_80 = arith.constant 0 : i32
      %dma_wait3A_81 = tpu.memref_slice %arg11[%dma_wait3A_79, %dma_wait3A_80] : memref<10000x64xf32, #tpu.memory_space<vmem_shared>> -> memref<10000x64xf32, #tpu.memory_space<vmem_shared>>
      tpu.wait_indirect_dma semaphore(%arg12 : memref<!tpu.dma_semaphore, #tpu.memory_space<semaphore_mem>>) src(%dma_wait3A_81 : memref<10000x64xf32, #tpu.memory_space<vmem_shared>>) dst(%arg8 : memref<120x64xf32, #tpu.memory_space<vmem>>)
      "tpu.region"() ({
        %run_scoped3A = tpu.sem_alloc : memref<!tpu.dma_semaphore, #tpu.memory_space<semaphore_mem>>
        %dma_start3A_117 = arith.constant 0 : i32
        %dma_start3A_118 = tpu.memref_slice %arg7[%mul3A_68, %dma_start3A_117] : memref<88x120xi32, #tpu.memory_space<vmem>> -> memref<1x120xi32, #tpu.memory_space<vmem>>
        %dma_start3A_119 = tpu.memref_squeeze %dma_start3A_118 : memref<1x120xi32, #tpu.memory_space<vmem>> -> memref<120xi32, #tpu.memory_space<vmem>>
        %dma_start3A_120 = arith.constant 0 : i32
        %dma_start3A_121 = arith.constant 0 : i32
        %dma_start3A_122 = tpu.memref_slice %arg10[%dma_start3A_120, %dma_start3A_121] : memref<10128x64xf32, #tpu.memory_space<vmem_shared>> -> memref<10128x64xf32, #tpu.memory_space<vmem_shared>>
        tpu.enqueue_indirect_dma source(%arg8 : memref<120x64xf32, #tpu.memory_space<vmem>>) target(%dma_start3A_122 : memref<10128x64xf32, #tpu.memory_space<vmem_shared>>) offsets(%dma_start3A_119 : memref<120xi32, #tpu.memory_space<vmem>>) semaphore(%run_scoped3A : memref<!tpu.dma_semaphore, #tpu.memory_space<semaphore_mem>>) {add = true}
        %dma_wait3A_123 = arith.constant 0 : i32
        %dma_wait3A_124 = tpu.memref_slice %arg7[%mul3A_68, %dma_wait3A_123] : memref<88x120xi32, #tpu.memory_space<vmem>> -> memref<1x120xi32, #tpu.memory_space<vmem>>
        %dma_wait3A_125 = tpu.memref_squeeze %dma_wait3A_124 : memref<1x120xi32, #tpu.memory_space<vmem>> -> memref<120xi32, #tpu.memory_space<vmem>>
        %dma_wait3A_126 = arith.constant 0 : i32
        %dma_wait3A_127 = arith.constant 0 : i32
        %dma_wait3A_128 = tpu.memref_slice %arg10[%dma_wait3A_126, %dma_wait3A_127] : memref<10128x64xf32, #tpu.memory_space<vmem_shared>> -> memref<10128x64xf32, #tpu.memory_space<vmem_shared>>
        tpu.wait_indirect_dma semaphore(%run_scoped3A : memref<!tpu.dma_semaphore, #tpu.memory_space<semaphore_mem>>) src(%arg8 : memref<120x64xf32, #tpu.memory_space<vmem>>) dst(%dma_wait3A_128 : memref<10128x64xf32, #tpu.memory_space<vmem_shared>>)
        tpu.yield
      }) : () -> ()
      %jit3A_82 = arith.constant 2 : i32
      %div3A_83 = arith.divsi %select_n3A_22, %jit3A_82 : i32
      %sign3A_84 = arith.constant 0 : i32
      %sign3A_85 = arith.cmpi sgt, %select_n3A_22, %sign3A_84 : i32
      %sign3A_86 = arith.extui %sign3A_85 : i1 to i32
      %sign3A_87 = arith.constant 0 : i32
      %sign3A_88 = arith.cmpi slt, %select_n3A_22, %sign3A_87 : i32
      %sign3A_89 = arith.extui %sign3A_88 : i1 to i32
      %sign3A_90 = arith.subi %sign3A_86, %sign3A_89 : i32
      %sign3A_91 = arith.constant 0 : i32
      %sign3A_92 = arith.cmpi sgt, %jit3A_82, %sign3A_91 : i32
      %sign3A_93 = arith.extui %sign3A_92 : i1 to i32
      %sign3A_94 = arith.constant 0 : i32
      %sign3A_95 = arith.cmpi slt, %jit3A_82, %sign3A_94 : i32
      %sign3A_96 = arith.extui %sign3A_95 : i1 to i32
      %sign3A_97 = arith.subi %sign3A_93, %sign3A_96 : i32
      %ne3A_98 = arith.cmpi ne, %sign3A_90, %sign3A_97 : i32
      %rem3A_99 = arith.remsi %select_n3A_22, %jit3A_82 : i32
      %ne3A_100 = arith.constant 0 : i32
      %ne3A_101 = arith.cmpi ne, %rem3A_99, %ne3A_100 : i32
      %and3A_102 = arith.andi %ne3A_98, %ne3A_101 : i1
      %sub3A_103 = arith.constant 1 : i32
      %sub3A_104 = arith.subi %div3A_83, %sub3A_103 : i32
      %select_n3A_105 = arith.select %and3A_102, %sub3A_104, %div3A_83 : i32
      %sub3A_106 = arith.constant 1 : i32
      %sub3A_107 = arith.subi %select_n3A_105, %sub3A_106 : i32
      %lt3A = arith.cmpi slt, %while3A_66, %sub3A_107 : i32
      %convert_element_type3A_108 = arith.extui %lt3A : i1 to i32
      %cond3A_109 = arith.constant 0 : i32
      %cond3A_110 = arith.cmpi ne, %convert_element_type3A_108, %cond3A_109 : i32
      scf.if %cond3A_110 {
        %add3A_117 = arith.constant 2 : i32
        %add3A_118 = arith.addi %mul3A_68, %add3A_117 : i32
        %dma_start3A_119 = arith.constant 0 : i32
        %dma_start3A_120 = tpu.memref_slice %arg6[%add3A_118, %dma_start3A_119] : memref<88x120xi32, #tpu.memory_space<vmem>> -> memref<1x120xi32, #tpu.memory_space<vmem>>
        %dma_start3A_121 = tpu.memref_squeeze %dma_start3A_120 : memref<1x120xi32, #tpu.memory_space<vmem>> -> memref<120xi32, #tpu.memory_space<vmem>>
        %dma_start3A_122 = arith.constant 0 : i32
        %dma_start3A_123 = arith.constant 0 : i32
        %dma_start3A_124 = tpu.memref_slice %arg11[%dma_start3A_122, %dma_start3A_123] : memref<10000x64xf32, #tpu.memory_space<vmem_shared>> -> memref<10000x64xf32, #tpu.memory_space<vmem_shared>>
        tpu.enqueue_indirect_dma source(%dma_start3A_124 : memref<10000x64xf32, #tpu.memory_space<vmem_shared>>) target(%arg8 : memref<120x64xf32, #tpu.memory_space<vmem>>) offsets(%dma_start3A_121 : memref<120xi32, #tpu.memory_space<vmem>>) semaphore(%arg12 : memref<!tpu.dma_semaphore, #tpu.memory_space<semaphore_mem>>)
      } else {
      }
      %dma_wait3A_111 = arith.constant 0 : i32
      %dma_wait3A_112 = tpu.memref_slice %arg6[%add3A_70, %dma_wait3A_111] : memref<88x120xi32, #tpu.memory_space<vmem>> -> memref<1x120xi32, #tpu.memory_space<vmem>>
      %dma_wait3A_113 = tpu.memref_squeeze %dma_wait3A_112 : memref<1x120xi32, #tpu.memory_space<vmem>> -> memref<120xi32, #tpu.memory_space<vmem>>
      %dma_wait3A_114 = arith.constant 0 : i32
      %dma_wait3A_115 = arith.constant 0 : i32
      %dma_wait3A_116 = tpu.memref_slice %arg11[%dma_wait3A_114, %dma_wait3A_115] : memref<10000x64xf32, #tpu.memory_space<vmem_shared>> -> memref<10000x64xf32, #tpu.memory_space<vmem_shared>>
      tpu.wait_indirect_dma semaphore(%arg12 : memref<!tpu.dma_semaphore, #tpu.memory_space<semaphore_mem>>) src(%dma_wait3A_116 : memref<10000x64xf32, #tpu.memory_space<vmem_shared>>) dst(%arg9 : memref<120x64xf32, #tpu.memory_space<vmem>>)
      "tpu.region"() ({
        %run_scoped3A = tpu.sem_alloc : memref<!tpu.dma_semaphore, #tpu.memory_space<semaphore_mem>>
        %dma_start3A_117 = arith.constant 0 : i32
        %dma_start3A_118 = tpu.memref_slice %arg7[%add3A_70, %dma_start3A_117] : memref<88x120xi32, #tpu.memory_space<vmem>> -> memref<1x120xi32, #tpu.memory_space<vmem>>
        %dma_start3A_119 = tpu.memref_squeeze %dma_start3A_118 : memref<1x120xi32, #tpu.memory_space<vmem>> -> memref<120xi32, #tpu.memory_space<vmem>>
        %dma_start3A_120 = arith.constant 0 : i32
        %dma_start3A_121 = arith.constant 0 : i32
        %dma_start3A_122 = tpu.memref_slice %arg10[%dma_start3A_120, %dma_start3A_121] : memref<10128x64xf32, #tpu.memory_space<vmem_shared>> -> memref<10128x64xf32, #tpu.memory_space<vmem_shared>>
        tpu.enqueue_indirect_dma source(%arg9 : memref<120x64xf32, #tpu.memory_space<vmem>>) target(%dma_start3A_122 : memref<10128x64xf32, #tpu.memory_space<vmem_shared>>) offsets(%dma_start3A_119 : memref<120xi32, #tpu.memory_space<vmem>>) semaphore(%run_scoped3A : memref<!tpu.dma_semaphore, #tpu.memory_space<semaphore_mem>>) {add = true}
        %dma_wait3A_123 = arith.constant 0 : i32
        %dma_wait3A_124 = tpu.memref_slice %arg7[%add3A_70, %dma_wait3A_123] : memref<88x120xi32, #tpu.memory_space<vmem>> -> memref<1x120xi32, #tpu.memory_space<vmem>>
        %dma_wait3A_125 = tpu.memref_squeeze %dma_wait3A_124 : memref<1x120xi32, #tpu.memory_space<vmem>> -> memref<120xi32, #tpu.memory_space<vmem>>
        %dma_wait3A_126 = arith.constant 0 : i32
        %dma_wait3A_127 = arith.constant 0 : i32
        %dma_wait3A_128 = tpu.memref_slice %arg10[%dma_wait3A_126, %dma_wait3A_127] : memref<10128x64xf32, #tpu.memory_space<vmem_shared>> -> memref<10128x64xf32, #tpu.memory_space<vmem_shared>>
        tpu.wait_indirect_dma semaphore(%run_scoped3A : memref<!tpu.dma_semaphore, #tpu.memory_space<semaphore_mem>>) src(%arg9 : memref<120x64xf32, #tpu.memory_space<vmem>>) dst(%dma_wait3A_128 : memref<10128x64xf32, #tpu.memory_space<vmem_shared>>)
        tpu.yield
      }) : () -> ()
    }
    %while3A_55 = arith.constant 1 : i32
    scf.for %while3A_66 = %while3A_53 to %while3A_49 step %while3A_55  : i32 {
      %mul3A_67 = arith.constant 2 : i32
      %mul3A_68 = arith.muli %mul3A_67, %while3A_66 : i32
      %add3A_69 = arith.constant 1 : i32
      %add3A_70 = arith.addi %mul3A_68, %add3A_69 : i32
      %dma_start3A_71 = arith.constant 0 : i32
      %dma_start3A_72 = tpu.memref_slice %arg6[%add3A_70, %dma_start3A_71] : memref<88x120xi32, #tpu.memory_space<vmem>> -> memref<1x120xi32, #tpu.memory_space<vmem>>
      %dma_start3A_73 = tpu.memref_squeeze %dma_start3A_72 : memref<1x120xi32, #tpu.memory_space<vmem>> -> memref<120xi32, #tpu.memory_space<vmem>>
      %dma_start3A_74 = arith.constant 0 : i32
      %dma_start3A_75 = arith.constant 0 : i32
      %dma_start3A_76 = tpu.memref_slice %arg11[%dma_start3A_74, %dma_start3A_75] : memref<10000x64xf32, #tpu.memory_space<vmem_shared>> -> memref<10000x64xf32, #tpu.memory_space<vmem_shared>>
      tpu.enqueue_indirect_dma source(%dma_start3A_76 : memref<10000x64xf32, #tpu.memory_space<vmem_shared>>) target(%arg9 : memref<120x64xf32, #tpu.memory_space<vmem>>) offsets(%dma_start3A_73 : memref<120xi32, #tpu.memory_space<vmem>>) semaphore(%arg12 : memref<!tpu.dma_semaphore, #tpu.memory_space<semaphore_mem>>)
      %dma_wait3A = arith.constant 0 : i32
      %dma_wait3A_77 = tpu.memref_slice %arg6[%mul3A_68, %dma_wait3A] : memref<88x120xi32, #tpu.memory_space<vmem>> -> memref<1x120xi32, #tpu.memory_space<vmem>>
      %dma_wait3A_78 = tpu.memref_squeeze %dma_wait3A_77 : memref<1x120xi32, #tpu.memory_space<vmem>> -> memref<120xi32, #tpu.memory_space<vmem>>
      %dma_wait3A_79 = arith.constant 0 : i32
      %dma_wait3A_80 = arith.constant 0 : i32
      %dma_wait3A_81 = tpu.memref_slice %arg11[%dma_wait3A_79, %dma_wait3A_80] : memref<10000x64xf32, #tpu.memory_space<vmem_shared>> -> memref<10000x64xf32, #tpu.memory_space<vmem_shared>>
      tpu.wait_indirect_dma semaphore(%arg12 : memref<!tpu.dma_semaphore, #tpu.memory_space<semaphore_mem>>) src(%dma_wait3A_81 : memref<10000x64xf32, #tpu.memory_space<vmem_shared>>) dst(%arg8 : memref<120x64xf32, #tpu.memory_space<vmem>>)
      "tpu.region"() ({
        %run_scoped3A = tpu.sem_alloc : memref<!tpu.dma_semaphore, #tpu.memory_space<semaphore_mem>>
        %dma_start3A_117 = arith.constant 0 : i32
        %dma_start3A_118 = tpu.memref_slice %arg7[%mul3A_68, %dma_start3A_117] : memref<88x120xi32, #tpu.memory_space<vmem>> -> memref<1x120xi32, #tpu.memory_space<vmem>>
        %dma_start3A_119 = tpu.memref_squeeze %dma_start3A_118 : memref<1x120xi32, #tpu.memory_space<vmem>> -> memref<120xi32, #tpu.memory_space<vmem>>
        %dma_start3A_120 = arith.constant 0 : i32
        %dma_start3A_121 = arith.constant 0 : i32
        %dma_start3A_122 = tpu.memref_slice %arg10[%dma_start3A_120, %dma_start3A_121] : memref<10128x64xf32, #tpu.memory_space<vmem_shared>> -> memref<10128x64xf32, #tpu.memory_space<vmem_shared>>
        tpu.enqueue_indirect_dma source(%arg8 : memref<120x64xf32, #tpu.memory_space<vmem>>) target(%dma_start3A_122 : memref<10128x64xf32, #tpu.memory_space<vmem_shared>>) offsets(%dma_start3A_119 : memref<120xi32, #tpu.memory_space<vmem>>) semaphore(%run_scoped3A : memref<!tpu.dma_semaphore, #tpu.memory_space<semaphore_mem>>) {add = true}
        %dma_wait3A_123 = arith.constant 0 : i32
        %dma_wait3A_124 = tpu.memref_slice %arg7[%mul3A_68, %dma_wait3A_123] : memref<88x120xi32, #tpu.memory_space<vmem>> -> memref<1x120xi32, #tpu.memory_space<vmem>>
        %dma_wait3A_125 = tpu.memref_squeeze %dma_wait3A_124 : memref<1x120xi32, #tpu.memory_space<vmem>> -> memref<120xi32, #tpu.memory_space<vmem>>
        %dma_wait3A_126 = arith.constant 0 : i32
        %dma_wait3A_127 = arith.constant 0 : i32
        %dma_wait3A_128 = tpu.memref_slice %arg10[%dma_wait3A_126, %dma_wait3A_127] : memref<10128x64xf32, #tpu.memory_space<vmem_shared>> -> memref<10128x64xf32, #tpu.memory_space<vmem_shared>>
        tpu.wait_indirect_dma semaphore(%run_scoped3A : memref<!tpu.dma_semaphore, #tpu.memory_space<semaphore_mem>>) src(%arg8 : memref<120x64xf32, #tpu.memory_space<vmem>>) dst(%dma_wait3A_128 : memref<10128x64xf32, #tpu.memory_space<vmem_shared>>)
        tpu.yield
      }) : () -> ()
      %jit3A_82 = arith.constant 2 : i32
      %div3A_83 = arith.divsi %select_n3A_22, %jit3A_82 : i32
      %sign3A_84 = arith.constant 0 : i32
      %sign3A_85 = arith.cmpi sgt, %select_n3A_22, %sign3A_84 : i32
      %sign3A_86 = arith.extui %sign3A_85 : i1 to i32
      %sign3A_87 = arith.constant 0 : i32
      %sign3A_88 = arith.cmpi slt, %select_n3A_22, %sign3A_87 : i32
      %sign3A_89 = arith.extui %sign3A_88 : i1 to i32
      %sign3A_90 = arith.subi %sign3A_86, %sign3A_89 : i32
      %sign3A_91 = arith.constant 0 : i32
      %sign3A_92 = arith.cmpi sgt, %jit3A_82, %sign3A_91 : i32
      %sign3A_93 = arith.extui %sign3A_92 : i1 to i32
      %sign3A_94 = arith.constant 0 : i32
      %sign3A_95 = arith.cmpi slt, %jit3A_82, %sign3A_94 : i32
      %sign3A_96 = arith.extui %sign3A_95 : i1 to i32
      %sign3A_97 = arith.subi %sign3A_93, %sign3A_96 : i32
      %ne3A_98 = arith.cmpi ne, %sign3A_90, %sign3A_97 : i32
      %rem3A_99 = arith.remsi %select_n3A_22, %jit3A_82 : i32
      %ne3A_100 = arith.constant 0 : i32
      %ne3A_101 = arith.cmpi ne, %rem3A_99, %ne3A_100 : i32
      %and3A_102 = arith.andi %ne3A_98, %ne3A_101 : i1
      %sub3A_103 = arith.constant 1 : i32
      %sub3A_104 = arith.subi %div3A_83, %sub3A_103 : i32
      %select_n3A_105 = arith.select %and3A_102, %sub3A_104, %div3A_83 : i32
      %sub3A_106 = arith.constant 1 : i32
      %sub3A_107 = arith.subi %select_n3A_105, %sub3A_106 : i32
      %lt3A = arith.cmpi slt, %while3A_66, %sub3A_107 : i32
      %convert_element_type3A_108 = arith.extui %lt3A : i1 to i32
      %cond3A_109 = arith.constant 0 : i32
      %cond3A_110 = arith.cmpi ne, %convert_element_type3A_108, %cond3A_109 : i32
      scf.if %cond3A_110 {
        %add3A_117 = arith.constant 2 : i32
        %add3A_118 = arith.addi %mul3A_68, %add3A_117 : i32
        %dma_start3A_119 = arith.constant 0 : i32
        %dma_start3A_120 = tpu.memref_slice %arg6[%add3A_118, %dma_start3A_119] : memref<88x120xi32, #tpu.memory_space<vmem>> -> memref<1x120xi32, #tpu.memory_space<vmem>>
        %dma_start3A_121 = tpu.memref_squeeze %dma_start3A_120 : memref<1x120xi32, #tpu.memory_space<vmem>> -> memref<120xi32, #tpu.memory_space<vmem>>
        %dma_start3A_122 = arith.constant 0 : i32
        %dma_start3A_123 = arith.constant 0 : i32
        %dma_start3A_124 = tpu.memref_slice %arg11[%dma_start3A_122, %dma_start3A_123] : memref<10000x64xf32, #tpu.memory_space<vmem_shared>> -> memref<10000x64xf32, #tpu.memory_space<vmem_shared>>
        tpu.enqueue_indirect_dma source(%dma_start3A_124 : memref<10000x64xf32, #tpu.memory_space<vmem_shared>>) target(%arg8 : memref<120x64xf32, #tpu.memory_space<vmem>>) offsets(%dma_start3A_121 : memref<120xi32, #tpu.memory_space<vmem>>) semaphore(%arg12 : memref<!tpu.dma_semaphore, #tpu.memory_space<semaphore_mem>>)
      } else {
      }
      %dma_wait3A_111 = arith.constant 0 : i32
      %dma_wait3A_112 = tpu.memref_slice %arg6[%add3A_70, %dma_wait3A_111] : memref<88x120xi32, #tpu.memory_space<vmem>> -> memref<1x120xi32, #tpu.memory_space<vmem>>
      %dma_wait3A_113 = tpu.memref_squeeze %dma_wait3A_112 : memref<1x120xi32, #tpu.memory_space<vmem>> -> memref<120xi32, #tpu.memory_space<vmem>>
      %dma_wait3A_114 = arith.constant 0 : i32
      %dma_wait3A_115 = arith.constant 0 : i32
      %dma_wait3A_116 = tpu.memref_slice %arg11[%dma_wait3A_114, %dma_wait3A_115] : memref<10000x64xf32, #tpu.memory_space<vmem_shared>> -> memref<10000x64xf32, #tpu.memory_space<vmem_shared>>
      tpu.wait_indirect_dma semaphore(%arg12 : memref<!tpu.dma_semaphore, #tpu.memory_space<semaphore_mem>>) src(%dma_wait3A_116 : memref<10000x64xf32, #tpu.memory_space<vmem_shared>>) dst(%arg9 : memref<120x64xf32, #tpu.memory_space<vmem>>)
      "tpu.region"() ({
        %run_scoped3A = tpu.sem_alloc : memref<!tpu.dma_semaphore, #tpu.memory_space<semaphore_mem>>
        %dma_start3A_117 = arith.constant 0 : i32
        %dma_start3A_118 = tpu.memref_slice %arg7[%add3A_70, %dma_start3A_117] : memref<88x120xi32, #tpu.memory_space<vmem>> -> memref<1x120xi32, #tpu.memory_space<vmem>>
        %dma_start3A_119 = tpu.memref_squeeze %dma_start3A_118 : memref<1x120xi32, #tpu.memory_space<vmem>> -> memref<120xi32, #tpu.memory_space<vmem>>
        %dma_start3A_120 = arith.constant 0 : i32
        %dma_start3A_121 = arith.constant 0 : i32
        %dma_start3A_122 = tpu.memref_slice %arg10[%dma_start3A_120, %dma_start3A_121] : memref<10128x64xf32, #tpu.memory_space<vmem_shared>> -> memref<10128x64xf32, #tpu.memory_space<vmem_shared>>
        tpu.enqueue_indirect_dma source(%arg9 : memref<120x64xf32, #tpu.memory_space<vmem>>) target(%dma_start3A_122 : memref<10128x64xf32, #tpu.memory_space<vmem_shared>>) offsets(%dma_start3A_119 : memref<120xi32, #tpu.memory_space<vmem>>) semaphore(%run_scoped3A : memref<!tpu.dma_semaphore, #tpu.memory_space<semaphore_mem>>) {add = true}
        %dma_wait3A_123 = arith.constant 0 : i32
        %dma_wait3A_124 = tpu.memref_slice %arg7[%add3A_70, %dma_wait3A_123] : memref<88x120xi32, #tpu.memory_space<vmem>> -> memref<1x120xi32, #tpu.memory_space<vmem>>
        %dma_wait3A_125 = tpu.memref_squeeze %dma_wait3A_124 : memref<1x120xi32, #tpu.memory_space<vmem>> -> memref<120xi32, #tpu.memory_space<vmem>>
        %dma_wait3A_126 = arith.constant 0 : i32
        %dma_wait3A_127 = arith.constant 0 : i32
        %dma_wait3A_128 = tpu.memref_slice %arg10[%dma_wait3A_126, %dma_wait3A_127] : memref<10128x64xf32, #tpu.memory_space<vmem_shared>> -> memref<10128x64xf32, #tpu.memory_space<vmem_shared>>
        tpu.wait_indirect_dma semaphore(%run_scoped3A : memref<!tpu.dma_semaphore, #tpu.memory_space<semaphore_mem>>) src(%arg9 : memref<120x64xf32, #tpu.memory_space<vmem>>) dst(%dma_wait3A_128 : memref<10128x64xf32, #tpu.memory_space<vmem_shared>>)
        tpu.yield
      }) : () -> ()
    }
    %barrier3A_56 = arith.constant 0 : index
    tpu.barrier barrier_id(%barrier3A_56)
    %mul3A_57 = arith.constant 624 : i32
    %mul3A_58 = arith.muli %arg1, %mul3A_57 : i32
    %mul3A_59 = arith.constant 624 : i32
    %mul3A_60 = arith.muli %arg1, %mul3A_59 : i32
    "tpu.region"() ({
      %run_scoped3A = tpu.sem_alloc : memref<!tpu.dma_semaphore, #tpu.memory_space<semaphore_mem>>
      %dma_start3A_66 = arith.constant 0 : i32
      %dma_start3A_67 = tpu.memref_slice %arg5[%arg0, %mul3A_60, %dma_start3A_66] : memref<2x10000x64xf32, #tpu.memory_space<hbm>> -> memref<1x624x64xf32, #tpu.memory_space<hbm>>
      %dma_start3A_68 = tpu.memref_squeeze %dma_start3A_67 : memref<1x624x64xf32, #tpu.memory_space<hbm>> -> memref<624x64xf32, #tpu.memory_space<hbm>>
      %dma_start3A_69 = arith.constant 0 : i32
      %dma_start3A_70 = tpu.memref_slice %arg10[%mul3A_58, %dma_start3A_69] : memref<10128x64xf32, #tpu.memory_space<vmem_shared>> -> memref<624x64xf32, #tpu.memory_space<vmem_shared>>
      tpu.enqueue_dma source(%dma_start3A_70 : memref<624x64xf32, #tpu.memory_space<vmem_shared>>) target(%dma_start3A_68 : memref<624x64xf32, #tpu.memory_space<hbm>>) target_semaphore(%run_scoped3A : memref<!tpu.dma_semaphore, #tpu.memory_space<semaphore_mem>>)
      %dma_wait3A = arith.constant 0 : i32
      %dma_wait3A_71 = tpu.memref_slice %arg5[%arg0, %mul3A_60, %dma_wait3A] : memref<2x10000x64xf32, #tpu.memory_space<hbm>> -> memref<1x624x64xf32, #tpu.memory_space<hbm>>
      %dma_wait3A_72 = tpu.memref_squeeze %dma_wait3A_71 : memref<1x624x64xf32, #tpu.memory_space<hbm>> -> memref<624x64xf32, #tpu.memory_space<hbm>>
      %dma_wait3A_73 = arith.constant 0 : i32
      %dma_wait3A_74 = tpu.memref_slice %arg10[%mul3A_58, %dma_wait3A_73] : memref<10128x64xf32, #tpu.memory_space<vmem_shared>> -> memref<624x64xf32, #tpu.memory_space<vmem_shared>>
      tpu.wait_dma2 semaphore(%run_scoped3A : memref<!tpu.dma_semaphore, #tpu.memory_space<semaphore_mem>>) src(%dma_wait3A_74 : memref<624x64xf32, #tpu.memory_space<vmem_shared>>) dst(%dma_wait3A_72 : memref<624x64xf32, #tpu.memory_space<hbm>>)
      tpu.yield
    }) : () -> ()
    %eq3A_61 = arith.constant 15 : i32
    %eq3A_62 = arith.cmpi eq, %arg1, %eq3A_61 : i32
    %convert_element_type3A_63 = arith.extui %eq3A_62 : i1 to i32
    %cond3A_64 = arith.constant 0 : i32
    %cond3A_65 = arith.cmpi ne, %convert_element_type3A_63, %cond3A_64 : i32
    scf.if %cond3A_65 {
      "tpu.region"() ({
        %run_scoped3A = tpu.sem_alloc : memref<!tpu.dma_semaphore, #tpu.memory_space<semaphore_mem>>
        %dma_start3A_66 = arith.constant 9984 : i32
        %dma_start3A_67 = arith.constant 0 : i32
        %dma_start3A_68 = tpu.memref_slice %arg5[%arg0, %dma_start3A_66, %dma_start3A_67] : memref<2x10000x64xf32, #tpu.memory_space<hbm>> -> memref<1x16x64xf32, #tpu.memory_space<hbm>>
        %dma_start3A_69 = tpu.memref_squeeze %dma_start3A_68 : memref<1x16x64xf32, #tpu.memory_space<hbm>> -> memref<16x64xf32, #tpu.memory_space<hbm>>
        %dma_start3A_70 = arith.constant 9984 : i32
        %dma_start3A_71 = arith.constant 0 : i32
        %dma_start3A_72 = tpu.memref_slice %arg10[%dma_start3A_70, %dma_start3A_71] : memref<10128x64xf32, #tpu.memory_space<vmem_shared>> -> memref<16x64xf32, #tpu.memory_space<vmem_shared>>
        tpu.enqueue_dma source(%dma_start3A_72 : memref<16x64xf32, #tpu.memory_space<vmem_shared>>) target(%dma_start3A_69 : memref<16x64xf32, #tpu.memory_space<hbm>>) target_semaphore(%run_scoped3A : memref<!tpu.dma_semaphore, #tpu.memory_space<semaphore_mem>>)
        %dma_wait3A = arith.constant 9984 : i32
        %dma_wait3A_73 = arith.constant 0 : i32
        %dma_wait3A_74 = tpu.memref_slice %arg5[%arg0, %dma_wait3A, %dma_wait3A_73] : memref<2x10000x64xf32, #tpu.memory_space<hbm>> -> memref<1x16x64xf32, #tpu.memory_space<hbm>>
        %dma_wait3A_75 = tpu.memref_squeeze %dma_wait3A_74 : memref<1x16x64xf32, #tpu.memory_space<hbm>> -> memref<16x64xf32, #tpu.memory_space<hbm>>
        %dma_wait3A_76 = arith.constant 9984 : i32
        %dma_wait3A_77 = arith.constant 0 : i32
        %dma_wait3A_78 = tpu.memref_slice %arg10[%dma_wait3A_76, %dma_wait3A_77] : memref<10128x64xf32, #tpu.memory_space<vmem_shared>> -> memref<16x64xf32, #tpu.memory_space<vmem_shared>>
        tpu.wait_dma2 semaphore(%run_scoped3A : memref<!tpu.dma_semaphore, #tpu.memory_space<semaphore_mem>>) src(%dma_wait3A_78 : memref<16x64xf32, #tpu.memory_space<vmem_shared>>) dst(%dma_wait3A_75 : memref<16x64xf32, #tpu.memory_space<hbm>>)
        tpu.yield
      }) : () -> ()
    } else {
    }
    return
  }
}

module attributes {stable_mosaic.version = 14 : i64} {
  func.func @_head_body(%arg0: i32, %arg1: memref<2000x128xf32, #tpu.memory_space<vmem>>, %arg2: memref<128x64xf32, #tpu.memory_space<vmem>>, %arg3: memref<2000x64xf32, #tpu.memory_space<vmem>>) attributes {dimension_semantics = [#tpu.dimension_semantics<arbitrary>], iteration_bounds = array<i64: 5>, scalar_prefetch = 0 : i64, scratch_operands = 0 : i64, tpu.core_type = #tpu.core_type<tc>, window_params = [{transform_indices = @transform_0, window_bounds = array<i64: 2000, 128>}, {pipeline_mode = #tpu.pipeline_mode<synchronous>, transform_indices = @transform_1, window_bounds = array<i64: 128, 64>}, {transform_indices = @transform_2, window_bounds = array<i64: 2000, 64>}]} {
    %get3A = arith.constant 0 : index
    %get3A_0 = arith.constant 0 : index
    %get3A_1 = vector.load %arg1[%get3A, %get3A_0] : memref<2000x128xf32, #tpu.memory_space<vmem>>, vector<2000x128xf32>
    %get3A_2 = arith.constant 0 : index
    %get3A_3 = arith.constant 0 : index
    %get3A_4 = vector.load %arg2[%get3A_2, %get3A_3] : memref<128x64xf32, #tpu.memory_space<vmem>>, vector<128x64xf32>
    %dot_general3A = arith.constant dense<0.000000e+00> : vector<2000x64xf32>
    %dot_general3A_5 = tpu.matmul %get3A_1, %get3A_4, %dot_general3A {dimension_numbers = #tpu.dot_dimension_numbers<[1], [0], [0], [1], [0, 0, 1, 1], [], []>, transpose_lhs_hint = false} : vector<2000x128xf32>, vector<128x64xf32>, vector<2000x64xf32> -> vector<2000x64xf32>
    %swap3A = arith.constant 0 : index
    %swap3A_6 = arith.constant 0 : index
    %swap3A_7 = vector.load %arg3[%swap3A, %swap3A_6] : memref<2000x64xf32, #tpu.memory_space<vmem>>, vector<2000x64xf32>
    tpu.vector_store %arg3[%swap3A, %swap3A_6], %dot_general3A_5 {strides = array<i32>} : memref<2000x64xf32, #tpu.memory_space<vmem>>, vector<2000x64xf32>,
    return
  }
  func.func @transform_0(%arg0: i32) -> (i32, i32) {
    %c0_i32 = arith.constant 0 : i32
    %c0_i32_0 = arith.constant 0 : i32
    return %arg0, %c0_i32 : i32, i32
  }
  func.func @transform_1(%arg0: i32) -> (i32, i32) {
    %c0_i32 = arith.constant 0 : i32
    %c0_i32_0 = arith.constant 0 : i32
    %c0_i32_1 = arith.constant 0 : i32
    return %c0_i32, %c0_i32_0 : i32, i32
  }
  func.func @transform_2(%arg0: i32) -> (i32, i32) {
    %c0_i32 = arith.constant 0 : i32
    %c0_i32_0 = arith.constant 0 : i32
    return %arg0, %c0_i32 : i32, i32
  }
}

module attributes {stable_mosaic.version = 14 : i64} {
  func.func @_tail_head_body(%arg0: i32, %arg1: memref<1x2000x64xf32, #tpu.memory_space<vmem>>, %arg2: memref<1x2000x64xf32, #tpu.memory_space<vmem>>, %arg3: memref<2000x64xf32, #tpu.memory_space<vmem>>, %arg4: memref<1x64xf32, #tpu.memory_space<vmem>>, %arg5: memref<1x64xf32, #tpu.memory_space<vmem>>, %arg6: memref<1x64xf32, #tpu.memory_space<vmem>>, %arg7: memref<64x64xf32, #tpu.memory_space<vmem>>, %arg8: memref<1x64xf32, #tpu.memory_space<vmem>>, %arg9: memref<64x64xf32, #tpu.memory_space<vmem>>, %arg10: memref<2000x64xf32, #tpu.memory_space<vmem>>) attributes {dimension_semantics = [#tpu.dimension_semantics<arbitrary>], iteration_bounds = array<i64: 5>, scalar_prefetch = 0 : i64, scratch_operands = 0 : i64, tpu.core_type = #tpu.core_type<tc>, window_params = [{transform_indices = @transform_0, window_bounds = array<i64: 1, 2000, 64>}, {transform_indices = @transform_1, window_bounds = array<i64: 1, 2000, 64>}, {transform_indices = @transform_2, window_bounds = array<i64: 2000, 64>}, {pipeline_mode = #tpu.pipeline_mode<synchronous>, transform_indices = @transform_3, window_bounds = array<i64: 1, 64>}, {pipeline_mode = #tpu.pipeline_mode<synchronous>, transform_indices = @transform_4, window_bounds = array<i64: 1, 64>}, {pipeline_mode = #tpu.pipeline_mode<synchronous>, transform_indices = @transform_5, window_bounds = array<i64: 1, 64>}, {pipeline_mode = #tpu.pipeline_mode<synchronous>, transform_indices = @transform_6, window_bounds = array<i64: 64, 64>}, {pipeline_mode = #tpu.pipeline_mode<synchronous>, transform_indices = @transform_7, window_bounds = array<i64: 1, 64>}, {pipeline_mode = #tpu.pipeline_mode<synchronous>, transform_indices = @transform_8, window_bounds = array<i64: 64, 64>}, {transform_indices = @transform_9, window_bounds = array<i64: 2000, 64>}]} {
    %get3A = arith.constant 0 : index
    %get3A_0 = arith.constant 0 : index
    %get3A_1 = arith.constant 0 : index
    %get3A_2 = vector.load %arg1[%get3A, %get3A_0, %get3A_1] : memref<1x2000x64xf32, #tpu.memory_space<vmem>>, vector<1x2000x64xf32>
    %get3A_3 = vector.shape_cast %get3A_2 : vector<1x2000x64xf32> to vector<2000x64xf32>
    %get3A_4 = arith.constant 0 : index
    %get3A_5 = arith.constant 0 : index
    %get3A_6 = arith.constant 0 : index
    %get3A_7 = vector.load %arg2[%get3A_4, %get3A_5, %get3A_6] : memref<1x2000x64xf32, #tpu.memory_space<vmem>>, vector<1x2000x64xf32>
    %get3A_8 = vector.shape_cast %get3A_7 : vector<1x2000x64xf32> to vector<2000x64xf32>
    %add3A = arith.addf %get3A_3, %get3A_8 : vector<2000x64xf32>
    %get3A_9 = arith.constant 0 : index
    %get3A_10 = arith.constant 0 : index
    %get3A_11 = vector.load %arg3[%get3A_9, %get3A_10] : memref<2000x64xf32, #tpu.memory_space<vmem>>, vector<2000x64xf32>
    %sub3A = arith.subf %add3A, %get3A_11 : vector<2000x64xf32>
    %get3A_12 = arith.constant 0 : index
    %get3A_13 = arith.constant 0 : index
    %get3A_14 = vector.load %arg4[%get3A_12, %get3A_13] : memref<1x64xf32, #tpu.memory_space<vmem>>, vector<1x64xf32>
    %add3A_15 = vector.broadcast %get3A_14 : vector<1x64xf32> to vector<2000x64xf32>
    %add3A_16 = arith.addf %sub3A, %add3A_15 : vector<2000x64xf32>
    %get3A_17 = arith.constant 0 : index
    %get3A_18 = arith.constant 0 : index
    %get3A_19 = vector.load %arg5[%get3A_17, %get3A_18] : memref<1x64xf32, #tpu.memory_space<vmem>>, vector<1x64xf32>
    %mul3A = arith.constant 0.999994993 : f32
    %mul3A_20 = vector.broadcast %mul3A : f32 to vector<1x64xf32>
    %mul3A_21 = arith.mulf %mul3A_20, %get3A_19 : vector<1x64xf32>
    %mul3A_22 = vector.broadcast %mul3A_21 : vector<1x64xf32> to vector<2000x64xf32>
    %mul3A_23 = arith.mulf %add3A_16, %mul3A_22 : vector<2000x64xf32>
    %get3A_24 = arith.constant 0 : index
    %get3A_25 = arith.constant 0 : index
    %get3A_26 = vector.load %arg6[%get3A_24, %get3A_25] : memref<1x64xf32, #tpu.memory_space<vmem>>, vector<1x64xf32>
    %add3A_27 = vector.broadcast %get3A_26 : vector<1x64xf32> to vector<2000x64xf32>
    %add3A_28 = arith.addf %mul3A_23, %add3A_27 : vector<2000x64xf32>
    %gt3A = arith.constant 0.000000e+00 : f32
    %gt3A_29 = vector.broadcast %gt3A : f32 to vector<2000x64xf32>
    %gt3A_30 = arith.cmpf ogt, %add3A_28, %gt3A_29 : vector<2000x64xf32>
    %min3A = arith.constant 0.000000e+00 : f32
    %min3A_31 = vector.broadcast %min3A : f32 to vector<2000x64xf32>
    %min3A_32 = arith.minimumf %add3A_28, %min3A_31 : vector<2000x64xf32>
    %exp3A = math.exp %min3A_32 : vector<2000x64xf32>
    %sub3A_33 = arith.constant 1.000000e+00 : f32
    %sub3A_34 = vector.broadcast %sub3A_33 : f32 to vector<2000x64xf32>
    %sub3A_35 = arith.subf %exp3A, %sub3A_34 : vector<2000x64xf32>
    %select_n3A = arith.select %gt3A_30, %add3A_28, %sub3A_35 : vector<2000x64xi1>, vector<2000x64xf32>
    %get3A_36 = arith.constant 0 : index
    %get3A_37 = arith.constant 0 : index
    %get3A_38 = vector.load %arg7[%get3A_36, %get3A_37] : memref<64x64xf32, #tpu.memory_space<vmem>>, vector<64x64xf32>
    %dot_general3A = arith.constant dense<0.000000e+00> : vector<2000x64xf32>
    %dot_general3A_39 = tpu.matmul %select_n3A, %get3A_38, %dot_general3A {dimension_numbers = #tpu.dot_dimension_numbers<[1], [0], [0], [1], [0, 0, 1, 1], [], []>, transpose_lhs_hint = false} : vector<2000x64xf32>, vector<64x64xf32>, vector<2000x64xf32> -> vector<2000x64xf32>
    %get3A_40 = arith.constant 0 : index
    %get3A_41 = arith.constant 0 : index
    %get3A_42 = vector.load %arg8[%get3A_40, %get3A_41] : memref<1x64xf32, #tpu.memory_space<vmem>>, vector<1x64xf32>
    %add3A_43 = vector.broadcast %get3A_42 : vector<1x64xf32> to vector<2000x64xf32>
    %add3A_44 = arith.addf %dot_general3A_39, %add3A_43 : vector<2000x64xf32>
    %gt3A_45 = arith.constant 0.000000e+00 : f32
    %gt3A_46 = vector.broadcast %gt3A_45 : f32 to vector<2000x64xf32>
    %gt3A_47 = arith.cmpf ogt, %add3A_44, %gt3A_46 : vector<2000x64xf32>
    %min3A_48 = arith.constant 0.000000e+00 : f32
    %min3A_49 = vector.broadcast %min3A_48 : f32 to vector<2000x64xf32>
    %min3A_50 = arith.minimumf %add3A_44, %min3A_49 : vector<2000x64xf32>
    %exp3A_51 = math.exp %min3A_50 : vector<2000x64xf32>
    %sub3A_52 = arith.constant 1.000000e+00 : f32
    %sub3A_53 = vector.broadcast %sub3A_52 : f32 to vector<2000x64xf32>
    %sub3A_54 = arith.subf %exp3A_51, %sub3A_53 : vector<2000x64xf32>
    %select_n3A_55 = arith.select %gt3A_47, %add3A_44, %sub3A_54 : vector<2000x64xi1>, vector<2000x64xf32>
    %get3A_56 = arith.constant 0 : index
    %get3A_57 = arith.constant 0 : index
    %get3A_58 = vector.load %arg9[%get3A_56, %get3A_57] : memref<64x64xf32, #tpu.memory_space<vmem>>, vector<64x64xf32>
    %dot_general3A_59 = arith.constant dense<0.000000e+00> : vector<2000x64xf32>
    %dot_general3A_60 = tpu.matmul %select_n3A_55, %get3A_58, %dot_general3A_59 {dimension_numbers = #tpu.dot_dimension_numbers<[1], [0], [0], [1], [0, 0, 1, 1], [], []>, transpose_lhs_hint = false} : vector<2000x64xf32>, vector<64x64xf32>, vector<2000x64xf32> -> vector<2000x64xf32>
    %swap3A = arith.constant 0 : index
    %swap3A_61 = arith.constant 0 : index
    %swap3A_62 = vector.load %arg10[%swap3A, %swap3A_61] : memref<2000x64xf32, #tpu.memory_space<vmem>>, vector<2000x64xf32>
    tpu.vector_store %arg10[%swap3A, %swap3A_61], %dot_general3A_60 {strides = array<i32>} : memref<2000x64xf32, #tpu.memory_space<vmem>>, vector<2000x64xf32>,
    return
  }
  func.func @transform_0(%arg0: i32) -> (i32, i32, i32) {
    %c0_i32 = arith.constant 0 : i32
    %c0_i32_0 = arith.constant 0 : i32
    %c0_i32_1 = arith.constant 0 : i32
    return %c0_i32, %arg0, %c0_i32_0 : i32, i32, i32
  }
  func.func @transform_1(%arg0: i32) -> (i32, i32, i32) {
    %c1_i32 = arith.constant 1 : i32
    %c0_i32 = arith.constant 0 : i32
    %c0_i32_0 = arith.constant 0 : i32
    return %c1_i32, %arg0, %c0_i32 : i32, i32, i32
  }
  func.func @transform_2(%arg0: i32) -> (i32, i32) {
    %c0_i32 = arith.constant 0 : i32
    %c0_i32_0 = arith.constant 0 : i32
    return %arg0, %c0_i32 : i32, i32
  }
  func.func @transform_3(%arg0: i32) -> (i32, i32) {
    %c0_i32 = arith.constant 0 : i32
    %c0_i32_0 = arith.constant 0 : i32
    %c0_i32_1 = arith.constant 0 : i32
    return %c0_i32, %c0_i32_0 : i32, i32
  }
  func.func @transform_4(%arg0: i32) -> (i32, i32) {
    %c0_i32 = arith.constant 0 : i32
    %c0_i32_0 = arith.constant 0 : i32
    %c0_i32_1 = arith.constant 0 : i32
    return %c0_i32, %c0_i32_0 : i32, i32
  }
  func.func @transform_5(%arg0: i32) -> (i32, i32) {
    %c0_i32 = arith.constant 0 : i32
    %c0_i32_0 = arith.constant 0 : i32
    %c0_i32_1 = arith.constant 0 : i32
    return %c0_i32, %c0_i32_0 : i32, i32
  }
  func.func @transform_6(%arg0: i32) -> (i32, i32) {
    %c0_i32 = arith.constant 0 : i32
    %c0_i32_0 = arith.constant 0 : i32
    %c0_i32_1 = arith.constant 0 : i32
    return %c0_i32, %c0_i32_0 : i32, i32
  }
  func.func @transform_7(%arg0: i32) -> (i32, i32) {
    %c0_i32 = arith.constant 0 : i32
    %c0_i32_0 = arith.constant 0 : i32
    %c0_i32_1 = arith.constant 0 : i32
    return %c0_i32, %c0_i32_0 : i32, i32
  }
  func.func @transform_8(%arg0: i32) -> (i32, i32) {
    %c0_i32 = arith.constant 0 : i32
    %c0_i32_0 = arith.constant 0 : i32
    %c0_i32_1 = arith.constant 0 : i32
    return %c0_i32, %c0_i32_0 : i32, i32
  }
  func.func @transform_9(%arg0: i32) -> (i32, i32) {
    %c0_i32 = arith.constant 0 : i32
    %c0_i32_0 = arith.constant 0 : i32
    return %arg0, %c0_i32 : i32, i32
  }
}

module attributes {stable_mosaic.version = 14 : i64} {
  func.func @_final_body(%arg0: i32, %arg1: memref<1x2000x64xf32, #tpu.memory_space<vmem>>, %arg2: memref<1x2000x64xf32, #tpu.memory_space<vmem>>, %arg3: memref<2000x64xf32, #tpu.memory_space<vmem>>, %arg4: memref<1x64xf32, #tpu.memory_space<vmem>>, %arg5: memref<64x64xf32, #tpu.memory_space<vmem>>, %arg6: memref<1x64xf32, #tpu.memory_space<vmem>>, %arg7: memref<1x1x2000xi32, #tpu.memory_space<vmem>>, %arg8: memref<64x64xf32, #tpu.memory_space<vmem>>, %arg9: memref<1x64xf32, #tpu.memory_space<vmem>>, %arg10: memref<64x32xf32, #tpu.memory_space<vmem>>, %arg11: memref<1x32xf32, #tpu.memory_space<vmem>>, %arg12: memref<32x10xf32, #tpu.memory_space<vmem>>, %arg13: memref<1x10xf32, #tpu.memory_space<vmem>>, %arg14: memref<32x10xf32, #tpu.memory_space<vmem>>, %arg15: memref<32x64xf32, #tpu.memory_space<vmem>>) attributes {dimension_semantics = [#tpu.dimension_semantics<arbitrary>], iteration_bounds = array<i64: 5>, scalar_prefetch = 0 : i64, scratch_operands = 1 : i64, tpu.core_type = #tpu.core_type<tc>, window_params = [{transform_indices = @transform_0, window_bounds = array<i64: 1, 2000, 64>}, {transform_indices = @transform_1, window_bounds = array<i64: 1, 2000, 64>}, {transform_indices = @transform_2, window_bounds = array<i64: 2000, 64>}, {pipeline_mode = #tpu.pipeline_mode<synchronous>, transform_indices = @transform_3, window_bounds = array<i64: 1, 64>}, {pipeline_mode = #tpu.pipeline_mode<synchronous>, transform_indices = @transform_4, window_bounds = array<i64: 64, 64>}, {pipeline_mode = #tpu.pipeline_mode<synchronous>, transform_indices = @transform_5, window_bounds = array<i64: 1, 64>}, {transform_indices = @transform_6, window_bounds = array<i64: 1, 1, 2000>}, {pipeline_mode = #tpu.pipeline_mode<synchronous>, transform_indices = @transform_7, window_bounds = array<i64: 64, 64>}, {pipeline_mode = #tpu.pipeline_mode<synchronous>, transform_indices = @transform_8, window_bounds = array<i64: 1, 64>}, {pipeline_mode = #tpu.pipeline_mode<synchronous>, transform_indices = @transform_9, window_bounds = array<i64: 64, 32>}, {pipeline_mode = #tpu.pipeline_mode<synchronous>, transform_indices = @transform_10, window_bounds = array<i64: 1, 32>}, {pipeline_mode = #tpu.pipeline_mode<synchronous>, transform_indices = @transform_11, window_bounds = array<i64: 32, 10>}, {pipeline_mode = #tpu.pipeline_mode<synchronous>, transform_indices = @transform_12, window_bounds = array<i64: 1, 10>}, {pipeline_mode = #tpu.pipeline_mode<synchronous>, transform_indices = @transform_13, window_bounds = array<i64: 32, 10>}]} {
    %get3A = arith.constant 0 : index
    %get3A_0 = arith.constant 0 : index
    %get3A_1 = arith.constant 0 : index
    %get3A_2 = vector.load %arg1[%get3A, %get3A_0, %get3A_1] : memref<1x2000x64xf32, #tpu.memory_space<vmem>>, vector<1x2000x64xf32>
    %get3A_3 = vector.shape_cast %get3A_2 : vector<1x2000x64xf32> to vector<2000x64xf32>
    %get3A_4 = arith.constant 0 : index
    %get3A_5 = arith.constant 0 : index
    %get3A_6 = arith.constant 0 : index
    %get3A_7 = vector.load %arg2[%get3A_4, %get3A_5, %get3A_6] : memref<1x2000x64xf32, #tpu.memory_space<vmem>>, vector<1x2000x64xf32>
    %get3A_8 = vector.shape_cast %get3A_7 : vector<1x2000x64xf32> to vector<2000x64xf32>
    %add3A = arith.addf %get3A_3, %get3A_8 : vector<2000x64xf32>
    %get3A_9 = arith.constant 0 : index
    %get3A_10 = arith.constant 0 : index
    %get3A_11 = vector.load %arg3[%get3A_9, %get3A_10] : memref<2000x64xf32, #tpu.memory_space<vmem>>, vector<2000x64xf32>
    %sub3A = arith.subf %add3A, %get3A_11 : vector<2000x64xf32>
    %get3A_12 = arith.constant 0 : index
    %get3A_13 = arith.constant 0 : index
    %get3A_14 = vector.load %arg4[%get3A_12, %get3A_13] : memref<1x64xf32, #tpu.memory_space<vmem>>, vector<1x64xf32>
    %add3A_15 = vector.broadcast %get3A_14 : vector<1x64xf32> to vector<2000x64xf32>
    %add3A_16 = arith.addf %sub3A, %add3A_15 : vector<2000x64xf32>
    %gt3A = arith.constant 0.000000e+00 : f32
    %gt3A_17 = vector.broadcast %gt3A : f32 to vector<2000x64xf32>
    %gt3A_18 = arith.cmpf ogt, %add3A_16, %gt3A_17 : vector<2000x64xf32>
    %min3A = arith.constant 0.000000e+00 : f32
    %min3A_19 = vector.broadcast %min3A : f32 to vector<2000x64xf32>
    %min3A_20 = arith.minimumf %add3A_16, %min3A_19 : vector<2000x64xf32>
    %exp3A = math.exp %min3A_20 : vector<2000x64xf32>
    %sub3A_21 = arith.constant 1.000000e+00 : f32
    %sub3A_22 = vector.broadcast %sub3A_21 : f32 to vector<2000x64xf32>
    %sub3A_23 = arith.subf %exp3A, %sub3A_22 : vector<2000x64xf32>
    %select_n3A = arith.select %gt3A_18, %add3A_16, %sub3A_23 : vector<2000x64xi1>, vector<2000x64xf32>
    %get3A_24 = arith.constant 0 : index
    %get3A_25 = arith.constant 0 : index
    %get3A_26 = vector.load %arg5[%get3A_24, %get3A_25] : memref<64x64xf32, #tpu.memory_space<vmem>>, vector<64x64xf32>
    %dot_general3A = arith.constant dense<0.000000e+00> : vector<2000x64xf32>
    %dot_general3A_27 = tpu.matmul %select_n3A, %get3A_26, %dot_general3A {dimension_numbers = #tpu.dot_dimension_numbers<[1], [0], [0], [1], [0, 0, 1, 1], [], []>, transpose_lhs_hint = false} : vector<2000x64xf32>, vector<64x64xf32>, vector<2000x64xf32> -> vector<2000x64xf32>
    %get3A_28 = arith.constant 0 : index
    %get3A_29 = arith.constant 0 : index
    %get3A_30 = vector.load %arg6[%get3A_28, %get3A_29] : memref<1x64xf32, #tpu.memory_space<vmem>>, vector<1x64xf32>
    %add3A_31 = vector.broadcast %get3A_30 : vector<1x64xf32> to vector<2000x64xf32>
    %add3A_32 = arith.addf %dot_general3A_27, %add3A_31 : vector<2000x64xf32>
    %gt3A_33 = arith.constant 0.000000e+00 : f32
    %gt3A_34 = vector.broadcast %gt3A_33 : f32 to vector<2000x64xf32>
    %gt3A_35 = arith.cmpf ogt, %add3A_32, %gt3A_34 : vector<2000x64xf32>
    %min3A_36 = arith.constant 0.000000e+00 : f32
    %min3A_37 = vector.broadcast %min3A_36 : f32 to vector<2000x64xf32>
    %min3A_38 = arith.minimumf %add3A_32, %min3A_37 : vector<2000x64xf32>
    %exp3A_39 = math.exp %min3A_38 : vector<2000x64xf32>
    %sub3A_40 = arith.constant 1.000000e+00 : f32
    %sub3A_41 = vector.broadcast %sub3A_40 : f32 to vector<2000x64xf32>
    %sub3A_42 = arith.subf %exp3A_39, %sub3A_41 : vector<2000x64xf32>
    %select_n3A_43 = arith.select %gt3A_35, %add3A_32, %sub3A_42 : vector<2000x64xi1>, vector<2000x64xf32>
    %get3A_44 = arith.constant 0 : index
    %get3A_45 = arith.constant 0 : index
    %get3A_46 = arith.constant 0 : index
    %get3A_47 = vector.load %arg7[%get3A_44, %get3A_45, %get3A_46] : memref<1x1x2000xi32, #tpu.memory_space<vmem>>, vector<1x1x2000xi32>
    %get3A_48 = vector.shape_cast %get3A_47 : vector<1x1x2000xi32> to vector<2000xi32>
    %iota3A = tpu.iota {dimensions = array<i32: 0>} : vector<32x2000xi32>
    %broadcast_in_dim3A = vector.shape_cast %get3A_48 : vector<2000xi32> to vector<1x2000xi32>
    %eq3A = vector.broadcast %broadcast_in_dim3A : vector<1x2000xi32> to vector<32x2000xi32>
    %eq3A_49 = arith.cmpi eq, %iota3A, %eq3A : vector<32x2000xi32>
    %convert_element_type3A = arith.extui %eq3A_49 : vector<32x2000xi1> to vector<32x2000xi32>
    %convert_element_type3A_50 = arith.sitofp %convert_element_type3A : vector<32x2000xi32> to vector<32x2000xf32>
    %dot_general3A_51 = arith.constant dense<0.000000e+00> : vector<32x64xf32>
    %dot_general3A_52 = tpu.matmul %convert_element_type3A_50, %select_n3A_43, %dot_general3A_51 {dimension_numbers = #tpu.dot_dimension_numbers<[1], [0], [0], [1], [0, 0, 1, 1], [], []>, transpose_lhs_hint = false} : vector<32x2000xf32>, vector<2000x64xf32>, vector<32x64xf32> -> vector<32x64xf32>
    %eq3A_53 = arith.constant 0 : i32
    %eq3A_54 = arith.cmpi eq, %arg0, %eq3A_53 : i32
    %convert_element_type3A_55 = arith.extui %eq3A_54 : i1 to i32
    %cond3A = arith.constant 0 : i32
    %cond3A_56 = arith.cmpi ne, %convert_element_type3A_55, %cond3A : i32
    scf.if %cond3A_56 {
      %broadcast_in_dim3A_68 = arith.constant 0.000000e+00 : f32
      %broadcast_in_dim3A_69 = vector.broadcast %broadcast_in_dim3A_68 : f32 to vector<32x64xf32>
      %swap3A_70 = arith.constant 0 : index
      %swap3A_71 = arith.constant 0 : index
      %swap3A_72 = vector.load %arg15[%swap3A_70, %swap3A_71] : memref<32x64xf32, #tpu.memory_space<vmem>>, vector<32x64xf32>
      tpu.vector_store %arg15[%swap3A_70, %swap3A_71], %broadcast_in_dim3A_69 {strides = array<i32>} : memref<32x64xf32, #tpu.memory_space<vmem>>, vector<32x64xf32>,
    } else {
    }
    %get3A_57 = arith.constant 0 : index
    %get3A_58 = arith.constant 0 : index
    %get3A_59 = vector.load %arg15[%get3A_57, %get3A_58] : memref<32x64xf32, #tpu.memory_space<vmem>>, vector<32x64xf32>
    %add3A_60 = arith.addf %get3A_59, %dot_general3A_52 : vector<32x64xf32>
    %swap3A = arith.constant 0 : index
    %swap3A_61 = arith.constant 0 : index
    %swap3A_62 = vector.load %arg15[%swap3A, %swap3A_61] : memref<32x64xf32, #tpu.memory_space<vmem>>, vector<32x64xf32>
    tpu.vector_store %arg15[%swap3A, %swap3A_61], %add3A_60 {strides = array<i32>} : memref<32x64xf32, #tpu.memory_space<vmem>>, vector<32x64xf32>,
    %eq3A_63 = arith.constant 4 : i32
    %eq3A_64 = arith.cmpi eq, %arg0, %eq3A_63 : i32
    %convert_element_type3A_65 = arith.extui %eq3A_64 : i1 to i32
    %cond3A_66 = arith.constant 0 : i32
    %cond3A_67 = arith.cmpi ne, %convert_element_type3A_65, %cond3A_66 : i32
    scf.if %cond3A_67 {
      %get3A_68 = arith.constant 0 : index
      %get3A_69 = arith.constant 0 : index
      %get3A_70 = vector.load %arg15[%get3A_68, %get3A_69] : memref<32x64xf32, #tpu.memory_space<vmem>>, vector<32x64xf32>
      %get3A_71 = arith.constant 0 : index
      %get3A_72 = arith.constant 0 : index
      %get3A_73 = vector.load %arg8[%get3A_71, %get3A_72] : memref<64x64xf32, #tpu.memory_space<vmem>>, vector<64x64xf32>
      %dot_general3A_74 = arith.constant dense<0.000000e+00> : vector<32x64xf32>
      %dot_general3A_75 = tpu.matmul %get3A_70, %get3A_73, %dot_general3A_74 {dimension_numbers = #tpu.dot_dimension_numbers<[1], [0], [0], [1], [0, 0, 1, 1], [], []>, transpose_lhs_hint = false} : vector<32x64xf32>, vector<64x64xf32>, vector<32x64xf32> -> vector<32x64xf32>
      %get3A_76 = arith.constant 0 : index
      %get3A_77 = arith.constant 0 : index
      %get3A_78 = vector.load %arg9[%get3A_76, %get3A_77] : memref<1x64xf32, #tpu.memory_space<vmem>>, vector<1x64xf32>
      %add3A_79 = vector.broadcast %get3A_78 : vector<1x64xf32> to vector<32x64xf32>
      %add3A_80 = arith.addf %dot_general3A_75, %add3A_79 : vector<32x64xf32>
      %gt3A_81 = arith.constant 0.000000e+00 : f32
      %gt3A_82 = vector.broadcast %gt3A_81 : f32 to vector<32x64xf32>
      %gt3A_83 = arith.cmpf ogt, %add3A_80, %gt3A_82 : vector<32x64xf32>
      %min3A_84 = arith.constant 0.000000e+00 : f32
      %min3A_85 = vector.broadcast %min3A_84 : f32 to vector<32x64xf32>
      %min3A_86 = arith.minimumf %add3A_80, %min3A_85 : vector<32x64xf32>
      %exp3A_87 = math.exp %min3A_86 : vector<32x64xf32>
      %sub3A_88 = arith.constant 1.000000e+00 : f32
      %sub3A_89 = vector.broadcast %sub3A_88 : f32 to vector<32x64xf32>
      %sub3A_90 = arith.subf %exp3A_87, %sub3A_89 : vector<32x64xf32>
      %select_n3A_91 = arith.select %gt3A_83, %add3A_80, %sub3A_90 : vector<32x64xi1>, vector<32x64xf32>
      %get3A_92 = arith.constant 0 : index
      %get3A_93 = arith.constant 0 : index
      %get3A_94 = vector.load %arg10[%get3A_92, %get3A_93] : memref<64x32xf32, #tpu.memory_space<vmem>>, vector<64x32xf32>
      %dot_general3A_95 = arith.constant dense<0.000000e+00> : vector<32x32xf32>
      %dot_general3A_96 = tpu.matmul %select_n3A_91, %get3A_94, %dot_general3A_95 {dimension_numbers = #tpu.dot_dimension_numbers<[1], [0], [0], [1], [0, 0, 1, 1], [], []>, transpose_lhs_hint = false} : vector<32x64xf32>, vector<64x32xf32>, vector<32x32xf32> -> vector<32x32xf32>
      %get3A_97 = arith.constant 0 : index
      %get3A_98 = arith.constant 0 : index
      %get3A_99 = vector.load %arg11[%get3A_97, %get3A_98] : memref<1x32xf32, #tpu.memory_space<vmem>>, vector<1x32xf32>
      %add3A_100 = vector.broadcast %get3A_99 : vector<1x32xf32> to vector<32x32xf32>
      %add3A_101 = arith.addf %dot_general3A_96, %add3A_100 : vector<32x32xf32>
      %gt3A_102 = arith.constant 0.000000e+00 : f32
      %gt3A_103 = vector.broadcast %gt3A_102 : f32 to vector<32x32xf32>
      %gt3A_104 = arith.cmpf ogt, %add3A_101, %gt3A_103 : vector<32x32xf32>
      %min3A_105 = arith.constant 0.000000e+00 : f32
      %min3A_106 = vector.broadcast %min3A_105 : f32 to vector<32x32xf32>
      %min3A_107 = arith.minimumf %add3A_101, %min3A_106 : vector<32x32xf32>
      %exp3A_108 = math.exp %min3A_107 : vector<32x32xf32>
      %sub3A_109 = arith.constant 1.000000e+00 : f32
      %sub3A_110 = vector.broadcast %sub3A_109 : f32 to vector<32x32xf32>
      %sub3A_111 = arith.subf %exp3A_108, %sub3A_110 : vector<32x32xf32>
      %select_n3A_112 = arith.select %gt3A_104, %add3A_101, %sub3A_111 : vector<32x32xi1>, vector<32x32xf32>
      %get3A_113 = arith.constant 0 : index
      %get3A_114 = arith.constant 0 : index
      %get3A_115 = vector.load %arg12[%get3A_113, %get3A_114] : memref<32x10xf32, #tpu.memory_space<vmem>>, vector<32x10xf32>
      %dot_general3A_116 = arith.constant dense<0.000000e+00> : vector<32x10xf32>
      %dot_general3A_117 = tpu.matmul %select_n3A_112, %get3A_115, %dot_general3A_116 {dimension_numbers = #tpu.dot_dimension_numbers<[1], [0], [0], [1], [0, 0, 1, 1], [], []>, transpose_lhs_hint = false} : vector<32x32xf32>, vector<32x10xf32>, vector<32x10xf32> -> vector<32x10xf32>
      %get3A_118 = arith.constant 0 : index
      %get3A_119 = arith.constant 0 : index
      %get3A_120 = vector.load %arg13[%get3A_118, %get3A_119] : memref<1x10xf32, #tpu.memory_space<vmem>>, vector<1x10xf32>
      %add3A_121 = vector.broadcast %get3A_120 : vector<1x10xf32> to vector<32x10xf32>
      %add3A_122 = arith.addf %dot_general3A_117, %add3A_121 : vector<32x10xf32>
      %swap3A_123 = arith.constant 0 : index
      %swap3A_124 = arith.constant 0 : index
      %swap3A_125 = vector.load %arg14[%swap3A_123, %swap3A_124] : memref<32x10xf32, #tpu.memory_space<vmem>>, vector<32x10xf32>
      tpu.vector_store %arg14[%swap3A_123, %swap3A_124], %add3A_122 {strides = array<i32>} : memref<32x10xf32, #tpu.memory_space<vmem>>, vector<32x10xf32>,
    } else {
    }
    return
  }
  func.func @transform_0(%arg0: i32) -> (i32, i32, i32) {
    %c0_i32 = arith.constant 0 : i32
    %c0_i32_0 = arith.constant 0 : i32
    %c0_i32_1 = arith.constant 0 : i32
    return %c0_i32, %arg0, %c0_i32_0 : i32, i32, i32
  }
  func.func @transform_1(%arg0: i32) -> (i32, i32, i32) {
    %c1_i32 = arith.constant 1 : i32
    %c0_i32 = arith.constant 0 : i32
    %c0_i32_0 = arith.constant 0 : i32
    return %c1_i32, %arg0, %c0_i32 : i32, i32, i32
  }
  func.func @transform_2(%arg0: i32) -> (i32, i32) {
    %c0_i32 = arith.constant 0 : i32
    %c0_i32_0 = arith.constant 0 : i32
    return %arg0, %c0_i32 : i32, i32
  }
  func.func @transform_3(%arg0: i32) -> (i32, i32) {
    %c0_i32 = arith.constant 0 : i32
    %c0_i32_0 = arith.constant 0 : i32
    %c0_i32_1 = arith.constant 0 : i32
    return %c0_i32, %c0_i32_0 : i32, i32
  }
  func.func @transform_4(%arg0: i32) -> (i32, i32) {
    %c0_i32 = arith.constant 0 : i32
    %c0_i32_0 = arith.constant 0 : i32
    %c0_i32_1 = arith.constant 0 : i32
    return %c0_i32, %c0_i32_0 : i32, i32
  }
  func.func @transform_5(%arg0: i32) -> (i32, i32) {
    %c0_i32 = arith.constant 0 : i32
    %c0_i32_0 = arith.constant 0 : i32
    %c0_i32_1 = arith.constant 0 : i32
    return %c0_i32, %c0_i32_0 : i32, i32
  }
  func.func @transform_6(%arg0: i32) -> (i32, i32, i32) {
    %c0_i32 = arith.constant 0 : i32
    %c0_i32_0 = arith.constant 0 : i32
    %c0_i32_1 = arith.constant 0 : i32
    return %arg0, %c0_i32, %c0_i32_0 : i32, i32, i32
  }
  func.func @transform_7(%arg0: i32) -> (i32, i32) {
    %c0_i32 = arith.constant 0 : i32
    %c0_i32_0 = arith.constant 0 : i32
    %c0_i32_1 = arith.constant 0 : i32
    return %c0_i32, %c0_i32_0 : i32, i32
  }
  func.func @transform_8(%arg0: i32) -> (i32, i32) {
    %c0_i32 = arith.constant 0 : i32
    %c0_i32_0 = arith.constant 0 : i32
    %c0_i32_1 = arith.constant 0 : i32
    return %c0_i32, %c0_i32_0 : i32, i32
  }
  func.func @transform_9(%arg0: i32) -> (i32, i32) {
    %c0_i32 = arith.constant 0 : i32
    %c0_i32_0 = arith.constant 0 : i32
    %c0_i32_1 = arith.constant 0 : i32
    return %c0_i32, %c0_i32_0 : i32, i32
  }
  func.func @transform_10(%arg0: i32) -> (i32, i32) {
    %c0_i32 = arith.constant 0 : i32
    %c0_i32_0 = arith.constant 0 : i32
    %c0_i32_1 = arith.constant 0 : i32
    return %c0_i32, %c0_i32_0 : i32, i32
  }
  func.func @transform_11(%arg0: i32) -> (i32, i32) {
    %c0_i32 = arith.constant 0 : i32
    %c0_i32_0 = arith.constant 0 : i32
    %c0_i32_1 = arith.constant 0 : i32
    return %c0_i32, %c0_i32_0 : i32, i32
  }
  func.func @transform_12(%arg0: i32) -> (i32, i32) {
    %c0_i32 = arith.constant 0 : i32
    %c0_i32_0 = arith.constant 0 : i32
    %c0_i32_1 = arith.constant 0 : i32
    return %c0_i32, %c0_i32_0 : i32, i32
  }
  func.func @transform_13(%arg0: i32) -> (i32, i32) {
    %c0_i32 = arith.constant 0 : i32
    %c0_i32_0 = arith.constant 0 : i32
    %c0_i32_1 = arith.constant 0 : i32
    return %c0_i32, %c0_i32_0 : i32, i32
  }
}

</mosaic_0001>

<sc_bundles>
// kernel: kernel.12.cloned.1.call-start
scs
__scs_entry_jumppad:
0x0: {  	(pc) =	sbr.rel $0x88, $3  }
0x1: {  	(tag) =	ssettag $0x0;
	lr =	simm.s32 $0x1  }
0x2: {  	[smem:$0x3F88] =	sst lr;
	_ =	strace $0xD0000000  }
0x3: {  	_ = 	snop  }
0x4: {  	_ = 	snop  }
0x5: {  	_ = 	snop  }
0x6: {  	_ = 	snop  }
0x7: {  	_ = 	snop  }
__scs_overlays_trampoline_lowered:
0x8: {  	[smem:$0x3F97] =	sst s0  }
0x9: {  	[smem:$0x3F98] =	sst s1  }
0xa: {  	[smem:$0x3F99] =	sst s2  }
0xb: {  	[smem:$0x3F9A] =	sst s3  }
0xc: {  	[smem:$0x3F9B] =	sst s4  }
0xd: {  	[smem:$0x3F9C] =	sst s5  }
0xe: {  	[smem:$0x3F9D] =	sst s6  }
0xf: {  	[smem:$0x3F9E] =	sst s7  }
0x10: {  	[smem:$0x3F9F] =	sst s8  }
0x11: {  	[smem:$0x3FA0] =	sst s9;
	s0 =	simm.s32 @!p0 $0x0  }
0x12: {  	s1 =	sld [smem:$0x3F86];
	s0 =	simm.s32 @p0 $0x1  }
0x13: {  	[smem:$0x3FA1] =	sst s0;
	s0 =	simm.s32 @!p1 $0x0  }
0x14: {  	s2 =	sld [smem:$0x3F85];
	s0 =	simm.s32 @p1 $0x1  }
0x15: {  	[smem:$0x3FA2] =	sst s0;
	s0 =	simm.s32 @!p2 $0x0  }
0x16: {  	s3 =	sld [smem:$0x3FDB];
	s0 =	simm.s32 @p2 $0x1  }
0x17: {  	s4 =	simm.s32 $0x1BF5;
	[smem:$0x3FA4] =	sst s0  }
0x18: {  	s0 =	sld [smem:$0x3F87];
	_ =	swait.ge [sflag:s4], $0x0  }
0x19: {  	s7 =	sld [smem:$0x3F88]  }
0x1a: {  	s8 =	sadd.s32 $0xFFFFE003, lr  }
0x1b: {  	s9 =	sadd.s32 $0xFFFFFEF7, lr;
	s5 =	simm.s32 $0xFFFFFFFF;
	p2 =	slt.u32 s8, $0xFFFFF086  }
0x1c: {  	p1 =	slt.u32 s9, $0xF7A;
	s5 =	simm.s32 @!p2 $0x0  }
0x1d: {  	s5 =	simm.s32 @p1 $0x1;
	p0 =	seq.s32 s7, s2  }
0x1e: {  	s7 =	smul.u32 @!p0 $0xF7A, s2;
	p2 =	seq.s32 @!p0 s5, $0x0  }
0x1f: {  	s9 =	smul.u32 $0xF7A, s1;
	s8 =	simm.s32 @!p0 $0x1BF5;
	p2 =	por !p2, p0  }
0x20: {  	[sflag:s8] =	ssyncset.s32 @!p0 $0xFFFFF086;
	s6 =	sadd.s32 @!p0 s3, s7;
	s7 =	simm.s32 @!p0 $0x108  }
0x21: {  	s3 =	sadd.s32 s3, s9;
	s6 =	sadd.s32 @!p0 $0x88, s6;
	s7 =	simm.s32 @p2 $0x1082  }
0x22: {  	[simem:s7], [sflag:s8] =	dma.local @!p0 [hbm:s6], $0xF7A  }
0x23: {  	s9 =	sor.u32 $0xD0000000, s2;
	s6 =	simm.s32 $0x108;
	_ =	swait.ge @!p0 [sflag:s8], $0x0  }
0x24: {  	s3 =	sadd.s32 $0x88, s3;
	s6 =	simm.s32 @!p1 $0x1082;
	[sflag:s4] =	ssyncset.s32 $0xFFFFF086  }
0x25: {  	[simem:s6], [sflag:s4] =	dma.local [hbm:s3], $0xF7A  }
0x26: {  	[smem:$0x3F88] =	sst s1;
	(tag) =	ssettag s2;
	_ =	strace s9  }
0x27: {  	s1 =	sld [smem:$0x3F98]  }
0x28: {  	s2 =	sld [smem:$0x3F99]  }
0x29: {  	s4 =	sld [smem:$0x3F9B]  }
0x2a: {  	p0 =	seq.s32 s5, $0x0;
	s5 =	sld [smem:$0x3F9C]  }
0x2b: {  	s6 =	sld [smem:$0x3F9D]  }
0x2c: {  	s7 =	sld [smem:$0x3F9E]  }
0x2d: {  	s3 =	simm.s32 $0x108;
	s8 =	sld [smem:$0x3F9F]  }
0x2e: {  	s3 =	simm.s32 @!p0 $0x1082;
	s9 =	sld [smem:$0x3FA0]  }
0x2f: {  	lr =	sadd.s32 s0, s3;
	s0 =	sld [smem:$0x3F97]  }
0x30: {  	s3 =	sld [smem:$0x3F9A]  }
0x31: {  	[smem:$0x3FA3] =	sst s10  }
0x32: {  	s10 =	sld [smem:$0x3FA1];
	_ =	sdelay $0x3  }
0x33: {  	p0 =	seq.s32 s10, $0x1;
	s10 =	sld [smem:$0x3FA3];
	_ =	sdelay $0x3  }
0x34: {  	[smem:$0x3FA3] =	sst s10  }
0x35: {  	s10 =	sld [smem:$0x3FA2];
	_ =	sdelay $0x3  }
0x36: {  	p1 =	seq.s32 s10, $0x1;
	s10 =	sld [smem:$0x3FA3];
	_ =	sdelay $0x3  }
0x37: {  	[smem:$0x3FA3] =	sst s10  }
0x38: {  	s10 =	sld [smem:$0x3FA4]  }
0x39: {  	_ = 	snop;
	(pc) =	sbr.ind lr, $3  }
0x3a: {  	_ = 	snop  }
0x3b: {  	_ = 	snop  }
0x3c: {  	p2 =	seq.s32 s10, $0x1;
	s10 =	sld [smem:$0x3FA3]  }
0x3d: {  	_ =	shalt  }
0x3e: {  	_ =	shalt  }
0x3f: {  	_ =	shalt  }
0x40: {  	_ =	shalt  }
0x41: {  	_ =	shalt  }
0x42: {  	_ =	shalt  }
0x43: {  	_ =	shalt  }
0x44: {  	_ =	shalt  }
0x45: {  	_ =	shalt  }
0x46: {  	_ =	shalt  }
0x47: {  	_ =	shalt  }
0x48: {  	_ =	shalt  }
0x49: {  	_ =	shalt  }
0x4a: {  	_ =	shalt  }
0x4b: {  	_ =	shalt  }
0x4c: {  	_ =	shalt  }
0x4d: {  	_ =	shalt  }
0x4e: {  	_ =	shalt  }
0x4f: {  	_ =	shalt  }
0x50: {  	_ =	shalt  }
0x51: {  	_ =	shalt  }
0x52: {  	_ =	shalt  }
0x53: {  	_ =	shalt  }
0x54: {  	_ =	shalt  }
0x55: {  	_ =	shalt  }
0x56: {  	_ =	shalt  }
0x57: {  	_ =	shalt  }
0x58: {  	_ =	shalt  }
0x59: {  	_ =	shalt  }
0x5a: {  	_ =	shalt  }
0x5b: {  	_ =	shalt  }
0x5c: {  	_ =	shalt  }
0x5d: {  	_ =	shalt  }
0x5e: {  	_ =	shalt  }
0x5f: {  	_ =	shalt  }
0x60: {  	_ =	shalt  }
0x61: {  	_ =	shalt  }
0x62: {  	_ =	shalt  }
0x63: {  	_ =	shalt  }
0x64: {  	_ =	shalt  }
0x65: {  	_ =	shalt  }
0x66: {  	_ =	shalt  }
0x67: {  	_ =	shalt  }
0x68: {  	_ =	shalt  }
0x69: {  	_ =	shalt  }
0x6a: {  	_ =	shalt  }
0x6b: {  	_ =	shalt  }
0x6c: {  	_ =	shalt  }
0x6d: {  	_ =	shalt  }
0x6e: {  	_ =	shalt  }
0x6f: {  	_ =	shalt  }
0x70: {  	_ =	shalt  }
0x71: {  	_ =	shalt  }
0x72: {  	_ =	shalt  }
0x73: {  	_ =	shalt  }
0x74: {  	_ =	shalt  }
0x75: {  	_ =	shalt  }
0x76: {  	_ =	shalt  }
0x77: {  	_ =	shalt  }
0x78: {  	_ =	shalt  }
0x79: {  	_ =	shalt  }
0x7a: {  	_ =	shalt  }
0x7b: {  	_ =	shalt  }
0x7c: {  	_ =	shalt  }
0x7d: {  	_ =	shalt  }
0x7e: {  	_ =	shalt  }
0x7f: {  	_ =	shalt  }
0x80: {  	_ =	shalt  }
0x81: {  	_ =	shalt  }
0x82: {  	_ =	shalt  }
0x83: {  	_ =	shalt  }
0x84: {  	_ =	shalt  }
0x85: {  	_ =	shalt  }
0x86: {  	_ =	shalt  }
0x87: {  	_ =	shalt  }
.Lfunc_end0:
.L_simem_size_0:
called_computation.1_lowered:
.L_overlay_start_0:
0x88: {  	s2 =	sld [smem:$0x3FD9]  }
0x89: {  	s3 =	sld [smem:$0x3FFE];
	_ =	sdelay $0x1  }
0x8a: {  	s1 =	srdreg.scid  }
0x8b: {  	s0 =	sand.u32 $0x1, s1  }
0x8c: {  	s14 =	sshll.u32 s0, $0xA;
	s2 =	sadd.s32 s3, s2  }
0x8d: {  	s2 =	sadd.s32 s2, s14  }
0x8e: {  	[smem:$0x3FAF] =	sst s2  }
0x8f: {  	_ = 	snop  }
0x90: {  	s2 =	sld [smem:$0x3FD0];
	_ =	sdelay $0x2  }
0x91: {  	s15 =	simm.s32 $0xA;
	s4 =	simm.s32 $0x10  }
0x92: {  	[smem:s4], [sflag:s15] =	dma.local [hbm:s2], $0x1  }
0x93: {  	_ =	swait.eq [sflag:s15], $0x1  }
0x94: {  	[sflag:s15] =	ssyncset.done $0x0  }
0x95: {  	[sflag:s15] =	ssyncadd.s32 $0xFFFFFFFF  }
0x96: {  	s16 =	sld [smem:$0x11];
	(tm) =	ssettm $0x1  }
0x97: {  	s17 =	sld [smem:$0x3FFB];
	_ =	sdelay $0x3  }
0x98: {  	_ =	strace s17  }
0x99: {  	s3 =	sld [smem:$0x3FFC];
	_ =	sdelay $0x3  }
0x9a: {  	_ =	strace s3  }
0x9b: {  	s3 =	sld [smem:$0x3FFD];
	_ =	sdelay $0x3  }
0x9c: {  	_ =	strace s3  }
0x9d: {  	_ =	strace $0x8FFFFFFF  }
0x9e: {  	s18 =	sld [smem:$0x3FDB];
	_ =	sdelay $0x1  }
0x9f: {  	s19 =	simm.s32 $_scs_section_size  }
0xa0: {  	s5 =	simm.s32 $_size__tile_overlayer_lowered;
	s6 =	simm.s32 $_tile_overlayer_lowered  }
0xa1: {  	s22 =	simm.s32 $0x1BFF;
	s21 =	sshll.u32 s6, $0x1;
	s3 =	sadd.s32 s19, s18  }
0xa2: {  	s7 =	simm.s32 $0x0;
	s20 =	sshll.u32 s5, $0x1;
	s5 =	sadd.s32 s21, s3  }
0xa3: {  	[timem:s7], [sflag:s22] =	dma.local [hbm:s5], s20  }
0xa4: {  	_ =	swait.ge [sflag:s22], s20  }
0xa5: {  	s4 =	ssub.s32 $0x0, s20;
	[sflag:s22] =	ssyncset.done $0x0  }
0xa6: {  	[sflag:s22] =	ssyncadd.s32 s4;
	_ =	sdelay $0x1  }
0xa7: {  	s23 =	simm.s32 $0x1B8B  }
0xa8: {  	_ =	swait.ge [sflag:s23], $0x1  }
0xa9: {  	[sflag:s23] =	ssyncset.done $0x0  }
0xaa: {  	s25 =	simm.s32 $0x1B8E;
	s24 =	sld [smem:$0x3FFE];
	[sflag:s23] =	ssyncadd.s32 $0xFFFFFFFF  }
0xab: {  	s26 =	simm.s32 $execute0_lowered;
	[smem:$0x3FD2] =	sst s25  }
0xac: {  	s5 =	sshll.u32 s26, $0x1;
	_ =	strace $0x80000049;
	[dreg:$0x1] =	wrdreg $0xFFFFFFFF  }
0xad: {  	s28 =	simm.s32 $_size_execute0_lowered;
	s3 =	sadd.s32 s3, s5;
	[dreg:$0x0] =	wrdreg $0x0  }
0xae: {  	s5 =	sshll.u32 s28, $0x1;
	[dreg:$0x2] =	wrdreg s3  }
0xaf: {  	[dreg:$0x3] =	wrdreg s5  }
0xb0: {  	[dreg:$0x4] =	wrdreg $0xC0  }
0xb1: {  	_ =	task [dreg:s7], $0x5FFFF  }
0xb2: {  	[dreg:$0x1] =	wrdreg $0xFFFFFFFF  }
0xb3: {  	[dreg:$0x0] =	wrdreg $0x60  }
0xb4: {  	[dreg:$0x2] =	wrdreg s16  }
0xb5: {  	[dreg:$0x3] =	wrdreg s24  }
0xb6: {  	[dreg:$0x4] =	wrdreg $0x8E800  }
0xb7: {  	[dreg:$0x5] =	wrdreg $0x12CC00  }
0xb8: {  	[dreg:$0x6] =	wrdreg $0x9  }
0xb9: {  	_ =	task.clear_ibuf [dreg:s7], $0x7FFFF;
	_ =	strace $0x90000049  }
0xba: {  	s29 =	simm.s32 $0x9;
	_ =	strace $0x8000004B  }
0xbb: {  	_ =	swait.ge [sflag:s29], $0x1  }
0xbc: {  	[sflag:s29] =	ssyncadd.s32 $0xFFFFFFFF  }
0xbd: {  	_ =	strace $0x9000004B  }
0xbe: {  	_ =	sfence  }
0xbf: {  	s30 =	sld [smem:$0x0];
	_ =	sdelay $0x2  }
0xc0: {  	s31 =	sshll.u32 s1, $0xD;
	s1 =	sshrl.u32 s1, $0x2  }
0xc1: {  	s3 =	sand.u32 $0x4000, s31;
	s1 =	sadd.s32 s1, s30  }
0xc2: {  	s0 =	sor.u32 s3, s0;
	s1 =	sshll.u32 s1, $0x11  }
0xc3: {  	s0 =	sor.u32 s1, s0  }
0xc4: {  	s0 =	sadd.s32 $0x8F2B, s0  }
0xc5: {  	[sflag:s0] =	ssyncadd.remote.s32 $0x1  }
0xc6: {  	_ =	sfence.sel $0xFFFF  }
0xc7: {  	[dreg:$0x0] =	wrdreg $0xFFFFFFFF;
	(pc) =	sbr.abs _section_cstart, $3  }
0xc8: {  	[dreg:$0x1] =	wrdreg $0xFFFFFFFF  }
0xc9: {  	_ =	task.clear_ibuf [dreg:s7], $0x2FFFF;
	_ =	strace $0x9FFFFFFF  }
0xca: {  	(tm) =	ssettm $0x7FFFFFFF  }
0xcb: {  	_ =	shalt  }
tec
execute0_lowered:
.L_overlay_start_1:
0x0: {  	(tag) =	ssettag $0x1  }
0x1: {  	s7 =	rddreg [dreg:$0x0]  }
0x2: {  	s5 =	rddreg [dreg:$0x1]  }
0x3: {  	s0 =	stileid.u32;
	s2 =	rddreg [dreg:$0x2]  }
0x4: {  	s1 =	srdreg.scid;
	s3 =	rddreg [dreg:$0x3];
	s20 =	simm.s32 $0x5280  }
0x5: {  	s21 =	simm.s32 $0x78;
	s22 =	simm.s32 $0x7080;
	s4 =	smul.u32 $0x50, s0  }
0x6: {  	s23 =	simm.s32 $0x1;
	s24 =	simm.s32 $0x0;
	s6 =	smul.u32 $0x58, s0  }
0x7: {  	s8 =	sand.u32 $0x1, s1;
	s11 =	smul.u32 $0x9C00, s0;
	s13 =	sadd.s32 $0x17000, s5  }
0x8: {  	s30 =	sshll.u32 s0, $0x6;
	s17 =	sadd.s32 $0x9C000, s2;
	s19 =	sadd.s32 $0x9C000, s3  }
0x9: {  	p0 =	seq.s32 s8, $0x0;
	s28 =	ssub.s32 $0x2, s8;
	s18 =	smul.u32 $0x9C400, s8  }
0xa: {  	s9 =	sadd.s32 $0x580, s4;
	s4 =	simm.s32 $0x0;
	s10 =	sshrl.u32 s28, $0x1  }
0xb: {  	s15 =	sadd.s32 s11, s2;
	s29 =	sshrl.u32 s11, $0x3;
	s16 =	sadd.s32 s11, s3  }
0xc: {  	s9 =	smov.u32 @p0 s6;
	[smem:$0x7FF] =	sst s4;
	s14 =	ssub.s32 s28, s10  }
0xd: {  	s10 =	simm.s32 $0x2B;
	s11 =	sadd.s32 s11, s18;
	s31 =	sshrl.u32 s18, $0x3  }
0xe: {  	s16 =	sshrl.u32 s16, $0x3;
	s6 =	smul.u32 $0xF, s9;
	_ =	strace $0x8000004A  }
0xf: {  	s10 =	simm.s32 @!p0 $0x27;
	s11 =	sshrl.u32 s11, $0x3;
	p0 =	sne.s32 s0, $0xF  }
0x10: {  	s11 =	sadd.s32 s13, s11;
	s17 =	sshrl.u32 @!p0 s17, $0x3;
	s18 =	sshrl.u32 @!p0 s19, $0x3  }
0x11: {  	s19 =	simm.s32 $0x2940;
	s12 =	sadd.s32 s6, s5;
	s5 =	sadd.s32 s7, s29  }
0x12: {  	s6 =	sor.u32 $0x1C02, s30;
	s7 =	sadd.s32 $0x13800, s7;
	s8 =	sadd.s32 $0xD200, s12  }
0x13: {  	s9 =	sadd.s32 $0x3400, s12;
	s12 =	sadd.s32 s13, s31;
	s13 =	smax.u32 s14, $0x1  }
0x14: {  	s14 =	sshrl.u32 s15, $0x3;
	s15 =	simm.s32 $0x2;
	s12 =	sadd.s32 $0x13800, s12  }
.LBB2_1:
0x15: {  	[spmem:s14], [sflag:s6] =	dma.local [hbm:s5], $0x1380  }
0x16: {  	_ =	swait.ge [sflag:s15], $0x1380  }
0x17: {  	[sflag:s15] =	ssyncset.done $0x0  }
0x18: {  	[sflag:s15] =	ssyncadd.s32 $0xFFFFEC80  }
0x19: {  	[spmem:s16], [sflag:s6] =	dma.local [hbm:s5], $0x1380  }
0x1a: {  	_ =	swait.ge [sflag:s15], $0x1380  }
0x1b: {  	[sflag:s15] =	ssyncset.done $0x0  }
0x1c: {  	s25 =	simm.s32 @!p0 $0x2;
	[sflag:s15] =	ssyncadd.s32 $0xFFFFEC80  }
0x1d: {  	[spmem:s17], [sflag:s6] =	dma.local @!p0 [hbm:s7], $0x80  }
0x1e: {  	_ =	swait.ge @!p0 [sflag:s25], $0x80  }
0x1f: {  	[sflag:s25] =	ssyncset.done @!p0 $0x0  }
0x20: {  	[sflag:s25] =	ssyncadd.s32 @!p0 $0xFFFFFF80  }
0x21: {  	[spmem:s18], [sflag:s6] =	dma.local @!p0 [hbm:s7], $0x80  }
0x22: {  	_ =	swait.ge @!p0 [sflag:s25], $0x80  }
0x23: {  	[sflag:s25] =	ssyncset.done @!p0 $0x0  }
0x24: {  	[sflag:s25] =	ssyncadd.s32 @!p0 $0xFFFFFF80  }
0x25: {  	[tilespmem:s4], [sflag:$0x2] =	stream.linear.gather [hbm4b:s8+s4], $0x2940, $0x38;
	[tilespmem:$0x1C900] =	vst v63  }
0x26: {  	_ =	swait.ge [sflag:s15], $0x2940  }
0x27: {  	[sflag:s15] =	ssyncset.done $0x0  }
0x28: {  	[sflag:s15] =	ssyncadd.s32 $0xFFFFD6C0  }
0x29: {  	[tilespmem:s19], [sflag:$0x2] =	stream.linear.gather [hbm4b:s9+s4], $0x2940, $0x38;
	[tilespmem:$0x1C900] =	vst v63  }
0x2a: {  	_ =	swait.ge [sflag:s15], $0x2940  }
0x2b: {  	[sflag:s15] =	ssyncset.done $0x0  }
0x2c: {  	[sflag:s15] =	ssyncadd.s32 $0xFFFFD6C0  }
0x2d: {  	[bflag:$0x0] =	sbarrier.arrive $0xFFFF  }
0x2e: {  	[tilespmem:s20], [sflag:$0x1] =	stream.indirect.gather [spmem:s3], $0x40, s4, s21, $0xb8;
	[tilespmem:$0x1C900] =	vst v63  }
0x2f: {  	_ = 	snop  }
0x30: {  	[tilespmem:s22], [sflag:$0x1] =	stream.indirect.gather [spmem:s3], $0x40, s21, s21, $0xb8;
	[tilespmem:$0x1C900] =	vst v63  }
0x31: {  	_ =	swait.ge [sflag:s23], $0x1E00  }
0x32: {  	[sflag:s23] =	ssyncset.done $0x0  }
0x33: {  	s26 =	simm.s32 $0x2940;
	[sflag:s23] =	ssyncadd.s32 $0xFFFFE200  }
0x34: {  	[spmem:s2] =	stream.indirect.scatter.add.f32 [tilespmem:s20], [sflag:$0x2], $0x40, s26, s21, $0xb8;
	[tilespmem:$0x1C900] =	vst v63  }
0x35: {  	_ =	swait.ge [sflag:s15], $0x1E00  }
0x36: {  	[sflag:s15] =	ssyncset.done $0x0  }
0x37: {  	s1 =	simm.s32 $0xF0;
	[sflag:s15] =	ssyncadd.s32 $0xFFFFE200  }
0x38: {  	[tilespmem:s20], [sflag:$0x1] =	stream.indirect.gather [spmem:s3], $0x40, s1, s21, $0xb8;
	[tilespmem:$0x1C900] =	vst v63  }
0x39: {  	p1 =	sne.s32 s10, $0x1;
	_ =	swait.ge [sflag:s23], $0x1E00  }
.Ltmp0:
0x3a: {  	[sflag:s23] =	ssyncset.done $0x0;
	(pc) =	sbr.rel @!p1 .LBB2_3-.Ltmp0, $4  }
0x3b: {  	s26 =	simm.s32 $0x29B8;
	[sflag:s23] =	ssyncadd.s32 $0xFFFFE200  }
0x3c: {  	[spmem:s2] =	stream.indirect.scatter.add.f32 [tilespmem:s22], [sflag:$0x2], $0x40, s26, s21, $0xb8;
	[tilespmem:$0x1C900] =	vst v63  }
0x3d: {  	s28 =	simm.s32 $0x1;
	s31 =	simm.s32 $0x168;
	_ =	swait.ge [sflag:s15], $0x1E00  }
0x3e: {  	s29 =	simm.s32 $0x78;
	s30 =	simm.s32 $0x29B8;
	[sflag:s15] =	ssyncset.done $0x0  }
.LBB2_2:
0x3f: {  	s30 =	smov.u32 s26;
	s29 =	smov.u32 s31  }
0x40: {  	s28 =	sadd.s32 $0x1, s28;
	s26 =	sadd.s32 $0xF0, s26;
	[sflag:s15] =	ssyncadd.s32 $0xFFFFE200  }
0x41: {  	[tilespmem:s22], [sflag:$0x1] =	stream.indirect.gather [spmem:s3], $0x40, s31, s21, $0xb8;
	[tilespmem:$0x1C900] =	vst v63  }
0x42: {  	p1 =	sne.s32 s10, s28;
	_ =	swait.ge [sflag:s23], $0x1E00  }
0x43: {  	[sflag:s23] =	ssyncset.done $0x0  }
0x44: {  	s1 =	sadd.s32 $0xFFFFFF88, s26;
	[sflag:s23] =	ssyncadd.s32 $0xFFFFE200  }
0x45: {  	[spmem:s2] =	stream.indirect.scatter.add.f32 [tilespmem:s20], [sflag:$0x2], $0x40, s1, s21, $0xb8;
	[tilespmem:$0x1C900] =	vst v63  }
0x46: {  	_ =	swait.ge [sflag:s15], $0x1E00  }
0x47: {  	[sflag:s15] =	ssyncset.done $0x0  }
0x48: {  	s1 =	sadd.s32 $0x78, s31;
	[sflag:s15] =	ssyncadd.s32 $0xFFFFE200  }
0x49: {  	[tilespmem:s20], [sflag:$0x1] =	stream.indirect.gather [spmem:s3], $0x40, s1, s21, $0xb8;
	[tilespmem:$0x1C900] =	vst v63  }
0x4a: {  	_ =	swait.ge [sflag:s23], $0x1E00  }
.Ltmp1:
0x4b: {  	[sflag:s23] =	ssyncset.done $0x0;
	(pc) =	sbr.rel @p1 .LBB2_2-.Ltmp1, $4  }
0x4c: {  	[sflag:s23] =	ssyncadd.s32 $0xFFFFE200  }
0x4d: {  	[spmem:s2] =	stream.indirect.scatter.add.f32 [tilespmem:s22], [sflag:$0x2], $0x40, s26, s21, $0xb8;
	[tilespmem:$0x1C900] =	vst v63  }
0x4e: {  	_ =	swait.ge [sflag:s15], $0x1E00  }
0x4f: {  	s31 =	sadd.s32 $0xF0, s31;
	[sflag:s15] =	ssyncset.done $0x0  }
.LBB2_3:
0x50: {  	[sflag:s15] =	ssyncadd.s32 $0xFFFFE200  }
0x51: {  	[tilespmem:s22], [sflag:$0x1] =	stream.indirect.gather [spmem:s3], $0x40, s31, s21, $0xb8;
	[tilespmem:$0x1C900] =	vst v63  }
0x52: {  	_ =	swait.ge [sflag:s23], $0x1E00  }
0x53: {  	[sflag:s23] =	ssyncset.done $0x0  }
0x54: {  	s1 =	sadd.s32 $0x78, s30;
	[sflag:s23] =	ssyncadd.s32 $0xFFFFE200  }
0x55: {  	[spmem:s2] =	stream.indirect.scatter.add.f32 [tilespmem:s20], [sflag:$0x2], $0x40, s1, s21, $0xb8;
	[tilespmem:$0x1C900] =	vst v63  }
0x56: {  	p1 =	sge.u32 s28, s10;
	_ =	swait.ge [sflag:s15], $0x1E00  }
0x57: {  	s28 =	simm.s32 @!p1 $0x78;
	[sflag:s15] =	ssyncset.done $0x0  }
0x58: {  	s1 =	sadd.s32 @!p1 $0x168, s29;
	s29 =	simm.s32 @!p1 $0x5280;
	[sflag:s15] =	ssyncadd.s32 $0xFFFFE200  }
0x59: {  	[tilespmem:s29], [sflag:$0x1] =	stream.indirect.gather @!p1 [spmem:s3], $0x40, s1, s28, $0xb8;
	[tilespmem:$0x1C900] =	vst v63  }
0x5a: {  	_ =	swait.ge [sflag:s23], $0x1E00  }
0x5b: {  	[sflag:s23] =	ssyncset.done $0x0  }
0x5c: {  	s31 =	sadd.s32 $0xF0, s26;
	[sflag:s23] =	ssyncadd.s32 $0xFFFFE200  }
0x5d: {  	[spmem:s2] =	stream.indirect.scatter.add.f32 [tilespmem:s22], [sflag:$0x2], $0x40, s31, s21, $0xb8;
	[tilespmem:$0x1C900] =	vst v63  }
0x5e: {  	_ =	swait.ge [sflag:s15], $0x1E00  }
0x5f: {  	[sflag:s15] =	ssyncset.done $0x0  }
0x60: {  	[sflag:s15] =	ssyncadd.s32 $0xFFFFE200  }
0x61: {  	[bflag:$0x0] =	sbarrier.arrive $0xFFFF  }
0x62: {  	[hbm:s11], [sflag:s6] =	dma.local [spmem:s14], $0x1380  }
0x63: {  	s24 =	sadd.s32 $0x1, s24;
	_ =	swait.ge [sflag:s15], $0x1380  }
0x64: {  	p1 =	sne.s32 s24, s13;
	[sflag:s15] =	ssyncset.done $0x0  }
.Ltmp2:
0x65: {  	[sflag:s15] =	ssyncadd.s32 $0xFFFFEC80;
	(pc) =	sbr.rel @p1 .LBB2_1-.Ltmp2, $4  }
0x66: {  	[hbm:s12], [sflag:s6] =	dma.local @!p0 [spmem:s17], $0x80  }
0x67: {  	_ =	swait.ge @!p0 [sflag:s25], $0x80  }
0x68: {  	[sflag:s25] =	ssyncset.done @!p0 $0x0  }
0x69: {  	[sflag:s25] =	ssyncadd.s32 @!p0 $0xFFFFFF80  }
0x6a: {  	_ =	sfence.sel $0x180000  }
0x6b: {  	[bflag:$0x0] =	sbarrier.arrive $0xFFFF  }
0x6c: {  	_ =	strace $0x9000004A  }
0x6d: {  	[bflag:$0x2] =	sbarrier.arrive $0xFFFF  }
0x6e: {  	p0 =	sne.s32 s0, $0x0;
	s0 =	rddreg [dreg:$0x4]  }
0x6f: {  	s0 =	sadd.s32 @!p0 $0x100000, s0  }
0x70: {  	[sflag:s0] =	ssyncadd.tile.s32 @!p0 $0x1;
	_ =	shalt  }
.Lfunc_end2:
_tile_overlayer_lowered:
.L_overlay_start_2:
0x71: {  	(tag) =	ssettag $0x2  }
0x72: {  	s0 =	rddreg [dreg:$0x0];
	s2 =	stileid.u32  }
0x73: {  	s1 =	rddreg [dreg:$0x1];
	p0 =	sne.s32 s2, $0x0  }
0x74: {  	s3 =	rddreg [dreg:$0x2];
	[bflag:$0x3] =	sbarrier.arrive $0xFFFF;
	s2 =	simm.s32 @!p0 $0x1C02  }
0x75: {  	[timem:s3], [sflag:s2] =	dma.local @!p0 [hbm:s0], s1  }
0x76: {  	s0 =	simm.s32 @!p0 $0x2  }
0x77: {  	_ =	swait.ge @!p0 [sflag:s0], s1  }
0x78: {  	s1 =	ssub.s32 @!p0 $0x0, s1;
	[sflag:s0] =	ssyncset.done @!p0 $0x0  }
0x79: {  	[sflag:s0] =	ssyncadd.s32 @!p0 s1  }
0x7a: {  	[bflag:$0x3] =	sbarrier.arrive $0xFFFF  }
0x7b: {  	_ =	shalt  }

// kernel: kernel.15.cloned.1.call-start
scs
__scs_entry_jumppad:
0x0: {  	(pc) =	sbr.rel $0x88, $3  }
0x1: {  	(tag) =	ssettag $0x0;
	lr =	simm.s32 $0x1  }
0x2: {  	[smem:$0x3F88] =	sst lr;
	_ =	strace $0xD0000000  }
0x3: {  	_ = 	snop  }
0x4: {  	_ = 	snop  }
0x5: {  	_ = 	snop  }
0x6: {  	_ = 	snop  }
0x7: {  	_ = 	snop  }
__scs_overlays_trampoline_lowered:
0x8: {  	[smem:$0x3F97] =	sst s0  }
0x9: {  	[smem:$0x3F98] =	sst s1  }
0xa: {  	[smem:$0x3F99] =	sst s2  }
0xb: {  	[smem:$0x3F9A] =	sst s3  }
0xc: {  	[smem:$0x3F9B] =	sst s4  }
0xd: {  	[smem:$0x3F9C] =	sst s5  }
0xe: {  	[smem:$0x3F9D] =	sst s6  }
0xf: {  	[smem:$0x3F9E] =	sst s7  }
0x10: {  	[smem:$0x3F9F] =	sst s8  }
0x11: {  	[smem:$0x3FA0] =	sst s9;
	s0 =	simm.s32 @!p0 $0x0  }
0x12: {  	s1 =	sld [smem:$0x3F86];
	s0 =	simm.s32 @p0 $0x1  }
0x13: {  	[smem:$0x3FA1] =	sst s0;
	s0 =	simm.s32 @!p1 $0x0  }
0x14: {  	s2 =	sld [smem:$0x3F85];
	s0 =	simm.s32 @p1 $0x1  }
0x15: {  	[smem:$0x3FA2] =	sst s0;
	s0 =	simm.s32 @!p2 $0x0  }
0x16: {  	s3 =	sld [smem:$0x3FDB];
	s0 =	simm.s32 @p2 $0x1  }
0x17: {  	s4 =	simm.s32 $0x1BF5;
	[smem:$0x3FA4] =	sst s0  }
0x18: {  	s0 =	sld [smem:$0x3F87];
	_ =	swait.ge [sflag:s4], $0x0  }
0x19: {  	s7 =	sld [smem:$0x3F88]  }
0x1a: {  	s8 =	sadd.s32 $0xFFFFE003, lr  }
0x1b: {  	s9 =	sadd.s32 $0xFFFFFEF7, lr;
	s5 =	simm.s32 $0xFFFFFFFF;
	p2 =	slt.u32 s8, $0xFFFFF086  }
0x1c: {  	p1 =	slt.u32 s9, $0xF7A;
	s5 =	simm.s32 @!p2 $0x0  }
0x1d: {  	s5 =	simm.s32 @p1 $0x1;
	p0 =	seq.s32 s7, s2  }
0x1e: {  	s7 =	smul.u32 @!p0 $0xF7A, s2;
	p2 =	seq.s32 @!p0 s5, $0x0  }
0x1f: {  	s9 =	smul.u32 $0xF7A, s1;
	s8 =	simm.s32 @!p0 $0x1BF5;
	p2 =	por !p2, p0  }
0x20: {  	[sflag:s8] =	ssyncset.s32 @!p0 $0xFFFFF086;
	s6 =	sadd.s32 @!p0 s3, s7;
	s7 =	simm.s32 @!p0 $0x108  }
0x21: {  	s3 =	sadd.s32 s3, s9;
	s6 =	sadd.s32 @!p0 $0x88, s6;
	s7 =	simm.s32 @p2 $0x1082  }
0x22: {  	[simem:s7], [sflag:s8] =	dma.local @!p0 [hbm:s6], $0xF7A  }
0x23: {  	s9 =	sor.u32 $0xD0000000, s2;
	s6 =	simm.s32 $0x108;
	_ =	swait.ge @!p0 [sflag:s8], $0x0  }
0x24: {  	s3 =	sadd.s32 $0x88, s3;
	s6 =	simm.s32 @!p1 $0x1082;
	[sflag:s4] =	ssyncset.s32 $0xFFFFF086  }
0x25: {  	[simem:s6], [sflag:s4] =	dma.local [hbm:s3], $0xF7A  }
0x26: {  	[smem:$0x3F88] =	sst s1;
	(tag) =	ssettag s2;
	_ =	strace s9  }
0x27: {  	s1 =	sld [smem:$0x3F98]  }
0x28: {  	s2 =	sld [smem:$0x3F99]  }
0x29: {  	s4 =	sld [smem:$0x3F9B]  }
0x2a: {  	p0 =	seq.s32 s5, $0x0;
	s5 =	sld [smem:$0x3F9C]  }
0x2b: {  	s6 =	sld [smem:$0x3F9D]  }
0x2c: {  	s7 =	sld [smem:$0x3F9E]  }
0x2d: {  	s3 =	simm.s32 $0x108;
	s8 =	sld [smem:$0x3F9F]  }
0x2e: {  	s3 =	simm.s32 @!p0 $0x1082;
	s9 =	sld [smem:$0x3FA0]  }
0x2f: {  	lr =	sadd.s32 s0, s3;
	s0 =	sld [smem:$0x3F97]  }
0x30: {  	s3 =	sld [smem:$0x3F9A]  }
0x31: {  	[smem:$0x3FA3] =	sst s10  }
0x32: {  	s10 =	sld [smem:$0x3FA1];
	_ =	sdelay $0x3  }
0x33: {  	p0 =	seq.s32 s10, $0x1;
	s10 =	sld [smem:$0x3FA3];
	_ =	sdelay $0x3  }
0x34: {  	[smem:$0x3FA3] =	sst s10  }
0x35: {  	s10 =	sld [smem:$0x3FA2];
	_ =	sdelay $0x3  }
0x36: {  	p1 =	seq.s32 s10, $0x1;
	s10 =	sld [smem:$0x3FA3];
	_ =	sdelay $0x3  }
0x37: {  	[smem:$0x3FA3] =	sst s10  }
0x38: {  	s10 =	sld [smem:$0x3FA4]  }
0x39: {  	_ = 	snop;
	(pc) =	sbr.ind lr, $3  }
0x3a: {  	_ = 	snop  }
0x3b: {  	_ = 	snop  }
0x3c: {  	p2 =	seq.s32 s10, $0x1;
	s10 =	sld [smem:$0x3FA3]  }
0x3d: {  	_ =	shalt  }
0x3e: {  	_ =	shalt  }
0x3f: {  	_ =	shalt  }
0x40: {  	_ =	shalt  }
0x41: {  	_ =	shalt  }
0x42: {  	_ =	shalt  }
0x43: {  	_ =	shalt  }
0x44: {  	_ =	shalt  }
0x45: {  	_ =	shalt  }
0x46: {  	_ =	shalt  }
0x47: {  	_ =	shalt  }
0x48: {  	_ =	shalt  }
0x49: {  	_ =	shalt  }
0x4a: {  	_ =	shalt  }
0x4b: {  	_ =	shalt  }
0x4c: {  	_ =	shalt  }
0x4d: {  	_ =	shalt  }
0x4e: {  	_ =	shalt  }
0x4f: {  	_ =	shalt  }
0x50: {  	_ =	shalt  }
0x51: {  	_ =	shalt  }
0x52: {  	_ =	shalt  }
0x53: {  	_ =	shalt  }
0x54: {  	_ =	shalt  }
0x55: {  	_ =	shalt  }
0x56: {  	_ =	shalt  }
0x57: {  	_ =	shalt  }
0x58: {  	_ =	shalt  }
0x59: {  	_ =	shalt  }
0x5a: {  	_ =	shalt  }
0x5b: {  	_ =	shalt  }
0x5c: {  	_ =	shalt  }
0x5d: {  	_ =	shalt  }
0x5e: {  	_ =	shalt  }
0x5f: {  	_ =	shalt  }
0x60: {  	_ =	shalt  }
0x61: {  	_ =	shalt  }
0x62: {  	_ =	shalt  }
0x63: {  	_ =	shalt  }
0x64: {  	_ =	shalt  }
0x65: {  	_ =	shalt  }
0x66: {  	_ =	shalt  }
0x67: {  	_ =	shalt  }
0x68: {  	_ =	shalt  }
0x69: {  	_ =	shalt  }
0x6a: {  	_ =	shalt  }
0x6b: {  	_ =	shalt  }
0x6c: {  	_ =	shalt  }
0x6d: {  	_ =	shalt  }
0x6e: {  	_ =	shalt  }
0x6f: {  	_ =	shalt  }
0x70: {  	_ =	shalt  }
0x71: {  	_ =	shalt  }
0x72: {  	_ =	shalt  }
0x73: {  	_ =	shalt  }
0x74: {  	_ =	shalt  }
0x75: {  	_ =	shalt  }
0x76: {  	_ =	shalt  }
0x77: {  	_ =	shalt  }
0x78: {  	_ =	shalt  }
0x79: {  	_ =	shalt  }
0x7a: {  	_ =	shalt  }
0x7b: {  	_ =	shalt  }
0x7c: {  	_ =	shalt  }
0x7d: {  	_ =	shalt  }
0x7e: {  	_ =	shalt  }
0x7f: {  	_ =	shalt  }
0x80: {  	_ =	shalt  }
0x81: {  	_ =	shalt  }
0x82: {  	_ =	shalt  }
0x83: {  	_ =	shalt  }
0x84: {  	_ =	shalt  }
0x85: {  	_ =	shalt  }
0x86: {  	_ =	shalt  }
0x87: {  	_ =	shalt  }
.Lfunc_end0:
.L_simem_size_0:
called_computation.2_lowered:
.L_overlay_start_0:
0x88: {  	s2 =	sld [smem:$0x3FD9]  }
0x89: {  	s3 =	sld [smem:$0x3FFE];
	_ =	sdelay $0x1  }
0x8a: {  	s1 =	srdreg.scid  }
0x8b: {  	s0 =	sand.u32 $0x1, s1  }
0x8c: {  	s14 =	sshll.u32 s0, $0xA;
	s2 =	sadd.s32 s3, s2  }
0x8d: {  	s2 =	sadd.s32 s2, s14  }
0x8e: {  	[smem:$0x3FAF] =	sst s2  }
0x8f: {  	_ = 	snop  }
0x90: {  	s2 =	sld [smem:$0x3FD0];
	_ =	sdelay $0x2  }
0x91: {  	s15 =	simm.s32 $0xA;
	s4 =	simm.s32 $0x10  }
0x92: {  	[smem:s4], [sflag:s15] =	dma.local [hbm:s2], $0x1  }
0x93: {  	_ =	swait.eq [sflag:s15], $0x1  }
0x94: {  	[sflag:s15] =	ssyncset.done $0x0  }
0x95: {  	[sflag:s15] =	ssyncadd.s32 $0xFFFFFFFF  }
0x96: {  	s16 =	sld [smem:$0x11];
	(tm) =	ssettm $0x1  }
0x97: {  	s17 =	sld [smem:$0x3FFB];
	_ =	sdelay $0x3  }
0x98: {  	_ =	strace s17  }
0x99: {  	s3 =	sld [smem:$0x3FFC];
	_ =	sdelay $0x3  }
0x9a: {  	_ =	strace s3  }
0x9b: {  	s3 =	sld [smem:$0x3FFD];
	_ =	sdelay $0x3  }
0x9c: {  	_ =	strace s3  }
0x9d: {  	_ =	strace $0x8FFFFFFF  }
0x9e: {  	s18 =	sld [smem:$0x3FDB];
	_ =	sdelay $0x1  }
0x9f: {  	s19 =	simm.s32 $_scs_section_size  }
0xa0: {  	s5 =	simm.s32 $_size__tile_overlayer_lowered;
	s6 =	simm.s32 $_tile_overlayer_lowered  }
0xa1: {  	s22 =	simm.s32 $0x1BFF;
	s21 =	sshll.u32 s6, $0x1;
	s3 =	sadd.s32 s19, s18  }
0xa2: {  	s7 =	simm.s32 $0x0;
	s20 =	sshll.u32 s5, $0x1;
	s5 =	sadd.s32 s21, s3  }
0xa3: {  	[timem:s7], [sflag:s22] =	dma.local [hbm:s5], s20  }
0xa4: {  	_ =	swait.ge [sflag:s22], s20  }
0xa5: {  	s4 =	ssub.s32 $0x0, s20;
	[sflag:s22] =	ssyncset.done $0x0  }
0xa6: {  	[sflag:s22] =	ssyncadd.s32 s4;
	_ =	sdelay $0x1  }
0xa7: {  	s23 =	simm.s32 $0x1B8B  }
0xa8: {  	_ =	swait.ge [sflag:s23], $0x1  }
0xa9: {  	[sflag:s23] =	ssyncset.done $0x0  }
0xaa: {  	s25 =	simm.s32 $0x1B8E;
	s24 =	sld [smem:$0x3FFE];
	[sflag:s23] =	ssyncadd.s32 $0xFFFFFFFF  }
0xab: {  	s26 =	simm.s32 $execute0_lowered;
	[smem:$0x3FD2] =	sst s25  }
0xac: {  	s5 =	sshll.u32 s26, $0x1;
	_ =	strace $0x8000004C;
	[dreg:$0x1] =	wrdreg $0xFFFFFFFF  }
0xad: {  	s28 =	simm.s32 $_size_execute0_lowered;
	s3 =	sadd.s32 s3, s5;
	[dreg:$0x0] =	wrdreg $0x0  }
0xae: {  	s5 =	sshll.u32 s28, $0x1;
	[dreg:$0x2] =	wrdreg s3  }
0xaf: {  	[dreg:$0x3] =	wrdreg s5  }
0xb0: {  	[dreg:$0x4] =	wrdreg $0xC0  }
0xb1: {  	_ =	task [dreg:s7], $0x5FFFF  }
0xb2: {  	[dreg:$0x1] =	wrdreg $0xFFFFFFFF  }
0xb3: {  	[dreg:$0x0] =	wrdreg $0x60  }
0xb4: {  	[dreg:$0x2] =	wrdreg s16  }
0xb5: {  	[dreg:$0x3] =	wrdreg s24  }
0xb6: {  	[dreg:$0x4] =	wrdreg $0x8E800  }
0xb7: {  	[dreg:$0x5] =	wrdreg $0x12CC00  }
0xb8: {  	[dreg:$0x6] =	wrdreg $0x9  }
0xb9: {  	_ =	task.clear_ibuf [dreg:s7], $0x7FFFF;
	_ =	strace $0x9000004C  }
0xba: {  	s29 =	simm.s32 $0x9;
	_ =	strace $0x8000004E  }
0xbb: {  	_ =	swait.ge [sflag:s29], $0x1  }
0xbc: {  	[sflag:s29] =	ssyncadd.s32 $0xFFFFFFFF  }
0xbd: {  	_ =	strace $0x9000004E  }
0xbe: {  	_ =	sfence  }
0xbf: {  	s30 =	sld [smem:$0x0];
	_ =	sdelay $0x2  }
0xc0: {  	s31 =	sshll.u32 s1, $0xD;
	s1 =	sshrl.u32 s1, $0x2  }
0xc1: {  	s3 =	sand.u32 $0x4000, s31;
	s1 =	sadd.s32 s1, s30  }
0xc2: {  	s0 =	sor.u32 s3, s0;
	s1 =	sshll.u32 s1, $0x11  }
0xc3: {  	s0 =	sor.u32 s1, s0  }
0xc4: {  	s0 =	sadd.s32 $0x8F2B, s0  }
0xc5: {  	[sflag:s0] =	ssyncadd.remote.s32 $0x1  }
0xc6: {  	_ =	sfence.sel $0xFFFF  }
0xc7: {  	[dreg:$0x0] =	wrdreg $0xFFFFFFFF;
	(pc) =	sbr.abs _section_cstart, $3  }
0xc8: {  	[dreg:$0x1] =	wrdreg $0xFFFFFFFF  }
0xc9: {  	_ =	task.clear_ibuf [dreg:s7], $0x2FFFF;
	_ =	strace $0x9FFFFFFF  }
0xca: {  	(tm) =	ssettm $0x7FFFFFFF  }
0xcb: {  	_ =	shalt  }
tec
execute0_lowered:
.L_overlay_start_1:
0x0: {  	(tag) =	ssettag $0x1  }
0x1: {  	s7 =	rddreg [dreg:$0x0]  }
0x2: {  	s5 =	rddreg [dreg:$0x1]  }
0x3: {  	s0 =	stileid.u32;
	s2 =	rddreg [dreg:$0x2]  }
0x4: {  	s1 =	srdreg.scid;
	s3 =	rddreg [dreg:$0x3];
	s20 =	simm.s32 $0x5280  }
0x5: {  	s21 =	simm.s32 $0x78;
	s22 =	simm.s32 $0x7080;
	s4 =	smul.u32 $0x50, s0  }
0x6: {  	s23 =	simm.s32 $0x1;
	s24 =	simm.s32 $0x0;
	s6 =	smul.u32 $0x58, s0  }
0x7: {  	s8 =	sand.u32 $0x1, s1;
	s11 =	smul.u32 $0x9C00, s0;
	s13 =	sadd.s32 $0x17000, s5  }
0x8: {  	s30 =	sshll.u32 s0, $0x6;
	s17 =	sadd.s32 $0x9C000, s2;
	s19 =	sadd.s32 $0x9C000, s3  }
0x9: {  	p0 =	seq.s32 s8, $0x0;
	s28 =	ssub.s32 $0x2, s8;
	s18 =	smul.u32 $0x9C400, s8  }
0xa: {  	s9 =	sadd.s32 $0x580, s4;
	s4 =	simm.s32 $0x0;
	s10 =	sshrl.u32 s28, $0x1  }
0xb: {  	s15 =	sadd.s32 s11, s2;
	s29 =	sshrl.u32 s11, $0x3;
	s16 =	sadd.s32 s11, s3  }
0xc: {  	s9 =	smov.u32 @p0 s6;
	[smem:$0x7FF] =	sst s4;
	s14 =	ssub.s32 s28, s10  }
0xd: {  	s10 =	simm.s32 $0x2B;
	s11 =	sadd.s32 s11, s18;
	s31 =	sshrl.u32 s18, $0x3  }
0xe: {  	s16 =	sshrl.u32 s16, $0x3;
	s6 =	smul.u32 $0xF, s9;
	_ =	strace $0x8000004D  }
0xf: {  	s10 =	simm.s32 @!p0 $0x27;
	s11 =	sshrl.u32 s11, $0x3;
	p0 =	sne.s32 s0, $0xF  }
0x10: {  	s11 =	sadd.s32 s13, s11;
	s17 =	sshrl.u32 @!p0 s17, $0x3;
	s18 =	sshrl.u32 @!p0 s19, $0x3  }
0x11: {  	s19 =	simm.s32 $0x2940;
	s12 =	sadd.s32 s6, s5;
	s5 =	sadd.s32 s7, s29  }
0x12: {  	s6 =	sor.u32 $0x1C02, s30;
	s7 =	sadd.s32 $0x13800, s7;
	s8 =	sadd.s32 $0xD200, s12  }
0x13: {  	s9 =	sadd.s32 $0x3400, s12;
	s12 =	sadd.s32 s13, s31;
	s13 =	smax.u32 s14, $0x1  }
0x14: {  	s14 =	sshrl.u32 s15, $0x3;
	s15 =	simm.s32 $0x2;
	s12 =	sadd.s32 $0x13800, s12  }
.LBB2_1:
0x15: {  	[spmem:s14], [sflag:s6] =	dma.local [hbm:s5], $0x1380  }
0x16: {  	_ =	swait.ge [sflag:s15], $0x1380  }
0x17: {  	[sflag:s15] =	ssyncset.done $0x0  }
0x18: {  	[sflag:s15] =	ssyncadd.s32 $0xFFFFEC80  }
0x19: {  	[spmem:s16], [sflag:s6] =	dma.local [hbm:s5], $0x1380  }
0x1a: {  	_ =	swait.ge [sflag:s15], $0x1380  }
0x1b: {  	[sflag:s15] =	ssyncset.done $0x0  }
0x1c: {  	s25 =	simm.s32 @!p0 $0x2;
	[sflag:s15] =	ssyncadd.s32 $0xFFFFEC80  }
0x1d: {  	[spmem:s17], [sflag:s6] =	dma.local @!p0 [hbm:s7], $0x80  }
0x1e: {  	_ =	swait.ge @!p0 [sflag:s25], $0x80  }
0x1f: {  	[sflag:s25] =	ssyncset.done @!p0 $0x0  }
0x20: {  	[sflag:s25] =	ssyncadd.s32 @!p0 $0xFFFFFF80  }
0x21: {  	[spmem:s18], [sflag:s6] =	dma.local @!p0 [hbm:s7], $0x80  }
0x22: {  	_ =	swait.ge @!p0 [sflag:s25], $0x80  }
0x23: {  	[sflag:s25] =	ssyncset.done @!p0 $0x0  }
0x24: {  	[sflag:s25] =	ssyncadd.s32 @!p0 $0xFFFFFF80  }
0x25: {  	[tilespmem:s4], [sflag:$0x2] =	stream.linear.gather [hbm4b:s8+s4], $0x2940, $0x38;
	[tilespmem:$0x1C900] =	vst v63  }
0x26: {  	_ =	swait.ge [sflag:s15], $0x2940  }
0x27: {  	[sflag:s15] =	ssyncset.done $0x0  }
0x28: {  	[sflag:s15] =	ssyncadd.s32 $0xFFFFD6C0  }
0x29: {  	[tilespmem:s19], [sflag:$0x2] =	stream.linear.gather [hbm4b:s9+s4], $0x2940, $0x38;
	[tilespmem:$0x1C900] =	vst v63  }
0x2a: {  	_ =	swait.ge [sflag:s15], $0x2940  }
0x2b: {  	[sflag:s15] =	ssyncset.done $0x0  }
0x2c: {  	[sflag:s15] =	ssyncadd.s32 $0xFFFFD6C0  }
0x2d: {  	[bflag:$0x0] =	sbarrier.arrive $0xFFFF  }
0x2e: {  	[tilespmem:s20], [sflag:$0x1] =	stream.indirect.gather [spmem:s3], $0x40, s4, s21, $0xb8;
	[tilespmem:$0x1C900] =	vst v63  }
0x2f: {  	_ = 	snop  }
0x30: {  	[tilespmem:s22], [sflag:$0x1] =	stream.indirect.gather [spmem:s3], $0x40, s21, s21, $0xb8;
	[tilespmem:$0x1C900] =	vst v63  }
0x31: {  	_ =	swait.ge [sflag:s23], $0x1E00  }
0x32: {  	[sflag:s23] =	ssyncset.done $0x0  }
0x33: {  	s26 =	simm.s32 $0x2940;
	[sflag:s23] =	ssyncadd.s32 $0xFFFFE200  }
0x34: {  	[spmem:s2] =	stream.indirect.scatter.add.f32 [tilespmem:s20], [sflag:$0x2], $0x40, s26, s21, $0xb8;
	[tilespmem:$0x1C900] =	vst v63  }
0x35: {  	_ =	swait.ge [sflag:s15], $0x1E00  }
0x36: {  	[sflag:s15] =	ssyncset.done $0x0  }
0x37: {  	s1 =	simm.s32 $0xF0;
	[sflag:s15] =	ssyncadd.s32 $0xFFFFE200  }
0x38: {  	[tilespmem:s20], [sflag:$0x1] =	stream.indirect.gather [spmem:s3], $0x40, s1, s21, $0xb8;
	[tilespmem:$0x1C900] =	vst v63  }
0x39: {  	p1 =	sne.s32 s10, $0x1;
	_ =	swait.ge [sflag:s23], $0x1E00  }
.Ltmp0:
0x3a: {  	[sflag:s23] =	ssyncset.done $0x0;
	(pc) =	sbr.rel @!p1 .LBB2_3-.Ltmp0, $4  }
0x3b: {  	s26 =	simm.s32 $0x29B8;
	[sflag:s23] =	ssyncadd.s32 $0xFFFFE200  }
0x3c: {  	[spmem:s2] =	stream.indirect.scatter.add.f32 [tilespmem:s22], [sflag:$0x2], $0x40, s26, s21, $0xb8;
	[tilespmem:$0x1C900] =	vst v63  }
0x3d: {  	s28 =	simm.s32 $0x1;
	s31 =	simm.s32 $0x168;
	_ =	swait.ge [sflag:s15], $0x1E00  }
0x3e: {  	s29 =	simm.s32 $0x78;
	s30 =	simm.s32 $0x29B8;
	[sflag:s15] =	ssyncset.done $0x0  }
.LBB2_2:
0x3f: {  	s30 =	smov.u32 s26;
	s29 =	smov.u32 s31  }
0x40: {  	s28 =	sadd.s32 $0x1, s28;
	s26 =	sadd.s32 $0xF0, s26;
	[sflag:s15] =	ssyncadd.s32 $0xFFFFE200  }
0x41: {  	[tilespmem:s22], [sflag:$0x1] =	stream.indirect.gather [spmem:s3], $0x40, s31, s21, $0xb8;
	[tilespmem:$0x1C900] =	vst v63  }
0x42: {  	p1 =	sne.s32 s10, s28;
	_ =	swait.ge [sflag:s23], $0x1E00  }
0x43: {  	[sflag:s23] =	ssyncset.done $0x0  }
0x44: {  	s1 =	sadd.s32 $0xFFFFFF88, s26;
	[sflag:s23] =	ssyncadd.s32 $0xFFFFE200  }
0x45: {  	[spmem:s2] =	stream.indirect.scatter.add.f32 [tilespmem:s20], [sflag:$0x2], $0x40, s1, s21, $0xb8;
	[tilespmem:$0x1C900] =	vst v63  }
0x46: {  	_ =	swait.ge [sflag:s15], $0x1E00  }
0x47: {  	[sflag:s15] =	ssyncset.done $0x0  }
0x48: {  	s1 =	sadd.s32 $0x78, s31;
	[sflag:s15] =	ssyncadd.s32 $0xFFFFE200  }
0x49: {  	[tilespmem:s20], [sflag:$0x1] =	stream.indirect.gather [spmem:s3], $0x40, s1, s21, $0xb8;
	[tilespmem:$0x1C900] =	vst v63  }
0x4a: {  	_ =	swait.ge [sflag:s23], $0x1E00  }
.Ltmp1:
0x4b: {  	[sflag:s23] =	ssyncset.done $0x0;
	(pc) =	sbr.rel @p1 .LBB2_2-.Ltmp1, $4  }
0x4c: {  	[sflag:s23] =	ssyncadd.s32 $0xFFFFE200  }
0x4d: {  	[spmem:s2] =	stream.indirect.scatter.add.f32 [tilespmem:s22], [sflag:$0x2], $0x40, s26, s21, $0xb8;
	[tilespmem:$0x1C900] =	vst v63  }
0x4e: {  	_ =	swait.ge [sflag:s15], $0x1E00  }
0x4f: {  	s31 =	sadd.s32 $0xF0, s31;
	[sflag:s15] =	ssyncset.done $0x0  }
.LBB2_3:
0x50: {  	[sflag:s15] =	ssyncadd.s32 $0xFFFFE200  }
0x51: {  	[tilespmem:s22], [sflag:$0x1] =	stream.indirect.gather [spmem:s3], $0x40, s31, s21, $0xb8;
	[tilespmem:$0x1C900] =	vst v63  }
0x52: {  	_ =	swait.ge [sflag:s23], $0x1E00  }
0x53: {  	[sflag:s23] =	ssyncset.done $0x0  }
0x54: {  	s1 =	sadd.s32 $0x78, s30;
	[sflag:s23] =	ssyncadd.s32 $0xFFFFE200  }
0x55: {  	[spmem:s2] =	stream.indirect.scatter.add.f32 [tilespmem:s20], [sflag:$0x2], $0x40, s1, s21, $0xb8;
	[tilespmem:$0x1C900] =	vst v63  }
0x56: {  	p1 =	sge.u32 s28, s10;
	_ =	swait.ge [sflag:s15], $0x1E00  }
0x57: {  	s28 =	simm.s32 @!p1 $0x78;
	[sflag:s15] =	ssyncset.done $0x0  }
0x58: {  	s1 =	sadd.s32 @!p1 $0x168, s29;
	s29 =	simm.s32 @!p1 $0x5280;
	[sflag:s15] =	ssyncadd.s32 $0xFFFFE200  }
0x59: {  	[tilespmem:s29], [sflag:$0x1] =	stream.indirect.gather @!p1 [spmem:s3], $0x40, s1, s28, $0xb8;
	[tilespmem:$0x1C900] =	vst v63  }
0x5a: {  	_ =	swait.ge [sflag:s23], $0x1E00  }
0x5b: {  	[sflag:s23] =	ssyncset.done $0x0  }
0x5c: {  	s31 =	sadd.s32 $0xF0, s26;
	[sflag:s23] =	ssyncadd.s32 $0xFFFFE200  }
0x5d: {  	[spmem:s2] =	stream.indirect.scatter.add.f32 [tilespmem:s22], [sflag:$0x2], $0x40, s31, s21, $0xb8;
	[tilespmem:$0x1C900] =	vst v63  }
0x5e: {  	_ =	swait.ge [sflag:s15], $0x1E00  }
0x5f: {  	[sflag:s15] =	ssyncset.done $0x0  }
0x60: {  	[sflag:s15] =	ssyncadd.s32 $0xFFFFE200  }
0x61: {  	[bflag:$0x0] =	sbarrier.arrive $0xFFFF  }
0x62: {  	[hbm:s11], [sflag:s6] =	dma.local [spmem:s14], $0x1380  }
0x63: {  	s24 =	sadd.s32 $0x1, s24;
	_ =	swait.ge [sflag:s15], $0x1380  }
0x64: {  	p1 =	sne.s32 s24, s13;
	[sflag:s15] =	ssyncset.done $0x0  }
.Ltmp2:
0x65: {  	[sflag:s15] =	ssyncadd.s32 $0xFFFFEC80;
	(pc) =	sbr.rel @p1 .LBB2_1-.Ltmp2, $4  }
0x66: {  	[hbm:s12], [sflag:s6] =	dma.local @!p0 [spmem:s17], $0x80  }
0x67: {  	_ =	swait.ge @!p0 [sflag:s25], $0x80  }
0x68: {  	[sflag:s25] =	ssyncset.done @!p0 $0x0  }
0x69: {  	[sflag:s25] =	ssyncadd.s32 @!p0 $0xFFFFFF80  }
0x6a: {  	_ =	sfence.sel $0x180000  }
0x6b: {  	[bflag:$0x0] =	sbarrier.arrive $0xFFFF  }
0x6c: {  	_ =	strace $0x9000004D  }
0x6d: {  	[bflag:$0x2] =	sbarrier.arrive $0xFFFF  }
0x6e: {  	p0 =	sne.s32 s0, $0x0;
	s0 =	rddreg [dreg:$0x4]  }
0x6f: {  	s0 =	sadd.s32 @!p0 $0x100000, s0  }
0x70: {  	[sflag:s0] =	ssyncadd.tile.s32 @!p0 $0x1;
	_ =	shalt  }
.Lfunc_end2:
_tile_overlayer_lowered:
.L_overlay_start_2:
0x71: {  	(tag) =	ssettag $0x2  }
0x72: {  	s0 =	rddreg [dreg:$0x0];
	s2 =	stileid.u32  }
0x73: {  	s1 =	rddreg [dreg:$0x1];
	p0 =	sne.s32 s2, $0x0  }
0x74: {  	s3 =	rddreg [dreg:$0x2];
	[bflag:$0x3] =	sbarrier.arrive $0xFFFF;
	s2 =	simm.s32 @!p0 $0x1C02  }
0x75: {  	[timem:s3], [sflag:s2] =	dma.local @!p0 [hbm:s0], s1  }
0x76: {  	s0 =	simm.s32 @!p0 $0x2  }
0x77: {  	_ =	swait.ge @!p0 [sflag:s0], s1  }
0x78: {  	s1 =	ssub.s32 @!p0 $0x0, s1;
	[sflag:s0] =	ssyncset.done @!p0 $0x0  }
0x79: {  	[sflag:s0] =	ssyncadd.s32 @!p0 s1  }
0x7a: {  	[bflag:$0x3] =	sbarrier.arrive $0xFFFF  }
0x7b: {  	_ =	shalt  }

// kernel: kernel.9.cloned.1.call-start
scs
__scs_entry_jumppad:
0x0: {  	(pc) =	sbr.rel $0x88, $3  }
0x1: {  	(tag) =	ssettag $0x0;
	lr =	simm.s32 $0x1  }
0x2: {  	[smem:$0x3F88] =	sst lr;
	_ =	strace $0xD0000000  }
0x3: {  	_ = 	snop  }
0x4: {  	_ = 	snop  }
0x5: {  	_ = 	snop  }
0x6: {  	_ = 	snop  }
0x7: {  	_ = 	snop  }
__scs_overlays_trampoline_lowered:
0x8: {  	[smem:$0x3F97] =	sst s0  }
0x9: {  	[smem:$0x3F98] =	sst s1  }
0xa: {  	[smem:$0x3F99] =	sst s2  }
0xb: {  	[smem:$0x3F9A] =	sst s3  }
0xc: {  	[smem:$0x3F9B] =	sst s4  }
0xd: {  	[smem:$0x3F9C] =	sst s5  }
0xe: {  	[smem:$0x3F9D] =	sst s6  }
0xf: {  	[smem:$0x3F9E] =	sst s7  }
0x10: {  	[smem:$0x3F9F] =	sst s8  }
0x11: {  	[smem:$0x3FA0] =	sst s9;
	s0 =	simm.s32 @!p0 $0x0  }
0x12: {  	s1 =	sld [smem:$0x3F86];
	s0 =	simm.s32 @p0 $0x1  }
0x13: {  	[smem:$0x3FA1] =	sst s0;
	s0 =	simm.s32 @!p1 $0x0  }
0x14: {  	s2 =	sld [smem:$0x3F85];
	s0 =	simm.s32 @p1 $0x1  }
0x15: {  	[smem:$0x3FA2] =	sst s0;
	s0 =	simm.s32 @!p2 $0x0  }
0x16: {  	s3 =	sld [smem:$0x3FDB];
	s0 =	simm.s32 @p2 $0x1  }
0x17: {  	s4 =	simm.s32 $0x1BF5;
	[smem:$0x3FA4] =	sst s0  }
0x18: {  	s0 =	sld [smem:$0x3F87];
	_ =	swait.ge [sflag:s4], $0x0  }
0x19: {  	s7 =	sld [smem:$0x3F88]  }
0x1a: {  	s8 =	sadd.s32 $0xFFFFE003, lr  }
0x1b: {  	s9 =	sadd.s32 $0xFFFFFEF7, lr;
	s5 =	simm.s32 $0xFFFFFFFF;
	p2 =	slt.u32 s8, $0xFFFFF086  }
0x1c: {  	p1 =	slt.u32 s9, $0xF7A;
	s5 =	simm.s32 @!p2 $0x0  }
0x1d: {  	s5 =	simm.s32 @p1 $0x1;
	p0 =	seq.s32 s7, s2  }
0x1e: {  	s7 =	smul.u32 @!p0 $0xF7A, s2;
	p2 =	seq.s32 @!p0 s5, $0x0  }
0x1f: {  	s9 =	smul.u32 $0xF7A, s1;
	s8 =	simm.s32 @!p0 $0x1BF5;
	p2 =	por !p2, p0  }
0x20: {  	[sflag:s8] =	ssyncset.s32 @!p0 $0xFFFFF086;
	s6 =	sadd.s32 @!p0 s3, s7;
	s7 =	simm.s32 @!p0 $0x108  }
0x21: {  	s3 =	sadd.s32 s3, s9;
	s6 =	sadd.s32 @!p0 $0x88, s6;
	s7 =	simm.s32 @p2 $0x1082  }
0x22: {  	[simem:s7], [sflag:s8] =	dma.local @!p0 [hbm:s6], $0xF7A  }
0x23: {  	s9 =	sor.u32 $0xD0000000, s2;
	s6 =	simm.s32 $0x108;
	_ =	swait.ge @!p0 [sflag:s8], $0x0  }
0x24: {  	s3 =	sadd.s32 $0x88, s3;
	s6 =	simm.s32 @!p1 $0x1082;
	[sflag:s4] =	ssyncset.s32 $0xFFFFF086  }
0x25: {  	[simem:s6], [sflag:s4] =	dma.local [hbm:s3], $0xF7A  }
0x26: {  	[smem:$0x3F88] =	sst s1;
	(tag) =	ssettag s2;
	_ =	strace s9  }
0x27: {  	s1 =	sld [smem:$0x3F98]  }
0x28: {  	s2 =	sld [smem:$0x3F99]  }
0x29: {  	s4 =	sld [smem:$0x3F9B]  }
0x2a: {  	p0 =	seq.s32 s5, $0x0;
	s5 =	sld [smem:$0x3F9C]  }
0x2b: {  	s6 =	sld [smem:$0x3F9D]  }
0x2c: {  	s7 =	sld [smem:$0x3F9E]  }
0x2d: {  	s3 =	simm.s32 $0x108;
	s8 =	sld [smem:$0x3F9F]  }
0x2e: {  	s3 =	simm.s32 @!p0 $0x1082;
	s9 =	sld [smem:$0x3FA0]  }
0x2f: {  	lr =	sadd.s32 s0, s3;
	s0 =	sld [smem:$0x3F97]  }
0x30: {  	s3 =	sld [smem:$0x3F9A]  }
0x31: {  	[smem:$0x3FA3] =	sst s10  }
0x32: {  	s10 =	sld [smem:$0x3FA1];
	_ =	sdelay $0x3  }
0x33: {  	p0 =	seq.s32 s10, $0x1;
	s10 =	sld [smem:$0x3FA3];
	_ =	sdelay $0x3  }
0x34: {  	[smem:$0x3FA3] =	sst s10  }
0x35: {  	s10 =	sld [smem:$0x3FA2];
	_ =	sdelay $0x3  }
0x36: {  	p1 =	seq.s32 s10, $0x1;
	s10 =	sld [smem:$0x3FA3];
	_ =	sdelay $0x3  }
0x37: {  	[smem:$0x3FA3] =	sst s10  }
0x38: {  	s10 =	sld [smem:$0x3FA4]  }
0x39: {  	_ = 	snop;
	(pc) =	sbr.ind lr, $3  }
0x3a: {  	_ = 	snop  }
0x3b: {  	_ = 	snop  }
0x3c: {  	p2 =	seq.s32 s10, $0x1;
	s10 =	sld [smem:$0x3FA3]  }
0x3d: {  	_ =	shalt  }
0x3e: {  	_ =	shalt  }
0x3f: {  	_ =	shalt  }
0x40: {  	_ =	shalt  }
0x41: {  	_ =	shalt  }
0x42: {  	_ =	shalt  }
0x43: {  	_ =	shalt  }
0x44: {  	_ =	shalt  }
0x45: {  	_ =	shalt  }
0x46: {  	_ =	shalt  }
0x47: {  	_ =	shalt  }
0x48: {  	_ =	shalt  }
0x49: {  	_ =	shalt  }
0x4a: {  	_ =	shalt  }
0x4b: {  	_ =	shalt  }
0x4c: {  	_ =	shalt  }
0x4d: {  	_ =	shalt  }
0x4e: {  	_ =	shalt  }
0x4f: {  	_ =	shalt  }
0x50: {  	_ =	shalt  }
0x51: {  	_ =	shalt  }
0x52: {  	_ =	shalt  }
0x53: {  	_ =	shalt  }
0x54: {  	_ =	shalt  }
0x55: {  	_ =	shalt  }
0x56: {  	_ =	shalt  }
0x57: {  	_ =	shalt  }
0x58: {  	_ =	shalt  }
0x59: {  	_ =	shalt  }
0x5a: {  	_ =	shalt  }
0x5b: {  	_ =	shalt  }
0x5c: {  	_ =	shalt  }
0x5d: {  	_ =	shalt  }
0x5e: {  	_ =	shalt  }
0x5f: {  	_ =	shalt  }
0x60: {  	_ =	shalt  }
0x61: {  	_ =	shalt  }
0x62: {  	_ =	shalt  }
0x63: {  	_ =	shalt  }
0x64: {  	_ =	shalt  }
0x65: {  	_ =	shalt  }
0x66: {  	_ =	shalt  }
0x67: {  	_ =	shalt  }
0x68: {  	_ =	shalt  }
0x69: {  	_ =	shalt  }
0x6a: {  	_ =	shalt  }
0x6b: {  	_ =	shalt  }
0x6c: {  	_ =	shalt  }
0x6d: {  	_ =	shalt  }
0x6e: {  	_ =	shalt  }
0x6f: {  	_ =	shalt  }
0x70: {  	_ =	shalt  }
0x71: {  	_ =	shalt  }
0x72: {  	_ =	shalt  }
0x73: {  	_ =	shalt  }
0x74: {  	_ =	shalt  }
0x75: {  	_ =	shalt  }
0x76: {  	_ =	shalt  }
0x77: {  	_ =	shalt  }
0x78: {  	_ =	shalt  }
0x79: {  	_ =	shalt  }
0x7a: {  	_ =	shalt  }
0x7b: {  	_ =	shalt  }
0x7c: {  	_ =	shalt  }
0x7d: {  	_ =	shalt  }
0x7e: {  	_ =	shalt  }
0x7f: {  	_ =	shalt  }
0x80: {  	_ =	shalt  }
0x81: {  	_ =	shalt  }
0x82: {  	_ =	shalt  }
0x83: {  	_ =	shalt  }
0x84: {  	_ =	shalt  }
0x85: {  	_ =	shalt  }
0x86: {  	_ =	shalt  }
0x87: {  	_ =	shalt  }
.Lfunc_end0:
.L_simem_size_0:
called_computation_lowered:
.L_overlay_start_0:
0x88: {  	s2 =	sld [smem:$0x3FD9]  }
0x89: {  	s3 =	sld [smem:$0x3FFE];
	_ =	sdelay $0x1  }
0x8a: {  	s1 =	srdreg.scid  }
0x8b: {  	s0 =	sand.u32 $0x1, s1  }
0x8c: {  	s14 =	sshll.u32 s0, $0xA;
	s2 =	sadd.s32 s3, s2  }
0x8d: {  	s2 =	sadd.s32 s2, s14  }
0x8e: {  	[smem:$0x3FAF] =	sst s2  }
0x8f: {  	_ = 	snop  }
0x90: {  	s2 =	sld [smem:$0x3FD0];
	_ =	sdelay $0x2  }
0x91: {  	s15 =	simm.s32 $0xA;
	s4 =	simm.s32 $0x10  }
0x92: {  	[smem:s4], [sflag:s15] =	dma.local [hbm:s2], $0x1  }
0x93: {  	_ =	swait.eq [sflag:s15], $0x1  }
0x94: {  	[sflag:s15] =	ssyncset.done $0x0  }
0x95: {  	[sflag:s15] =	ssyncadd.s32 $0xFFFFFFFF  }
0x96: {  	s16 =	sld [smem:$0x11];
	(tm) =	ssettm $0x1  }
0x97: {  	s17 =	sld [smem:$0x3FFB];
	_ =	sdelay $0x3  }
0x98: {  	_ =	strace s17  }
0x99: {  	s3 =	sld [smem:$0x3FFC];
	_ =	sdelay $0x3  }
0x9a: {  	_ =	strace s3  }
0x9b: {  	s3 =	sld [smem:$0x3FFD];
	_ =	sdelay $0x3  }
0x9c: {  	_ =	strace s3  }
0x9d: {  	_ =	strace $0x8FFFFFFF  }
0x9e: {  	s18 =	sld [smem:$0x3FDB];
	_ =	sdelay $0x1  }
0x9f: {  	s19 =	simm.s32 $_scs_section_size  }
0xa0: {  	s5 =	simm.s32 $_size__tile_overlayer_lowered;
	s6 =	simm.s32 $_tile_overlayer_lowered  }
0xa1: {  	s22 =	simm.s32 $0x1BFF;
	s21 =	sshll.u32 s6, $0x1;
	s3 =	sadd.s32 s19, s18  }
0xa2: {  	s7 =	simm.s32 $0x0;
	s20 =	sshll.u32 s5, $0x1;
	s5 =	sadd.s32 s21, s3  }
0xa3: {  	[timem:s7], [sflag:s22] =	dma.local [hbm:s5], s20  }
0xa4: {  	_ =	swait.ge [sflag:s22], s20  }
0xa5: {  	s4 =	ssub.s32 $0x0, s20;
	[sflag:s22] =	ssyncset.done $0x0  }
0xa6: {  	[sflag:s22] =	ssyncadd.s32 s4;
	_ =	sdelay $0x1  }
0xa7: {  	s23 =	simm.s32 $0x1B8B  }
0xa8: {  	_ =	swait.ge [sflag:s23], $0x1  }
0xa9: {  	[sflag:s23] =	ssyncset.done $0x0  }
0xaa: {  	s25 =	simm.s32 $0x1B8E;
	s24 =	sld [smem:$0x3FFE];
	[sflag:s23] =	ssyncadd.s32 $0xFFFFFFFF  }
0xab: {  	s26 =	simm.s32 $execute0_lowered;
	[smem:$0x3FD2] =	sst s25  }
0xac: {  	s5 =	sshll.u32 s26, $0x1;
	_ =	strace $0x80000046;
	[dreg:$0x1] =	wrdreg $0xFFFFFFFF  }
0xad: {  	s28 =	simm.s32 $_size_execute0_lowered;
	s3 =	sadd.s32 s3, s5;
	[dreg:$0x0] =	wrdreg $0x0  }
0xae: {  	s5 =	sshll.u32 s28, $0x1;
	[dreg:$0x2] =	wrdreg s3  }
0xaf: {  	[dreg:$0x3] =	wrdreg s5  }
0xb0: {  	[dreg:$0x4] =	wrdreg $0xC0  }
0xb1: {  	_ =	task [dreg:s7], $0x5FFFF  }
0xb2: {  	[dreg:$0x1] =	wrdreg $0xFFFFFFFF  }
0xb3: {  	[dreg:$0x0] =	wrdreg $0x60  }
0xb4: {  	[dreg:$0x2] =	wrdreg s16  }
0xb5: {  	[dreg:$0x3] =	wrdreg s24  }
0xb6: {  	[dreg:$0x4] =	wrdreg $0x8E800  }
0xb7: {  	[dreg:$0x5] =	wrdreg $0x12CC00  }
0xb8: {  	[dreg:$0x6] =	wrdreg $0x9  }
0xb9: {  	_ =	task.clear_ibuf [dreg:s7], $0x7FFFF;
	_ =	strace $0x90000046  }
0xba: {  	s29 =	simm.s32 $0x9;
	_ =	strace $0x80000048  }
0xbb: {  	_ =	swait.ge [sflag:s29], $0x1  }
0xbc: {  	[sflag:s29] =	ssyncadd.s32 $0xFFFFFFFF  }
0xbd: {  	_ =	strace $0x90000048  }
0xbe: {  	_ =	sfence  }
0xbf: {  	s30 =	sld [smem:$0x0];
	_ =	sdelay $0x2  }
0xc0: {  	s31 =	sshll.u32 s1, $0xD;
	s1 =	sshrl.u32 s1, $0x2  }
0xc1: {  	s3 =	sand.u32 $0x4000, s31;
	s1 =	sadd.s32 s1, s30  }
0xc2: {  	s0 =	sor.u32 s3, s0;
	s1 =	sshll.u32 s1, $0x11  }
0xc3: {  	s0 =	sor.u32 s1, s0  }
0xc4: {  	s0 =	sadd.s32 $0x8F2B, s0  }
0xc5: {  	[sflag:s0] =	ssyncadd.remote.s32 $0x1  }
0xc6: {  	_ =	sfence.sel $0xFFFF  }
0xc7: {  	[dreg:$0x0] =	wrdreg $0xFFFFFFFF;
	(pc) =	sbr.abs _section_cstart, $3  }
0xc8: {  	[dreg:$0x1] =	wrdreg $0xFFFFFFFF  }
0xc9: {  	_ =	task.clear_ibuf [dreg:s7], $0x2FFFF;
	_ =	strace $0x9FFFFFFF  }
0xca: {  	(tm) =	ssettm $0x7FFFFFFF  }
0xcb: {  	_ =	shalt  }
tec
execute0_lowered:
.L_overlay_start_1:
0x0: {  	(tag) =	ssettag $0x1  }
0x1: {  	s7 =	rddreg [dreg:$0x0]  }
0x2: {  	s5 =	rddreg [dreg:$0x1]  }
0x3: {  	s0 =	stileid.u32;
	s2 =	rddreg [dreg:$0x2]  }
0x4: {  	s1 =	srdreg.scid;
	s3 =	rddreg [dreg:$0x3];
	s20 =	simm.s32 $0x5280  }
0x5: {  	s21 =	simm.s32 $0x78;
	s22 =	simm.s32 $0x7080;
	s4 =	smul.u32 $0x50, s0  }
0x6: {  	s23 =	simm.s32 $0x1;
	s24 =	simm.s32 $0x0;
	s6 =	smul.u32 $0x58, s0  }
0x7: {  	s8 =	sand.u32 $0x1, s1;
	s11 =	smul.u32 $0x9C00, s0;
	s13 =	sadd.s32 $0x17000, s5  }
0x8: {  	s30 =	sshll.u32 s0, $0x6;
	s17 =	sadd.s32 $0x9C000, s2;
	s19 =	sadd.s32 $0x9C000, s3  }
0x9: {  	p0 =	seq.s32 s8, $0x0;
	s28 =	ssub.s32 $0x2, s8;
	s18 =	smul.u32 $0x9C400, s8  }
0xa: {  	s9 =	sadd.s32 $0x580, s4;
	s4 =	simm.s32 $0x0;
	s10 =	sshrl.u32 s28, $0x1  }
0xb: {  	s15 =	sadd.s32 s11, s2;
	s29 =	sshrl.u32 s11, $0x3;
	s16 =	sadd.s32 s11, s3  }
0xc: {  	s9 =	smov.u32 @p0 s6;
	[smem:$0x7FF] =	sst s4;
	s14 =	ssub.s32 s28, s10  }
0xd: {  	s10 =	simm.s32 $0x2B;
	s11 =	sadd.s32 s11, s18;
	s31 =	sshrl.u32 s18, $0x3  }
0xe: {  	s16 =	sshrl.u32 s16, $0x3;
	s6 =	smul.u32 $0xF, s9;
	_ =	strace $0x80000047  }
0xf: {  	s10 =	simm.s32 @!p0 $0x27;
	s11 =	sshrl.u32 s11, $0x3;
	p0 =	sne.s32 s0, $0xF  }
0x10: {  	s11 =	sadd.s32 s13, s11;
	s17 =	sshrl.u32 @!p0 s17, $0x3;
	s18 =	sshrl.u32 @!p0 s19, $0x3  }
0x11: {  	s19 =	simm.s32 $0x2940;
	s12 =	sadd.s32 s6, s5;
	s5 =	sadd.s32 s7, s29  }
0x12: {  	s6 =	sor.u32 $0x1C02, s30;
	s7 =	sadd.s32 $0x13800, s7;
	s8 =	sadd.s32 $0xD200, s12  }
0x13: {  	s9 =	sadd.s32 $0x3400, s12;
	s12 =	sadd.s32 s13, s31;
	s13 =	smax.u32 s14, $0x1  }
0x14: {  	s14 =	sshrl.u32 s15, $0x3;
	s15 =	simm.s32 $0x2;
	s12 =	sadd.s32 $0x13800, s12  }
.LBB2_1:
0x15: {  	[spmem:s14], [sflag:s6] =	dma.local [hbm:s5], $0x1380  }
0x16: {  	_ =	swait.ge [sflag:s15], $0x1380  }
0x17: {  	[sflag:s15] =	ssyncset.done $0x0  }
0x18: {  	[sflag:s15] =	ssyncadd.s32 $0xFFFFEC80  }
0x19: {  	[spmem:s16], [sflag:s6] =	dma.local [hbm:s5], $0x1380  }
0x1a: {  	_ =	swait.ge [sflag:s15], $0x1380  }
0x1b: {  	[sflag:s15] =	ssyncset.done $0x0  }
0x1c: {  	s25 =	simm.s32 @!p0 $0x2;
	[sflag:s15] =	ssyncadd.s32 $0xFFFFEC80  }
0x1d: {  	[spmem:s17], [sflag:s6] =	dma.local @!p0 [hbm:s7], $0x80  }
0x1e: {  	_ =	swait.ge @!p0 [sflag:s25], $0x80  }
0x1f: {  	[sflag:s25] =	ssyncset.done @!p0 $0x0  }
0x20: {  	[sflag:s25] =	ssyncadd.s32 @!p0 $0xFFFFFF80  }
0x21: {  	[spmem:s18], [sflag:s6] =	dma.local @!p0 [hbm:s7], $0x80  }
0x22: {  	_ =	swait.ge @!p0 [sflag:s25], $0x80  }
0x23: {  	[sflag:s25] =	ssyncset.done @!p0 $0x0  }
0x24: {  	[sflag:s25] =	ssyncadd.s32 @!p0 $0xFFFFFF80  }
0x25: {  	[tilespmem:s4], [sflag:$0x2] =	stream.linear.gather [hbm4b:s8+s4], $0x2940, $0x38;
	[tilespmem:$0x1C900] =	vst v63  }
0x26: {  	_ =	swait.ge [sflag:s15], $0x2940  }
0x27: {  	[sflag:s15] =	ssyncset.done $0x0  }
0x28: {  	[sflag:s15] =	ssyncadd.s32 $0xFFFFD6C0  }
0x29: {  	[tilespmem:s19], [sflag:$0x2] =	stream.linear.gather [hbm4b:s9+s4], $0x2940, $0x38;
	[tilespmem:$0x1C900] =	vst v63  }
0x2a: {  	_ =	swait.ge [sflag:s15], $0x2940  }
0x2b: {  	[sflag:s15] =	ssyncset.done $0x0  }
0x2c: {  	[sflag:s15] =	ssyncadd.s32 $0xFFFFD6C0  }
0x2d: {  	[bflag:$0x0] =	sbarrier.arrive $0xFFFF  }
0x2e: {  	[tilespmem:s20], [sflag:$0x1] =	stream.indirect.gather [spmem:s3], $0x40, s4, s21, $0xb8;
	[tilespmem:$0x1C900] =	vst v63  }
0x2f: {  	_ = 	snop  }
0x30: {  	[tilespmem:s22], [sflag:$0x1] =	stream.indirect.gather [spmem:s3], $0x40, s21, s21, $0xb8;
	[tilespmem:$0x1C900] =	vst v63  }
0x31: {  	_ =	swait.ge [sflag:s23], $0x1E00  }
0x32: {  	[sflag:s23] =	ssyncset.done $0x0  }
0x33: {  	s26 =	simm.s32 $0x2940;
	[sflag:s23] =	ssyncadd.s32 $0xFFFFE200  }
0x34: {  	[spmem:s2] =	stream.indirect.scatter.add.f32 [tilespmem:s20], [sflag:$0x2], $0x40, s26, s21, $0xb8;
	[tilespmem:$0x1C900] =	vst v63  }
0x35: {  	_ =	swait.ge [sflag:s15], $0x1E00  }
0x36: {  	[sflag:s15] =	ssyncset.done $0x0  }
0x37: {  	s1 =	simm.s32 $0xF0;
	[sflag:s15] =	ssyncadd.s32 $0xFFFFE200  }
0x38: {  	[tilespmem:s20], [sflag:$0x1] =	stream.indirect.gather [spmem:s3], $0x40, s1, s21, $0xb8;
	[tilespmem:$0x1C900] =	vst v63  }
0x39: {  	p1 =	sne.s32 s10, $0x1;
	_ =	swait.ge [sflag:s23], $0x1E00  }
.Ltmp0:
0x3a: {  	[sflag:s23] =	ssyncset.done $0x0;
	(pc) =	sbr.rel @!p1 .LBB2_3-.Ltmp0, $4  }
0x3b: {  	s26 =	simm.s32 $0x29B8;
	[sflag:s23] =	ssyncadd.s32 $0xFFFFE200  }
0x3c: {  	[spmem:s2] =	stream.indirect.scatter.add.f32 [tilespmem:s22], [sflag:$0x2], $0x40, s26, s21, $0xb8;
	[tilespmem:$0x1C900] =	vst v63  }
0x3d: {  	s28 =	simm.s32 $0x1;
	s31 =	simm.s32 $0x168;
	_ =	swait.ge [sflag:s15], $0x1E00  }
0x3e: {  	s29 =	simm.s32 $0x78;
	s30 =	simm.s32 $0x29B8;
	[sflag:s15] =	ssyncset.done $0x0  }
.LBB2_2:
0x3f: {  	s30 =	smov.u32 s26;
	s29 =	smov.u32 s31  }
0x40: {  	s28 =	sadd.s32 $0x1, s28;
	s26 =	sadd.s32 $0xF0, s26;
	[sflag:s15] =	ssyncadd.s32 $0xFFFFE200  }
0x41: {  	[tilespmem:s22], [sflag:$0x1] =	stream.indirect.gather [spmem:s3], $0x40, s31, s21, $0xb8;
	[tilespmem:$0x1C900] =	vst v63  }
0x42: {  	p1 =	sne.s32 s10, s28;
	_ =	swait.ge [sflag:s23], $0x1E00  }
0x43: {  	[sflag:s23] =	ssyncset.done $0x0  }
0x44: {  	s1 =	sadd.s32 $0xFFFFFF88, s26;
	[sflag:s23] =	ssyncadd.s32 $0xFFFFE200  }
0x45: {  	[spmem:s2] =	stream.indirect.scatter.add.f32 [tilespmem:s20], [sflag:$0x2], $0x40, s1, s21, $0xb8;
	[tilespmem:$0x1C900] =	vst v63  }
0x46: {  	_ =	swait.ge [sflag:s15], $0x1E00  }
0x47: {  	[sflag:s15] =	ssyncset.done $0x0  }
0x48: {  	s1 =	sadd.s32 $0x78, s31;
	[sflag:s15] =	ssyncadd.s32 $0xFFFFE200  }
0x49: {  	[tilespmem:s20], [sflag:$0x1] =	stream.indirect.gather [spmem:s3], $0x40, s1, s21, $0xb8;
	[tilespmem:$0x1C900] =	vst v63  }
0x4a: {  	_ =	swait.ge [sflag:s23], $0x1E00  }
.Ltmp1:
0x4b: {  	[sflag:s23] =	ssyncset.done $0x0;
	(pc) =	sbr.rel @p1 .LBB2_2-.Ltmp1, $4  }
0x4c: {  	[sflag:s23] =	ssyncadd.s32 $0xFFFFE200  }
0x4d: {  	[spmem:s2] =	stream.indirect.scatter.add.f32 [tilespmem:s22], [sflag:$0x2], $0x40, s26, s21, $0xb8;
	[tilespmem:$0x1C900] =	vst v63  }
0x4e: {  	_ =	swait.ge [sflag:s15], $0x1E00  }
0x4f: {  	s31 =	sadd.s32 $0xF0, s31;
	[sflag:s15] =	ssyncset.done $0x0  }
.LBB2_3:
0x50: {  	[sflag:s15] =	ssyncadd.s32 $0xFFFFE200  }
0x51: {  	[tilespmem:s22], [sflag:$0x1] =	stream.indirect.gather [spmem:s3], $0x40, s31, s21, $0xb8;
	[tilespmem:$0x1C900] =	vst v63  }
0x52: {  	_ =	swait.ge [sflag:s23], $0x1E00  }
0x53: {  	[sflag:s23] =	ssyncset.done $0x0  }
0x54: {  	s1 =	sadd.s32 $0x78, s30;
	[sflag:s23] =	ssyncadd.s32 $0xFFFFE200  }
0x55: {  	[spmem:s2] =	stream.indirect.scatter.add.f32 [tilespmem:s20], [sflag:$0x2], $0x40, s1, s21, $0xb8;
	[tilespmem:$0x1C900] =	vst v63  }
0x56: {  	p1 =	sge.u32 s28, s10;
	_ =	swait.ge [sflag:s15], $0x1E00  }
0x57: {  	s28 =	simm.s32 @!p1 $0x78;
	[sflag:s15] =	ssyncset.done $0x0  }
0x58: {  	s1 =	sadd.s32 @!p1 $0x168, s29;
	s29 =	simm.s32 @!p1 $0x5280;
	[sflag:s15] =	ssyncadd.s32 $0xFFFFE200  }
0x59: {  	[tilespmem:s29], [sflag:$0x1] =	stream.indirect.gather @!p1 [spmem:s3], $0x40, s1, s28, $0xb8;
	[tilespmem:$0x1C900] =	vst v63  }
0x5a: {  	_ =	swait.ge [sflag:s23], $0x1E00  }
0x5b: {  	[sflag:s23] =	ssyncset.done $0x0  }
0x5c: {  	s31 =	sadd.s32 $0xF0, s26;
	[sflag:s23] =	ssyncadd.s32 $0xFFFFE200  }
0x5d: {  	[spmem:s2] =	stream.indirect.scatter.add.f32 [tilespmem:s22], [sflag:$0x2], $0x40, s31, s21, $0xb8;
	[tilespmem:$0x1C900] =	vst v63  }
0x5e: {  	_ =	swait.ge [sflag:s15], $0x1E00  }
0x5f: {  	[sflag:s15] =	ssyncset.done $0x0  }
0x60: {  	[sflag:s15] =	ssyncadd.s32 $0xFFFFE200  }
0x61: {  	[bflag:$0x0] =	sbarrier.arrive $0xFFFF  }
0x62: {  	[hbm:s11], [sflag:s6] =	dma.local [spmem:s14], $0x1380  }
0x63: {  	s24 =	sadd.s32 $0x1, s24;
	_ =	swait.ge [sflag:s15], $0x1380  }
0x64: {  	p1 =	sne.s32 s24, s13;
	[sflag:s15] =	ssyncset.done $0x0  }
.Ltmp2:
0x65: {  	[sflag:s15] =	ssyncadd.s32 $0xFFFFEC80;
	(pc) =	sbr.rel @p1 .LBB2_1-.Ltmp2, $4  }
0x66: {  	[hbm:s12], [sflag:s6] =	dma.local @!p0 [spmem:s17], $0x80  }
0x67: {  	_ =	swait.ge @!p0 [sflag:s25], $0x80  }
0x68: {  	[sflag:s25] =	ssyncset.done @!p0 $0x0  }
0x69: {  	[sflag:s25] =	ssyncadd.s32 @!p0 $0xFFFFFF80  }
0x6a: {  	_ =	sfence.sel $0x180000  }
0x6b: {  	[bflag:$0x0] =	sbarrier.arrive $0xFFFF  }
0x6c: {  	_ =	strace $0x90000047  }
0x6d: {  	[bflag:$0x2] =	sbarrier.arrive $0xFFFF  }
0x6e: {  	p0 =	sne.s32 s0, $0x0;
	s0 =	rddreg [dreg:$0x4]  }
0x6f: {  	s0 =	sadd.s32 @!p0 $0x100000, s0  }
0x70: {  	[sflag:s0] =	ssyncadd.tile.s32 @!p0 $0x1;
	_ =	shalt  }
.Lfunc_end2:
_tile_overlayer_lowered:
.L_overlay_start_2:
0x71: {  	(tag) =	ssettag $0x2  }
0x72: {  	s0 =	rddreg [dreg:$0x0];
	s2 =	stileid.u32  }
0x73: {  	s1 =	rddreg [dreg:$0x1];
	p0 =	sne.s32 s2, $0x0  }
0x74: {  	s3 =	rddreg [dreg:$0x2];
	[bflag:$0x3] =	sbarrier.arrive $0xFFFF;
	s2 =	simm.s32 @!p0 $0x1C02  }
0x75: {  	[timem:s3], [sflag:s2] =	dma.local @!p0 [hbm:s0], s1  }
0x76: {  	s0 =	simm.s32 @!p0 $0x2  }
0x77: {  	_ =	swait.ge @!p0 [sflag:s0], s1  }
0x78: {  	s1 =	ssub.s32 @!p0 $0x0, s1;
	[sflag:s0] =	ssyncset.done @!p0 $0x0  }
0x79: {  	[sflag:s0] =	ssyncadd.s32 @!p0 s1  }
0x7a: {  	[bflag:$0x3] =	sbarrier.arrive $0xFFFF  }
0x7b: {  	_ =	shalt  }

</sc_bundles>
